<compile_context>
chip_gen: v7x
topology: tpu7x:2x2x1
jax: 0.10.2.dev20260603
libtpu: 0.0.44.dev20260713+nightly
codegen_flags: <defaults>
</compile_context>

<pallas_src>
import functools

import jax
import jax.numpy as jnp
from jax import lax
from jax.experimental import pallas as pl
from jax.experimental.pallas import tpu as pltpu
from jax.experimental.pallas import tpu_sc as plsc

N_PAD = 10240
NC, NS = 2, 16
NW = NC * NS
CHUNK = 128
BLK = 128
HIDDEN = 128



BIG = 256
WROWS = 24


def _make_agg(nb, d, tc_tiling=True, windowed=False):
    mesh = plsc.VectorSubcoreMesh(core_axis_name="c", subcore_axis_name="s")
    rows_per_tile = N_PAD // NS
    nz = rows_per_tile // CHUNK
    wr = WROWS if windowed else nb
    assert (not windowed) or (WROWS < nb <= 2 * WROWS and (nb - WROWS) % 8 == 0)

    @functools.partial(
        pl.kernel,
        mesh=mesh,
        out_type=jax.ShapeDtypeStruct((NC, N_PAD, d), jnp.float32),
        scratch_types=[
            pltpu.VMEM((wr, BIG), jnp.int32),
            pltpu.VMEM((wr, BIG), jnp.int32),
            pltpu.VMEM((BIG, d), jnp.float32),
            pltpu.VMEM_SHARED((N_PAD, d), jnp.float32),
        ],
        compiler_params=pltpu.CompilerParams(use_tc_tiling_on_sc=tc_tiling),
    )
    def agg(table_hbm, src_hbm, dst_hbm, zeros_hbm, out_hbm,
            src_v, dst_v, rows_v, acc_sh):
        c = lax.axis_index("c")
        s = lax.axis_index("s")
        wid = s * NC + c
        base = s * rows_per_tile
        for k in range(nz):
            pltpu.sync_copy(zeros_hbm, acc_sh.at[pl.ds(base + k * CHUNK, CHUNK)])
        plsc.subcore_barrier()

        def run(off, n):
            def body(jj, carry):
                j = off + jj
                pltpu.sync_copy(table_hbm.at[src_v.at[j]], rows_v)
                pltpu.sync_copy(rows_v, acc_sh.at[dst_v.at[j]], add=True)
                return carry
            lax.fori_loop(0, n, body, 0)

        if windowed:
            lo2 = nb - WROWS
            pltpu.sync_copy(src_hbm.at[wid, pl.ds(0, WROWS)], src_v)
            pltpu.sync_copy(dst_hbm.at[wid, pl.ds(0, WROWS)], dst_v)
            run(0, WROWS)
            pltpu.sync_copy(src_hbm.at[wid, pl.ds(lo2, WROWS)], src_v)
            pltpu.sync_copy(dst_hbm.at[wid, pl.ds(lo2, WROWS)], dst_v)
            run(2 * WROWS - nb, nb - WROWS)
        else:
            pltpu.sync_copy(src_hbm.at[wid], src_v)
            pltpu.sync_copy(dst_hbm.at[wid], dst_v)
            run(0, nb)

        plsc.subcore_barrier()
        pltpu.sync_copy(acc_sh.at[pl.ds(base, rows_per_tile)],
                        out_hbm.at[c, pl.ds(base, rows_per_tile)])

    return agg



def _row_spec(d):
    return pl.BlockSpec((BLK, d), lambda i: (i, 0))


def _full_spec(shape):
    return pl.BlockSpec(shape, lambda i: tuple(0 for _ in shape))


def _prep(h0, h1):
    def body(h0_ref, h1_ref, dinv_ref, a_ref):
        pid = pl.program_id(0)
        deg = h0_ref[...] + h1_ref[...] + 1.0
        dinv = lax.rsqrt(deg)
        rowid = (lax.broadcasted_iota(jnp.int32, (BLK, 1), 0)
                 + pid * BLK).astype(jnp.float32)
        dinv_ref[...] = dinv
        a_ref[...] = jnp.broadcast_to(dinv * rowid, (BLK, 16))

    return pl.pallas_call(
        body,
        grid=(N_PAD // BLK,),
        in_specs=[_row_spec(1), _row_spec(1)],
        out_specs=[_row_spec(1), _row_spec(16)],
        out_shape=[jax.ShapeDtypeStruct((N_PAD, 1), jnp.float32),
                   jax.ShapeDtypeStruct((N_PAD, 16), jnp.float32)],
    )(h0, h1)


def _leaky(x):
    return jnp.where(x >= 0, x, 0.01 * x)


def _layer12(S0, S1, a, dinv, W1, b1, W2):
    def body(S0_ref, S1_ref, a_ref, dinv_ref, W1_ref, b1_ref, W2_ref, g2_ref):
        Ssum = S0_ref[...] + S1_ref[...] + a_ref[...]
        t = dinv_ref[...] * Ssum
        h1 = _leaky(t * W1_ref[...] + b1_ref[...])
        g2_ref[...] = dinv_ref[...] * jnp.dot(
            h1, W2_ref[...], preferred_element_type=jnp.float32)

    return pl.pallas_call(
        body,
        grid=(N_PAD // BLK,),
        in_specs=[_row_spec(1), _row_spec(1), _row_spec(1), _row_spec(1),
                  _full_spec((1, HIDDEN)), _full_spec((1, HIDDEN)),
                  _full_spec((HIDDEN, HIDDEN))],
        out_specs=_row_spec(HIDDEN),
        out_shape=jax.ShapeDtypeStruct((N_PAD, HIDDEN), jnp.float32),
    )(S0, S1, a, dinv, W1, b1, W2)


def _mid(P0, P1, g, dinv, b, W, d_out):
    def body(P0_ref, P1_ref, g_ref, dinv_ref, b_ref, W_ref, out_ref):
        agg = P0_ref[...] + P1_ref[...] + g_ref[...]
        h = _leaky(dinv_ref[...] * agg + b_ref[...])
        out_ref[...] = dinv_ref[...] * jnp.dot(
            h, W_ref[...], preferred_element_type=jnp.float32)

    return pl.pallas_call(
        body,
        grid=(N_PAD // BLK,),
        in_specs=[_row_spec(HIDDEN), _row_spec(HIDDEN), _row_spec(HIDDEN),
                  _row_spec(1), _full_spec((1, HIDDEN)),
                  _full_spec((HIDDEN, d_out))],
        out_specs=_row_spec(d_out),
        out_shape=jax.ShapeDtypeStruct((N_PAD, d_out), jnp.float32),
    )(P0, P1, g, dinv, b, W)


def _final(P0, P1, g, dinv, b, d_out):
    def body(P0_ref, P1_ref, g_ref, dinv_ref, b_ref, out_ref):
        z = dinv_ref[...] * (P0_ref[...] + P1_ref[...] + g_ref[...]) + b_ref[...]
        m = jnp.max(z, axis=1, keepdims=True)
        e = jnp.exp(z - m)
        out_ref[...] = e / jnp.sum(e, axis=1, keepdims=True)

    return pl.pallas_call(
        body,
        grid=(N_PAD // BLK,),
        in_specs=[_row_spec(d_out), _row_spec(d_out), _row_spec(d_out),
                  _row_spec(1), _full_spec((1, d_out))],
        out_specs=_row_spec(d_out),
        out_shape=jax.ShapeDtypeStruct((N_PAD, d_out), jnp.float32),
    )(P0, P1, g, dinv, b)



def kernel(x, edge_index, W1, b1, W2, b2, W3, b3, W4, b4):
    n = x.shape[0]
    e = edge_index.shape[1]
    n_classes = W4.shape[1]

    src = edge_index[0].astype(jnp.int32)
    dst = edge_index[1].astype(jnp.int32)
    nb = -(-e // (NW * BIG))
    nb = -(-nb // 8) * 8
    tot = NW * nb * BIG
    src_p = jnp.concatenate([src, jnp.full((tot - e,), n, jnp.int32)])
    dst_p = jnp.concatenate([dst, jnp.full((tot - e,), n + 16, jnp.int32)])
    src3 = src_p.reshape(NW, nb, BIG)
    dst3 = dst_p.reshape(NW, nb, BIG)

    z16 = jnp.zeros((CHUNK, n_classes), jnp.float32)
    z128 = jnp.zeros((CHUNK, HIDDEN), jnp.float32)
    ones16 = jnp.ones((N_PAD, n_classes), jnp.float32)
    b1r, b2r, b3r = (b.reshape(1, -1) for b in (b1, b2, b3))
    b4r = b4.reshape(1, -1)

    agg16 = _make_agg(nb, n_classes, tc_tiling=False)
    agg128 = _make_agg(nb, HIDDEN, tc_tiling=False, windowed=True)

    hist = agg16(ones16, src3, dst3, z16)
    dinv, a = _prep(hist[0, :, :1], hist[1, :, :1])
    S = agg16(a, src3, dst3, z16)
    g2 = _layer12(S[0, :, :1], S[1, :, :1], a[:, :1], dinv, W1, b1r, W2)
    P = agg128(g2, src3, dst3, z128)
    g3 = _mid(P[0], P[1], g2, dinv, b2r, W3, HIDDEN)
    P = agg128(g3, src3, dst3, z128)
    g4 = _mid(P[0], P[1], g3, dinv, b3r, W4, n_classes)
    P = agg16(g4, src3, dst3, z16)
    out = _final(P[0], P[1], g4, dinv, b4r, n_classes)
    return out[:n]

# --- scband reference (transcript-rebuilt; emitter-appended) ---
"""Pipeline reference for scband-gnngraph-coloring-33268816675177 (READ-ONLY COPY).

The authoritative reference and input builder live on the scoring server;
editing this copy changes nothing except your own understanding.
"""

import jax, jax.numpy as jnp
import numpy as np

N_NODES = 10000
N_EDGES = 320000
HIDDEN = 128
NUM_CLASSES = 16


def setup_inputs(seed: int = 0) -> dict:
    key = jax.random.key(seed)
    ks = jax.random.split(key, 16)
    x = jax.random.normal(ks[0], (N_NODES, 1), dtype=jnp.float32)
    edge_index = jax.random.randint(ks[1], (2, N_EDGES), 0, N_NODES, dtype=jnp.int64)
    # GCNConv weights (glorot-ish scale)
    def glorot(k, fan_in, fan_out):
        s = jnp.sqrt(6.0 / (fan_in + fan_out))
        return jax.random.uniform(k, (fan_in, fan_out), minval=-s, maxval=s, dtype=jnp.float32)
    W1 = glorot(ks[2], 1, HIDDEN)
    b1 = jnp.zeros((HIDDEN,), dtype=jnp.float32)
    W2 = glorot(ks[3], HIDDEN, HIDDEN)
    b2 = jnp.zeros((HIDDEN,), dtype=jnp.float32)
    W3 = glorot(ks[4], HIDDEN, HIDDEN)
    b3 = jnp.zeros((HIDDEN,), dtype=jnp.float32)
    W4 = glorot(ks[5], HIDDEN, NUM_CLASSES)
    b4 = jnp.zeros((NUM_CLASSES,), dtype=jnp.float32)
    return {"x": x, "edge_index": edge_index,
            "W1": W1, "b1": b1, "W2": W2, "b2": b2,
            "W3": W3, "b3": b3, "W4": W4, "b4": b4}


def _gcn_conv(x, src, dst, norm, W, b, num_nodes):
    # x' = D^{-1/2} (A + I) D^{-1/2} (x W) + b  (PyG GCNConv default)
    h = x @ W
    msg = h[src] * norm[:, None]
    out = jax.ops.segment_sum(msg, dst, num_segments=num_nodes)
    return out + b


def _build_norm(edge_index, num_nodes):
    loops = jnp.arange(num_nodes, dtype=edge_index.dtype)
    src = jnp.concatenate([edge_index[0], loops])
    dst = jnp.concatenate([edge_index[1], loops])
    deg = jax.ops.segment_sum(jnp.ones_like(dst, dtype=jnp.float32), dst,
                              num_segments=num_nodes)
    dinv = jnp.where(deg > 0, jax.lax.rsqrt(deg), 0.0)
    norm = dinv[src] * dinv[dst]
    return src, dst, norm


def reference(x, edge_index, W1, b1, W2, b2, W3, b3, W4, b4):
    num_nodes = x.shape[0]
    # forward overwrites x with arange node ids
    h = jnp.arange(0, num_nodes, dtype=jnp.float32)[:, None]
    src, dst, norm = _build_norm(edge_index, num_nodes)
    h = _gcn_conv(h, src, dst, norm, W1, b1, num_nodes)
    h = jax.nn.leaky_relu(h, negative_slope=0.01)
    h = _gcn_conv(h, src, dst, norm, W2, b2, num_nodes)
    h = jax.nn.leaky_relu(h, negative_slope=0.01)
    h = _gcn_conv(h, src, dst, norm, W3, b3, num_nodes)
    h = jax.nn.leaky_relu(h, negative_slope=0.01)
    h = _gcn_conv(h, src, dst, norm, W4, b4, num_nodes)
    return jax.nn.softmax(h, axis=-1)

if __name__ == "__main__":
    import jax
    _d = setup_inputs()
    print(jax.jit(kernel)(*tuple(_d.values())))

</pallas_src>

<mosaic_0001>
#map = affine_map<(d0, d1) -> (0, 0)>
#map1 = affine_map<(d0, d1) -> (0, 0, 0)>
module attributes {stable_mosaic.version = 14 : i64} {
  func.func @agg(%arg0: i32, %arg1: i32, %arg2: memref<10240x128xf32, #tpu.memory_space<hbm>>, %arg3: memref<32x40x256xi32, #tpu.memory_space<hbm>>, %arg4: memref<32x40x256xi32, #tpu.memory_space<hbm>>, %arg5: memref<128x128xf32, #tpu.memory_space<hbm>>, %arg6: memref<2x10240x128xf32, #tpu.memory_space<hbm>>, %arg7: memref<24x256xi32, #tpu.memory_space<vmem>>, %arg8: memref<24x256xi32, #tpu.memory_space<vmem>>, %arg9: memref<256x128xf32, #tpu.memory_space<vmem>>, %arg10: memref<10240x128xf32, #tpu.memory_space<vmem_shared>>) attributes {dimension_semantics = [#tpu.dimension_semantics<core_parallel>, #tpu.dimension_semantics<subcore_parallel>], iteration_bounds = array<i64: 2, 16>, scalar_prefetch = 0 : i64, scratch_operands = 4 : i64, tpu.core_type = #tpu.core_type<sc_vector_subcore>, window_params = [{transform_indices = #map}, {transform_indices = #map1}, {transform_indices = #map1}, {transform_indices = #map}, {transform_indices = #map1}]} {
    %mul3A = arith.constant 2 : i32
    %mul3A_0 = arith.muli %arg1, %mul3A : i32
    %add3A = arith.addi %mul3A_0, %arg0 : i32
    %mul3A_1 = arith.constant 640 : i32
    %mul3A_2 = arith.muli %arg1, %mul3A_1 : i32
    %add3A_3 = arith.constant 0 : i32
    %add3A_4 = arith.addi %mul3A_2, %add3A_3 : i32
    "tpu.region"() ({
      %run_scoped3A = tpu.sem_alloc : memref<!tpu.dma_semaphore, #tpu.memory_space<semaphore_mem>>
      %dma_start3A = arith.constant 0 : i32
      %dma_start3A_25 = tpu.memref_slice %arg10[%add3A_4, %dma_start3A] : memref<10240x128xf32, #tpu.memory_space<vmem_shared>> -> memref<128x128xf32, #tpu.memory_space<vmem_shared>>
      tpu.enqueue_dma source(%arg5 : memref<128x128xf32, #tpu.memory_space<hbm>>) target(%dma_start3A_25 : memref<128x128xf32, #tpu.memory_space<vmem_shared>>) target_semaphore(%run_scoped3A : memref<!tpu.dma_semaphore, #tpu.memory_space<semaphore_mem>>)
      %dma_wait3A = arith.constant 0 : i32
      %dma_wait3A_26 = tpu.memref_slice %arg10[%add3A_4, %dma_wait3A] : memref<10240x128xf32, #tpu.memory_space<vmem_shared>> -> memref<128x128xf32, #tpu.memory_space<vmem_shared>>
      tpu.wait_dma2 semaphore(%run_scoped3A : memref<!tpu.dma_semaphore, #tpu.memory_space<semaphore_mem>>) src(%arg5 : memref<128x128xf32, #tpu.memory_space<hbm>>) dst(%dma_wait3A_26 : memref<128x128xf32, #tpu.memory_space<vmem_shared>>)
      tpu.yield
    }) : () -> ()
    %add3A_5 = arith.constant 128 : i32
    %add3A_6 = arith.addi %mul3A_2, %add3A_5 : i32
    "tpu.region"() ({
      %run_scoped3A = tpu.sem_alloc : memref<!tpu.dma_semaphore, #tpu.memory_space<semaphore_mem>>
      %dma_start3A = arith.constant 0 : i32
      %dma_start3A_25 = tpu.memref_slice %arg10[%add3A_6, %dma_start3A] : memref<10240x128xf32, #tpu.memory_space<vmem_shared>> -> memref<128x128xf32, #tpu.memory_space<vmem_shared>>
      tpu.enqueue_dma source(%arg5 : memref<128x128xf32, #tpu.memory_space<hbm>>) target(%dma_start3A_25 : memref<128x128xf32, #tpu.memory_space<vmem_shared>>) target_semaphore(%run_scoped3A : memref<!tpu.dma_semaphore, #tpu.memory_space<semaphore_mem>>)
      %dma_wait3A = arith.constant 0 : i32
      %dma_wait3A_26 = tpu.memref_slice %arg10[%add3A_6, %dma_wait3A] : memref<10240x128xf32, #tpu.memory_space<vmem_shared>> -> memref<128x128xf32, #tpu.memory_space<vmem_shared>>
      tpu.wait_dma2 semaphore(%run_scoped3A : memref<!tpu.dma_semaphore, #tpu.memory_space<semaphore_mem>>) src(%arg5 : memref<128x128xf32, #tpu.memory_space<hbm>>) dst(%dma_wait3A_26 : memref<128x128xf32, #tpu.memory_space<vmem_shared>>)
      tpu.yield
    }) : () -> ()
    %add3A_7 = arith.constant 256 : i32
    %add3A_8 = arith.addi %mul3A_2, %add3A_7 : i32
    "tpu.region"() ({
      %run_scoped3A = tpu.sem_alloc : memref<!tpu.dma_semaphore, #tpu.memory_space<semaphore_mem>>
      %dma_start3A = arith.constant 0 : i32
      %dma_start3A_25 = tpu.memref_slice %arg10[%add3A_8, %dma_start3A] : memref<10240x128xf32, #tpu.memory_space<vmem_shared>> -> memref<128x128xf32, #tpu.memory_space<vmem_shared>>
      tpu.enqueue_dma source(%arg5 : memref<128x128xf32, #tpu.memory_space<hbm>>) target(%dma_start3A_25 : memref<128x128xf32, #tpu.memory_space<vmem_shared>>) target_semaphore(%run_scoped3A : memref<!tpu.dma_semaphore, #tpu.memory_space<semaphore_mem>>)
      %dma_wait3A = arith.constant 0 : i32
      %dma_wait3A_26 = tpu.memref_slice %arg10[%add3A_8, %dma_wait3A] : memref<10240x128xf32, #tpu.memory_space<vmem_shared>> -> memref<128x128xf32, #tpu.memory_space<vmem_shared>>
      tpu.wait_dma2 semaphore(%run_scoped3A : memref<!tpu.dma_semaphore, #tpu.memory_space<semaphore_mem>>) src(%arg5 : memref<128x128xf32, #tpu.memory_space<hbm>>) dst(%dma_wait3A_26 : memref<128x128xf32, #tpu.memory_space<vmem_shared>>)
      tpu.yield
    }) : () -> ()
    %add3A_9 = arith.constant 384 : i32
    %add3A_10 = arith.addi %mul3A_2, %add3A_9 : i32
    "tpu.region"() ({
      %run_scoped3A = tpu.sem_alloc : memref<!tpu.dma_semaphore, #tpu.memory_space<semaphore_mem>>
      %dma_start3A = arith.constant 0 : i32
      %dma_start3A_25 = tpu.memref_slice %arg10[%add3A_10, %dma_start3A] : memref<10240x128xf32, #tpu.memory_space<vmem_shared>> -> memref<128x128xf32, #tpu.memory_space<vmem_shared>>
      tpu.enqueue_dma source(%arg5 : memref<128x128xf32, #tpu.memory_space<hbm>>) target(%dma_start3A_25 : memref<128x128xf32, #tpu.memory_space<vmem_shared>>) target_semaphore(%run_scoped3A : memref<!tpu.dma_semaphore, #tpu.memory_space<semaphore_mem>>)
      %dma_wait3A = arith.constant 0 : i32
      %dma_wait3A_26 = tpu.memref_slice %arg10[%add3A_10, %dma_wait3A] : memref<10240x128xf32, #tpu.memory_space<vmem_shared>> -> memref<128x128xf32, #tpu.memory_space<vmem_shared>>
      tpu.wait_dma2 semaphore(%run_scoped3A : memref<!tpu.dma_semaphore, #tpu.memory_space<semaphore_mem>>) src(%arg5 : memref<128x128xf32, #tpu.memory_space<hbm>>) dst(%dma_wait3A_26 : memref<128x128xf32, #tpu.memory_space<vmem_shared>>)
      tpu.yield
    }) : () -> ()
    %add3A_11 = arith.constant 512 : i32
    %add3A_12 = arith.addi %mul3A_2, %add3A_11 : i32
    "tpu.region"() ({
      %run_scoped3A = tpu.sem_alloc : memref<!tpu.dma_semaphore, #tpu.memory_space<semaphore_mem>>
      %dma_start3A = arith.constant 0 : i32
      %dma_start3A_25 = tpu.memref_slice %arg10[%add3A_12, %dma_start3A] : memref<10240x128xf32, #tpu.memory_space<vmem_shared>> -> memref<128x128xf32, #tpu.memory_space<vmem_shared>>
      tpu.enqueue_dma source(%arg5 : memref<128x128xf32, #tpu.memory_space<hbm>>) target(%dma_start3A_25 : memref<128x128xf32, #tpu.memory_space<vmem_shared>>) target_semaphore(%run_scoped3A : memref<!tpu.dma_semaphore, #tpu.memory_space<semaphore_mem>>)
      %dma_wait3A = arith.constant 0 : i32
      %dma_wait3A_26 = tpu.memref_slice %arg10[%add3A_12, %dma_wait3A] : memref<10240x128xf32, #tpu.memory_space<vmem_shared>> -> memref<128x128xf32, #tpu.memory_space<vmem_shared>>
      tpu.wait_dma2 semaphore(%run_scoped3A : memref<!tpu.dma_semaphore, #tpu.memory_space<semaphore_mem>>) src(%arg5 : memref<128x128xf32, #tpu.memory_space<hbm>>) dst(%dma_wait3A_26 : memref<128x128xf32, #tpu.memory_space<vmem_shared>>)
      tpu.yield
    }) : () -> ()
    %barrier3A = arith.constant 0 : index
    tpu.barrier barrier_id(%barrier3A)
    "tpu.region"() ({
      %run_scoped3A = tpu.sem_alloc : memref<!tpu.dma_semaphore, #tpu.memory_space<semaphore_mem>>
      %dma_start3A = arith.constant 0 : i32
      %dma_start3A_25 = arith.constant 0 : i32
      %dma_start3A_26 = tpu.memref_slice %arg3[%add3A, %dma_start3A, %dma_start3A_25] : memref<32x40x256xi32, #tpu.memory_space<hbm>> -> memref<1x24x256xi32, #tpu.memory_space<hbm>>
      %dma_start3A_27 = tpu.memref_squeeze %dma_start3A_26 : memref<1x24x256xi32, #tpu.memory_space<hbm>> -> memref<24x256xi32, #tpu.memory_space<hbm>>
      %dma_start3A_28 = arith.constant 0 : i32
      %dma_start3A_29 = arith.constant 0 : i32
      %dma_start3A_30 = tpu.memref_slice %arg3[%add3A, %dma_start3A_28, %dma_start3A_29] : memref<32x40x256xi32, #tpu.memory_space<hbm>> -> memref<1x24x256xi32, #tpu.memory_space<hbm>>
      %dma_start3A_31 = tpu.memref_squeeze %dma_start3A_30 : memref<1x24x256xi32, #tpu.memory_space<hbm>> -> memref<24x256xi32, #tpu.memory_space<hbm>>
      tpu.enqueue_dma source(%dma_start3A_31 : memref<24x256xi32, #tpu.memory_space<hbm>>) target(%arg7 : memref<24x256xi32, #tpu.memory_space<vmem>>) target_semaphore(%run_scoped3A : memref<!tpu.dma_semaphore, #tpu.memory_space<semaphore_mem>>)
      %dma_wait3A = arith.constant 0 : i32
      %dma_wait3A_32 = arith.constant 0 : i32
      %dma_wait3A_33 = tpu.memref_slice %arg3[%add3A, %dma_wait3A, %dma_wait3A_32] : memref<32x40x256xi32, #tpu.memory_space<hbm>> -> memref<1x24x256xi32, #tpu.memory_space<hbm>>
      %dma_wait3A_34 = tpu.memref_squeeze %dma_wait3A_33 : memref<1x24x256xi32, #tpu.memory_space<hbm>> -> memref<24x256xi32, #tpu.memory_space<hbm>>
      %dma_wait3A_35 = arith.constant 0 : i32
      %dma_wait3A_36 = arith.constant 0 : i32
      %dma_wait3A_37 = tpu.memref_slice %arg3[%add3A, %dma_wait3A_35, %dma_wait3A_36] : memref<32x40x256xi32, #tpu.memory_space<hbm>> -> memref<1x24x256xi32, #tpu.memory_space<hbm>>
      %dma_wait3A_38 = tpu.memref_squeeze %dma_wait3A_37 : memref<1x24x256xi32, #tpu.memory_space<hbm>> -> memref<24x256xi32, #tpu.memory_space<hbm>>
      tpu.wait_dma2 semaphore(%run_scoped3A : memref<!tpu.dma_semaphore, #tpu.memory_space<semaphore_mem>>) src(%dma_wait3A_38 : memref<24x256xi32, #tpu.memory_space<hbm>>) dst(%arg7 : memref<24x256xi32, #tpu.memory_space<vmem>>)
      tpu.yield
    }) : () -> ()
    "tpu.region"() ({
      %run_scoped3A = tpu.sem_alloc : memref<!tpu.dma_semaphore, #tpu.memory_space<semaphore_mem>>
      %dma_start3A = arith.constant 0 : i32
      %dma_start3A_25 = arith.constant 0 : i32
      %dma_start3A_26 = tpu.memref_slice %arg4[%add3A, %dma_start3A, %dma_start3A_25] : memref<32x40x256xi32, #tpu.memory_space<hbm>> -> memref<1x24x256xi32, #tpu.memory_space<hbm>>
      %dma_start3A_27 = tpu.memref_squeeze %dma_start3A_26 : memref<1x24x256xi32, #tpu.memory_space<hbm>> -> memref<24x256xi32, #tpu.memory_space<hbm>>
      %dma_start3A_28 = arith.constant 0 : i32
      %dma_start3A_29 = arith.constant 0 : i32
      %dma_start3A_30 = tpu.memref_slice %arg4[%add3A, %dma_start3A_28, %dma_start3A_29] : memref<32x40x256xi32, #tpu.memory_space<hbm>> -> memref<1x24x256xi32, #tpu.memory_space<hbm>>
      %dma_start3A_31 = tpu.memref_squeeze %dma_start3A_30 : memref<1x24x256xi32, #tpu.memory_space<hbm>> -> memref<24x256xi32, #tpu.memory_space<hbm>>
      tpu.enqueue_dma source(%dma_start3A_31 : memref<24x256xi32, #tpu.memory_space<hbm>>) target(%arg8 : memref<24x256xi32, #tpu.memory_space<vmem>>) target_semaphore(%run_scoped3A : memref<!tpu.dma_semaphore, #tpu.memory_space<semaphore_mem>>)
      %dma_wait3A = arith.constant 0 : i32
      %dma_wait3A_32 = arith.constant 0 : i32
      %dma_wait3A_33 = tpu.memref_slice %arg4[%add3A, %dma_wait3A, %dma_wait3A_32] : memref<32x40x256xi32, #tpu.memory_space<hbm>> -> memref<1x24x256xi32, #tpu.memory_space<hbm>>
      %dma_wait3A_34 = tpu.memref_squeeze %dma_wait3A_33 : memref<1x24x256xi32, #tpu.memory_space<hbm>> -> memref<24x256xi32, #tpu.memory_space<hbm>>
      %dma_wait3A_35 = arith.constant 0 : i32
      %dma_wait3A_36 = arith.constant 0 : i32
      %dma_wait3A_37 = tpu.memref_slice %arg4[%add3A, %dma_wait3A_35, %dma_wait3A_36] : memref<32x40x256xi32, #tpu.memory_space<hbm>> -> memref<1x24x256xi32, #tpu.memory_space<hbm>>
      %dma_wait3A_38 = tpu.memref_squeeze %dma_wait3A_37 : memref<1x24x256xi32, #tpu.memory_space<hbm>> -> memref<24x256xi32, #tpu.memory_space<hbm>>
      tpu.wait_dma2 semaphore(%run_scoped3A : memref<!tpu.dma_semaphore, #tpu.memory_space<semaphore_mem>>) src(%dma_wait3A_38 : memref<24x256xi32, #tpu.memory_space<hbm>>) dst(%arg8 : memref<24x256xi32, #tpu.memory_space<vmem>>)
      tpu.yield
    }) : () -> ()
    %scan3A = arith.constant 0 : i32
    %scan3A_13 = arith.constant 0 : i32
    %scan3A_14 = arith.constant 24 : i32
    %scan3A_15 = arith.addi %scan3A_13, %scan3A_14 : i32
    %scan3A_16 = arith.constant 1 : i32
    scf.for %scan3A_25 = %scan3A_13 to %scan3A_15 step %scan3A_16  : i32 {
      %add3A_26 = arith.constant 0 : i32
      %add3A_27 = arith.addi %add3A_26, %scan3A_25 : i32
      "tpu.region"() ({
        %run_scoped3A = tpu.sem_alloc : memref<!tpu.dma_semaphore, #tpu.memory_space<semaphore_mem>>
        %dma_start3A = arith.constant 0 : i32
        %dma_start3A_28 = tpu.memref_slice %arg7[%add3A_27, %dma_start3A] : memref<24x256xi32, #tpu.memory_space<vmem>> -> memref<1x256xi32, #tpu.memory_space<vmem>>
        %dma_start3A_29 = tpu.memref_squeeze %dma_start3A_28 : memref<1x256xi32, #tpu.memory_space<vmem>> -> memref<256xi32, #tpu.memory_space<vmem>>
        %dma_start3A_30 = arith.constant 0 : i32
        %dma_start3A_31 = arith.constant 0 : i32
        %dma_start3A_32 = tpu.memref_slice %arg2[%dma_start3A_30, %dma_start3A_31] : memref<10240x128xf32, #tpu.memory_space<hbm>> -> memref<10240x128xf32, #tpu.memory_space<hbm>>
        tpu.enqueue_indirect_dma source(%dma_start3A_32 : memref<10240x128xf32, #tpu.memory_space<hbm>>) target(%arg9 : memref<256x128xf32, #tpu.memory_space<vmem>>) offsets(%dma_start3A_29 : memref<256xi32, #tpu.memory_space<vmem>>) semaphore(%run_scoped3A : memref<!tpu.dma_semaphore, #tpu.memory_space<semaphore_mem>>)
        %dma_wait3A = arith.constant 0 : i32
        %dma_wait3A_33 = tpu.memref_slice %arg7[%add3A_27, %dma_wait3A] : memref<24x256xi32, #tpu.memory_space<vmem>> -> memref<1x256xi32, #tpu.memory_space<vmem>>
        %dma_wait3A_34 = tpu.memref_squeeze %dma_wait3A_33 : memref<1x256xi32, #tpu.memory_space<vmem>> -> memref<256xi32, #tpu.memory_space<vmem>>
        %dma_wait3A_35 = arith.constant 0 : i32
        %dma_wait3A_36 = arith.constant 0 : i32
        %dma_wait3A_37 = tpu.memref_slice %arg2[%dma_wait3A_35, %dma_wait3A_36] : memref<10240x128xf32, #tpu.memory_space<hbm>> -> memref<10240x128xf32, #tpu.memory_space<hbm>>
        tpu.wait_indirect_dma semaphore(%run_scoped3A : memref<!tpu.dma_semaphore, #tpu.memory_space<semaphore_mem>>) src(%dma_wait3A_37 : memref<10240x128xf32, #tpu.memory_space<hbm>>) dst(%arg9 : memref<256x128xf32, #tpu.memory_space<vmem>>)
        tpu.yield
      }) : () -> ()
      "tpu.region"() ({
        %run_scoped3A = tpu.sem_alloc : memref<!tpu.dma_semaphore, #tpu.memory_space<semaphore_mem>>
        %dma_start3A = arith.constant 0 : i32
        %dma_start3A_28 = tpu.memref_slice %arg8[%add3A_27, %dma_start3A] : memref<24x256xi32, #tpu.memory_space<vmem>> -> memref<1x256xi32, #tpu.memory_space<vmem>>
        %dma_start3A_29 = tpu.memref_squeeze %dma_start3A_28 : memref<1x256xi32, #tpu.memory_space<vmem>> -> memref<256xi32, #tpu.memory_space<vmem>>
        %dma_start3A_30 = arith.constant 0 : i32
        %dma_start3A_31 = arith.constant 0 : i32
        %dma_start3A_32 = tpu.memref_slice %arg10[%dma_start3A_30, %dma_start3A_31] : memref<10240x128xf32, #tpu.memory_space<vmem_shared>> -> memref<10240x128xf32, #tpu.memory_space<vmem_shared>>
        tpu.enqueue_indirect_dma source(%arg9 : memref<256x128xf32, #tpu.memory_space<vmem>>) target(%dma_start3A_32 : memref<10240x128xf32, #tpu.memory_space<vmem_shared>>) offsets(%dma_start3A_29 : memref<256xi32, #tpu.memory_space<vmem>>) semaphore(%run_scoped3A : memref<!tpu.dma_semaphore, #tpu.memory_space<semaphore_mem>>) {add = true}
        %dma_wait3A = arith.constant 0 : i32
        %dma_wait3A_33 = tpu.memref_slice %arg8[%add3A_27, %dma_wait3A] : memref<24x256xi32, #tpu.memory_space<vmem>> -> memref<1x256xi32, #tpu.memory_space<vmem>>
        %dma_wait3A_34 = tpu.memref_squeeze %dma_wait3A_33 : memref<1x256xi32, #tpu.memory_space<vmem>> -> memref<256xi32, #tpu.memory_space<vmem>>
        %dma_wait3A_35 = arith.constant 0 : i32
        %dma_wait3A_36 = arith.constant 0 : i32
        %dma_wait3A_37 = tpu.memref_slice %arg10[%dma_wait3A_35, %dma_wait3A_36] : memref<10240x128xf32, #tpu.memory_space<vmem_shared>> -> memref<10240x128xf32, #tpu.memory_space<vmem_shared>>
        tpu.wait_indirect_dma semaphore(%run_scoped3A : memref<!tpu.dma_semaphore, #tpu.memory_space<semaphore_mem>>) src(%arg9 : memref<256x128xf32, #tpu.memory_space<vmem>>) dst(%dma_wait3A_37 : memref<10240x128xf32, #tpu.memory_space<vmem_shared>>)
        tpu.yield
      }) : () -> ()
    }
    %scan3A_17 = arith.constant 24 : i32
    "tpu.region"() ({
      %run_scoped3A = tpu.sem_alloc : memref<!tpu.dma_semaphore, #tpu.memory_space<semaphore_mem>>
      %dma_start3A = arith.constant 16 : i32
      %dma_start3A_25 = arith.constant 0 : i32
      %dma_start3A_26 = tpu.memref_slice %arg3[%add3A, %dma_start3A, %dma_start3A_25] : memref<32x40x256xi32, #tpu.memory_space<hbm>> -> memref<1x24x256xi32, #tpu.memory_space<hbm>>
      %dma_start3A_27 = tpu.memref_squeeze %dma_start3A_26 : memref<1x24x256xi32, #tpu.memory_space<hbm>> -> memref<24x256xi32, #tpu.memory_space<hbm>>
      %dma_start3A_28 = arith.constant 16 : i32
      %dma_start3A_29 = arith.constant 0 : i32
      %dma_start3A_30 = tpu.memref_slice %arg3[%add3A, %dma_start3A_28, %dma_start3A_29] : memref<32x40x256xi32, #tpu.memory_space<hbm>> -> memref<1x24x256xi32, #tpu.memory_space<hbm>>
      %dma_start3A_31 = tpu.memref_squeeze %dma_start3A_30 : memref<1x24x256xi32, #tpu.memory_space<hbm>> -> memref<24x256xi32, #tpu.memory_space<hbm>>
      tpu.enqueue_dma source(%dma_start3A_31 : memref<24x256xi32, #tpu.memory_space<hbm>>) target(%arg7 : memref<24x256xi32, #tpu.memory_space<vmem>>) target_semaphore(%run_scoped3A : memref<!tpu.dma_semaphore, #tpu.memory_space<semaphore_mem>>)
      %dma_wait3A = arith.constant 16 : i32
      %dma_wait3A_32 = arith.constant 0 : i32
      %dma_wait3A_33 = tpu.memref_slice %arg3[%add3A, %dma_wait3A, %dma_wait3A_32] : memref<32x40x256xi32, #tpu.memory_space<hbm>> -> memref<1x24x256xi32, #tpu.memory_space<hbm>>
      %dma_wait3A_34 = tpu.memref_squeeze %dma_wait3A_33 : memref<1x24x256xi32, #tpu.memory_space<hbm>> -> memref<24x256xi32, #tpu.memory_space<hbm>>
      %dma_wait3A_35 = arith.constant 16 : i32
      %dma_wait3A_36 = arith.constant 0 : i32
      %dma_wait3A_37 = tpu.memref_slice %arg3[%add3A, %dma_wait3A_35, %dma_wait3A_36] : memref<32x40x256xi32, #tpu.memory_space<hbm>> -> memref<1x24x256xi32, #tpu.memory_space<hbm>>
      %dma_wait3A_38 = tpu.memref_squeeze %dma_wait3A_37 : memref<1x24x256xi32, #tpu.memory_space<hbm>> -> memref<24x256xi32, #tpu.memory_space<hbm>>
      tpu.wait_dma2 semaphore(%run_scoped3A : memref<!tpu.dma_semaphore, #tpu.memory_space<semaphore_mem>>) src(%dma_wait3A_38 : memref<24x256xi32, #tpu.memory_space<hbm>>) dst(%arg7 : memref<24x256xi32, #tpu.memory_space<vmem>>)
      tpu.yield
    }) : () -> ()
    "tpu.region"() ({
      %run_scoped3A = tpu.sem_alloc : memref<!tpu.dma_semaphore, #tpu.memory_space<semaphore_mem>>
      %dma_start3A = arith.constant 16 : i32
      %dma_start3A_25 = arith.constant 0 : i32
      %dma_start3A_26 = tpu.memref_slice %arg4[%add3A, %dma_start3A, %dma_start3A_25] : memref<32x40x256xi32, #tpu.memory_space<hbm>> -> memref<1x24x256xi32, #tpu.memory_space<hbm>>
      %dma_start3A_27 = tpu.memref_squeeze %dma_start3A_26 : memref<1x24x256xi32, #tpu.memory_space<hbm>> -> memref<24x256xi32, #tpu.memory_space<hbm>>
      %dma_start3A_28 = arith.constant 16 : i32
      %dma_start3A_29 = arith.constant 0 : i32
      %dma_start3A_30 = tpu.memref_slice %arg4[%add3A, %dma_start3A_28, %dma_start3A_29] : memref<32x40x256xi32, #tpu.memory_space<hbm>> -> memref<1x24x256xi32, #tpu.memory_space<hbm>>
      %dma_start3A_31 = tpu.memref_squeeze %dma_start3A_30 : memref<1x24x256xi32, #tpu.memory_space<hbm>> -> memref<24x256xi32, #tpu.memory_space<hbm>>
      tpu.enqueue_dma source(%dma_start3A_31 : memref<24x256xi32, #tpu.memory_space<hbm>>) target(%arg8 : memref<24x256xi32, #tpu.memory_space<vmem>>) target_semaphore(%run_scoped3A : memref<!tpu.dma_semaphore, #tpu.memory_space<semaphore_mem>>)
      %dma_wait3A = arith.constant 16 : i32
      %dma_wait3A_32 = arith.constant 0 : i32
      %dma_wait3A_33 = tpu.memref_slice %arg4[%add3A, %dma_wait3A, %dma_wait3A_32] : memref<32x40x256xi32, #tpu.memory_space<hbm>> -> memref<1x24x256xi32, #tpu.memory_space<hbm>>
      %dma_wait3A_34 = tpu.memref_squeeze %dma_wait3A_33 : memref<1x24x256xi32, #tpu.memory_space<hbm>> -> memref<24x256xi32, #tpu.memory_space<hbm>>
      %dma_wait3A_35 = arith.constant 16 : i32
      %dma_wait3A_36 = arith.constant 0 : i32
      %dma_wait3A_37 = tpu.memref_slice %arg4[%add3A, %dma_wait3A_35, %dma_wait3A_36] : memref<32x40x256xi32, #tpu.memory_space<hbm>> -> memref<1x24x256xi32, #tpu.memory_space<hbm>>
      %dma_wait3A_38 = tpu.memref_squeeze %dma_wait3A_37 : memref<1x24x256xi32, #tpu.memory_space<hbm>> -> memref<24x256xi32, #tpu.memory_space<hbm>>
      tpu.wait_dma2 semaphore(%run_scoped3A : memref<!tpu.dma_semaphore, #tpu.memory_space<semaphore_mem>>) src(%dma_wait3A_38 : memref<24x256xi32, #tpu.memory_space<hbm>>) dst(%arg8 : memref<24x256xi32, #tpu.memory_space<vmem>>)
      tpu.yield
    }) : () -> ()
    %scan3A_18 = arith.constant 0 : i32
    %scan3A_19 = arith.constant 0 : i32
    %scan3A_20 = arith.constant 16 : i32
    %scan3A_21 = arith.addi %scan3A_19, %scan3A_20 : i32
    %scan3A_22 = arith.constant 1 : i32
    scf.for %scan3A_25 = %scan3A_19 to %scan3A_21 step %scan3A_22  : i32 {
      %add3A_26 = arith.constant 8 : i32
      %add3A_27 = arith.addi %add3A_26, %scan3A_25 : i32
      "tpu.region"() ({
        %run_scoped3A = tpu.sem_alloc : memref<!tpu.dma_semaphore, #tpu.memory_space<semaphore_mem>>
        %dma_start3A = arith.constant 0 : i32
        %dma_start3A_28 = tpu.memref_slice %arg7[%add3A_27, %dma_start3A] : memref<24x256xi32, #tpu.memory_space<vmem>> -> memref<1x256xi32, #tpu.memory_space<vmem>>
        %dma_start3A_29 = tpu.memref_squeeze %dma_start3A_28 : memref<1x256xi32, #tpu.memory_space<vmem>> -> memref<256xi32, #tpu.memory_space<vmem>>
        %dma_start3A_30 = arith.constant 0 : i32
        %dma_start3A_31 = arith.constant 0 : i32
        %dma_start3A_32 = tpu.memref_slice %arg2[%dma_start3A_30, %dma_start3A_31] : memref<10240x128xf32, #tpu.memory_space<hbm>> -> memref<10240x128xf32, #tpu.memory_space<hbm>>
        tpu.enqueue_indirect_dma source(%dma_start3A_32 : memref<10240x128xf32, #tpu.memory_space<hbm>>) target(%arg9 : memref<256x128xf32, #tpu.memory_space<vmem>>) offsets(%dma_start3A_29 : memref<256xi32, #tpu.memory_space<vmem>>) semaphore(%run_scoped3A : memref<!tpu.dma_semaphore, #tpu.memory_space<semaphore_mem>>)
        %dma_wait3A = arith.constant 0 : i32
        %dma_wait3A_33 = tpu.memref_slice %arg7[%add3A_27, %dma_wait3A] : memref<24x256xi32, #tpu.memory_space<vmem>> -> memref<1x256xi32, #tpu.memory_space<vmem>>
        %dma_wait3A_34 = tpu.memref_squeeze %dma_wait3A_33 : memref<1x256xi32, #tpu.memory_space<vmem>> -> memref<256xi32, #tpu.memory_space<vmem>>
        %dma_wait3A_35 = arith.constant 0 : i32
        %dma_wait3A_36 = arith.constant 0 : i32
        %dma_wait3A_37 = tpu.memref_slice %arg2[%dma_wait3A_35, %dma_wait3A_36] : memref<10240x128xf32, #tpu.memory_space<hbm>> -> memref<10240x128xf32, #tpu.memory_space<hbm>>
        tpu.wait_indirect_dma semaphore(%run_scoped3A : memref<!tpu.dma_semaphore, #tpu.memory_space<semaphore_mem>>) src(%dma_wait3A_37 : memref<10240x128xf32, #tpu.memory_space<hbm>>) dst(%arg9 : memref<256x128xf32, #tpu.memory_space<vmem>>)
        tpu.yield
      }) : () -> ()
      "tpu.region"() ({
        %run_scoped3A = tpu.sem_alloc : memref<!tpu.dma_semaphore, #tpu.memory_space<semaphore_mem>>
        %dma_start3A = arith.constant 0 : i32
        %dma_start3A_28 = tpu.memref_slice %arg8[%add3A_27, %dma_start3A] : memref<24x256xi32, #tpu.memory_space<vmem>> -> memref<1x256xi32, #tpu.memory_space<vmem>>
        %dma_start3A_29 = tpu.memref_squeeze %dma_start3A_28 : memref<1x256xi32, #tpu.memory_space<vmem>> -> memref<256xi32, #tpu.memory_space<vmem>>
        %dma_start3A_30 = arith.constant 0 : i32
        %dma_start3A_31 = arith.constant 0 : i32
        %dma_start3A_32 = tpu.memref_slice %arg10[%dma_start3A_30, %dma_start3A_31] : memref<10240x128xf32, #tpu.memory_space<vmem_shared>> -> memref<10240x128xf32, #tpu.memory_space<vmem_shared>>
        tpu.enqueue_indirect_dma source(%arg9 : memref<256x128xf32, #tpu.memory_space<vmem>>) target(%dma_start3A_32 : memref<10240x128xf32, #tpu.memory_space<vmem_shared>>) offsets(%dma_start3A_29 : memref<256xi32, #tpu.memory_space<vmem>>) semaphore(%run_scoped3A : memref<!tpu.dma_semaphore, #tpu.memory_space<semaphore_mem>>) {add = true}
        %dma_wait3A = arith.constant 0 : i32
        %dma_wait3A_33 = tpu.memref_slice %arg8[%add3A_27, %dma_wait3A] : memref<24x256xi32, #tpu.memory_space<vmem>> -> memref<1x256xi32, #tpu.memory_space<vmem>>
        %dma_wait3A_34 = tpu.memref_squeeze %dma_wait3A_33 : memref<1x256xi32, #tpu.memory_space<vmem>> -> memref<256xi32, #tpu.memory_space<vmem>>
        %dma_wait3A_35 = arith.constant 0 : i32
        %dma_wait3A_36 = arith.constant 0 : i32
        %dma_wait3A_37 = tpu.memref_slice %arg10[%dma_wait3A_35, %dma_wait3A_36] : memref<10240x128xf32, #tpu.memory_space<vmem_shared>> -> memref<10240x128xf32, #tpu.memory_space<vmem_shared>>
        tpu.wait_indirect_dma semaphore(%run_scoped3A : memref<!tpu.dma_semaphore, #tpu.memory_space<semaphore_mem>>) src(%arg9 : memref<256x128xf32, #tpu.memory_space<vmem>>) dst(%dma_wait3A_37 : memref<10240x128xf32, #tpu.memory_space<vmem_shared>>)
        tpu.yield
      }) : () -> ()
    }
    %scan3A_23 = arith.constant 16 : i32
    %barrier3A_24 = arith.constant 0 : index
    tpu.barrier barrier_id(%barrier3A_24)
    "tpu.region"() ({
      %run_scoped3A = tpu.sem_alloc : memref<!tpu.dma_semaphore, #tpu.memory_space<semaphore_mem>>
      %dma_start3A = arith.constant 0 : i32
      %dma_start3A_25 = tpu.memref_slice %arg6[%arg0, %mul3A_2, %dma_start3A] : memref<2x10240x128xf32, #tpu.memory_space<hbm>> -> memref<1x640x128xf32, #tpu.memory_space<hbm>>
      %dma_start3A_26 = tpu.memref_squeeze %dma_start3A_25 : memref<1x640x128xf32, #tpu.memory_space<hbm>> -> memref<640x128xf32, #tpu.memory_space<hbm>>
      %dma_start3A_27 = arith.constant 0 : i32
      %dma_start3A_28 = tpu.memref_slice %arg10[%mul3A_2, %dma_start3A_27] : memref<10240x128xf32, #tpu.memory_space<vmem_shared>> -> memref<640x128xf32, #tpu.memory_space<vmem_shared>>
      tpu.enqueue_dma source(%dma_start3A_28 : memref<640x128xf32, #tpu.memory_space<vmem_shared>>) target(%dma_start3A_26 : memref<640x128xf32, #tpu.memory_space<hbm>>) target_semaphore(%run_scoped3A : memref<!tpu.dma_semaphore, #tpu.memory_space<semaphore_mem>>)
      %dma_wait3A = arith.constant 0 : i32
      %dma_wait3A_29 = tpu.memref_slice %arg6[%arg0, %mul3A_2, %dma_wait3A] : memref<2x10240x128xf32, #tpu.memory_space<hbm>> -> memref<1x640x128xf32, #tpu.memory_space<hbm>>
      %dma_wait3A_30 = tpu.memref_squeeze %dma_wait3A_29 : memref<1x640x128xf32, #tpu.memory_space<hbm>> -> memref<640x128xf32, #tpu.memory_space<hbm>>
      %dma_wait3A_31 = arith.constant 0 : i32
      %dma_wait3A_32 = tpu.memref_slice %arg10[%mul3A_2, %dma_wait3A_31] : memref<10240x128xf32, #tpu.memory_space<vmem_shared>> -> memref<640x128xf32, #tpu.memory_space<vmem_shared>>
      tpu.wait_dma2 semaphore(%run_scoped3A : memref<!tpu.dma_semaphore, #tpu.memory_space<semaphore_mem>>) src(%dma_wait3A_32 : memref<640x128xf32, #tpu.memory_space<vmem_shared>>) dst(%dma_wait3A_30 : memref<640x128xf32, #tpu.memory_space<hbm>>)
      tpu.yield
    }) : () -> ()
    return
  }
}

#map = affine_map<(d0, d1) -> (0, 0)>
#map1 = affine_map<(d0, d1) -> (0, 0, 0)>
module attributes {stable_mosaic.version = 14 : i64} {
  func.func @agg(%arg0: i32, %arg1: i32, %arg2: memref<10240x16xf32, #tpu.memory_space<hbm>>, %arg3: memref<32x40x256xi32, #tpu.memory_space<hbm>>, %arg4: memref<32x40x256xi32, #tpu.memory_space<hbm>>, %arg5: memref<128x16xf32, #tpu.memory_space<hbm>>, %arg6: memref<2x10240x16xf32, #tpu.memory_space<hbm>>, %arg7: memref<40x256xi32, #tpu.memory_space<vmem>>, %arg8: memref<40x256xi32, #tpu.memory_space<vmem>>, %arg9: memref<256x16xf32, #tpu.memory_space<vmem>>, %arg10: memref<10240x16xf32, #tpu.memory_space<vmem_shared>>) attributes {dimension_semantics = [#tpu.dimension_semantics<core_parallel>, #tpu.dimension_semantics<subcore_parallel>], iteration_bounds = array<i64: 2, 16>, scalar_prefetch = 0 : i64, scratch_operands = 4 : i64, tpu.core_type = #tpu.core_type<sc_vector_subcore>, window_params = [{transform_indices = #map}, {transform_indices = #map1}, {transform_indices = #map1}, {transform_indices = #map}, {transform_indices = #map1}]} {
    %mul3A = arith.constant 2 : i32
    %mul3A_0 = arith.muli %arg1, %mul3A : i32
    %add3A = arith.addi %mul3A_0, %arg0 : i32
    %mul3A_1 = arith.constant 640 : i32
    %mul3A_2 = arith.muli %arg1, %mul3A_1 : i32
    %add3A_3 = arith.constant 0 : i32
    %add3A_4 = arith.addi %mul3A_2, %add3A_3 : i32
    "tpu.region"() ({
      %run_scoped3A = tpu.sem_alloc : memref<!tpu.dma_semaphore, #tpu.memory_space<semaphore_mem>>
      %dma_start3A = arith.constant 0 : i32
      %dma_start3A_19 = tpu.memref_slice %arg10[%add3A_4, %dma_start3A] : memref<10240x16xf32, #tpu.memory_space<vmem_shared>> -> memref<128x16xf32, #tpu.memory_space<vmem_shared>>
      tpu.enqueue_dma source(%arg5 : memref<128x16xf32, #tpu.memory_space<hbm>>) target(%dma_start3A_19 : memref<128x16xf32, #tpu.memory_space<vmem_shared>>) target_semaphore(%run_scoped3A : memref<!tpu.dma_semaphore, #tpu.memory_space<semaphore_mem>>)
      %dma_wait3A = arith.constant 0 : i32
      %dma_wait3A_20 = tpu.memref_slice %arg10[%add3A_4, %dma_wait3A] : memref<10240x16xf32, #tpu.memory_space<vmem_shared>> -> memref<128x16xf32, #tpu.memory_space<vmem_shared>>
      tpu.wait_dma2 semaphore(%run_scoped3A : memref<!tpu.dma_semaphore, #tpu.memory_space<semaphore_mem>>) src(%arg5 : memref<128x16xf32, #tpu.memory_space<hbm>>) dst(%dma_wait3A_20 : memref<128x16xf32, #tpu.memory_space<vmem_shared>>)
      tpu.yield
    }) : () -> ()
    %add3A_5 = arith.constant 128 : i32
    %add3A_6 = arith.addi %mul3A_2, %add3A_5 : i32
    "tpu.region"() ({
      %run_scoped3A = tpu.sem_alloc : memref<!tpu.dma_semaphore, #tpu.memory_space<semaphore_mem>>
      %dma_start3A = arith.constant 0 : i32
      %dma_start3A_19 = tpu.memref_slice %arg10[%add3A_6, %dma_start3A] : memref<10240x16xf32, #tpu.memory_space<vmem_shared>> -> memref<128x16xf32, #tpu.memory_space<vmem_shared>>
      tpu.enqueue_dma source(%arg5 : memref<128x16xf32, #tpu.memory_space<hbm>>) target(%dma_start3A_19 : memref<128x16xf32, #tpu.memory_space<vmem_shared>>) target_semaphore(%run_scoped3A : memref<!tpu.dma_semaphore, #tpu.memory_space<semaphore_mem>>)
      %dma_wait3A = arith.constant 0 : i32
      %dma_wait3A_20 = tpu.memref_slice %arg10[%add3A_6, %dma_wait3A] : memref<10240x16xf32, #tpu.memory_space<vmem_shared>> -> memref<128x16xf32, #tpu.memory_space<vmem_shared>>
      tpu.wait_dma2 semaphore(%run_scoped3A : memref<!tpu.dma_semaphore, #tpu.memory_space<semaphore_mem>>) src(%arg5 : memref<128x16xf32, #tpu.memory_space<hbm>>) dst(%dma_wait3A_20 : memref<128x16xf32, #tpu.memory_space<vmem_shared>>)
      tpu.yield
    }) : () -> ()
    %add3A_7 = arith.constant 256 : i32
    %add3A_8 = arith.addi %mul3A_2, %add3A_7 : i32
    "tpu.region"() ({
      %run_scoped3A = tpu.sem_alloc : memref<!tpu.dma_semaphore, #tpu.memory_space<semaphore_mem>>
      %dma_start3A = arith.constant 0 : i32
      %dma_start3A_19 = tpu.memref_slice %arg10[%add3A_8, %dma_start3A] : memref<10240x16xf32, #tpu.memory_space<vmem_shared>> -> memref<128x16xf32, #tpu.memory_space<vmem_shared>>
      tpu.enqueue_dma source(%arg5 : memref<128x16xf32, #tpu.memory_space<hbm>>) target(%dma_start3A_19 : memref<128x16xf32, #tpu.memory_space<vmem_shared>>) target_semaphore(%run_scoped3A : memref<!tpu.dma_semaphore, #tpu.memory_space<semaphore_mem>>)
      %dma_wait3A = arith.constant 0 : i32
      %dma_wait3A_20 = tpu.memref_slice %arg10[%add3A_8, %dma_wait3A] : memref<10240x16xf32, #tpu.memory_space<vmem_shared>> -> memref<128x16xf32, #tpu.memory_space<vmem_shared>>
      tpu.wait_dma2 semaphore(%run_scoped3A : memref<!tpu.dma_semaphore, #tpu.memory_space<semaphore_mem>>) src(%arg5 : memref<128x16xf32, #tpu.memory_space<hbm>>) dst(%dma_wait3A_20 : memref<128x16xf32, #tpu.memory_space<vmem_shared>>)
      tpu.yield
    }) : () -> ()
    %add3A_9 = arith.constant 384 : i32
    %add3A_10 = arith.addi %mul3A_2, %add3A_9 : i32
    "tpu.region"() ({
      %run_scoped3A = tpu.sem_alloc : memref<!tpu.dma_semaphore, #tpu.memory_space<semaphore_mem>>
      %dma_start3A = arith.constant 0 : i32
      %dma_start3A_19 = tpu.memref_slice %arg10[%add3A_10, %dma_start3A] : memref<10240x16xf32, #tpu.memory_space<vmem_shared>> -> memref<128x16xf32, #tpu.memory_space<vmem_shared>>
      tpu.enqueue_dma source(%arg5 : memref<128x16xf32, #tpu.memory_space<hbm>>) target(%dma_start3A_19 : memref<128x16xf32, #tpu.memory_space<vmem_shared>>) target_semaphore(%run_scoped3A : memref<!tpu.dma_semaphore, #tpu.memory_space<semaphore_mem>>)
      %dma_wait3A = arith.constant 0 : i32
      %dma_wait3A_20 = tpu.memref_slice %arg10[%add3A_10, %dma_wait3A] : memref<10240x16xf32, #tpu.memory_space<vmem_shared>> -> memref<128x16xf32, #tpu.memory_space<vmem_shared>>
      tpu.wait_dma2 semaphore(%run_scoped3A : memref<!tpu.dma_semaphore, #tpu.memory_space<semaphore_mem>>) src(%arg5 : memref<128x16xf32, #tpu.memory_space<hbm>>) dst(%dma_wait3A_20 : memref<128x16xf32, #tpu.memory_space<vmem_shared>>)
      tpu.yield
    }) : () -> ()
    %add3A_11 = arith.constant 512 : i32
    %add3A_12 = arith.addi %mul3A_2, %add3A_11 : i32
    "tpu.region"() ({
      %run_scoped3A = tpu.sem_alloc : memref<!tpu.dma_semaphore, #tpu.memory_space<semaphore_mem>>
      %dma_start3A = arith.constant 0 : i32
      %dma_start3A_19 = tpu.memref_slice %arg10[%add3A_12, %dma_start3A] : memref<10240x16xf32, #tpu.memory_space<vmem_shared>> -> memref<128x16xf32, #tpu.memory_space<vmem_shared>>
      tpu.enqueue_dma source(%arg5 : memref<128x16xf32, #tpu.memory_space<hbm>>) target(%dma_start3A_19 : memref<128x16xf32, #tpu.memory_space<vmem_shared>>) target_semaphore(%run_scoped3A : memref<!tpu.dma_semaphore, #tpu.memory_space<semaphore_mem>>)
      %dma_wait3A = arith.constant 0 : i32
      %dma_wait3A_20 = tpu.memref_slice %arg10[%add3A_12, %dma_wait3A] : memref<10240x16xf32, #tpu.memory_space<vmem_shared>> -> memref<128x16xf32, #tpu.memory_space<vmem_shared>>
      tpu.wait_dma2 semaphore(%run_scoped3A : memref<!tpu.dma_semaphore, #tpu.memory_space<semaphore_mem>>) src(%arg5 : memref<128x16xf32, #tpu.memory_space<hbm>>) dst(%dma_wait3A_20 : memref<128x16xf32, #tpu.memory_space<vmem_shared>>)
      tpu.yield
    }) : () -> ()
    %barrier3A = arith.constant 0 : index
    tpu.barrier barrier_id(%barrier3A)
    "tpu.region"() ({
      %run_scoped3A = tpu.sem_alloc : memref<!tpu.dma_semaphore, #tpu.memory_space<semaphore_mem>>
      %dma_start3A = arith.constant 0 : i32
      %dma_start3A_19 = arith.constant 0 : i32
      %dma_start3A_20 = tpu.memref_slice %arg3[%add3A, %dma_start3A, %dma_start3A_19] : memref<32x40x256xi32, #tpu.memory_space<hbm>> -> memref<1x40x256xi32, #tpu.memory_space<hbm>>
      %dma_start3A_21 = tpu.memref_squeeze %dma_start3A_20 : memref<1x40x256xi32, #tpu.memory_space<hbm>> -> memref<40x256xi32, #tpu.memory_space<hbm>>
      %dma_start3A_22 = arith.constant 0 : i32
      %dma_start3A_23 = arith.constant 0 : i32
      %dma_start3A_24 = tpu.memref_slice %arg3[%add3A, %dma_start3A_22, %dma_start3A_23] : memref<32x40x256xi32, #tpu.memory_space<hbm>> -> memref<1x40x256xi32, #tpu.memory_space<hbm>>
      %dma_start3A_25 = tpu.memref_squeeze %dma_start3A_24 : memref<1x40x256xi32, #tpu.memory_space<hbm>> -> memref<40x256xi32, #tpu.memory_space<hbm>>
      tpu.enqueue_dma source(%dma_start3A_25 : memref<40x256xi32, #tpu.memory_space<hbm>>) target(%arg7 : memref<40x256xi32, #tpu.memory_space<vmem>>) target_semaphore(%run_scoped3A : memref<!tpu.dma_semaphore, #tpu.memory_space<semaphore_mem>>)
      %dma_wait3A = arith.constant 0 : i32
      %dma_wait3A_26 = arith.constant 0 : i32
      %dma_wait3A_27 = tpu.memref_slice %arg3[%add3A, %dma_wait3A, %dma_wait3A_26] : memref<32x40x256xi32, #tpu.memory_space<hbm>> -> memref<1x40x256xi32, #tpu.memory_space<hbm>>
      %dma_wait3A_28 = tpu.memref_squeeze %dma_wait3A_27 : memref<1x40x256xi32, #tpu.memory_space<hbm>> -> memref<40x256xi32, #tpu.memory_space<hbm>>
      %dma_wait3A_29 = arith.constant 0 : i32
      %dma_wait3A_30 = arith.constant 0 : i32
      %dma_wait3A_31 = tpu.memref_slice %arg3[%add3A, %dma_wait3A_29, %dma_wait3A_30] : memref<32x40x256xi32, #tpu.memory_space<hbm>> -> memref<1x40x256xi32, #tpu.memory_space<hbm>>
      %dma_wait3A_32 = tpu.memref_squeeze %dma_wait3A_31 : memref<1x40x256xi32, #tpu.memory_space<hbm>> -> memref<40x256xi32, #tpu.memory_space<hbm>>
      tpu.wait_dma2 semaphore(%run_scoped3A : memref<!tpu.dma_semaphore, #tpu.memory_space<semaphore_mem>>) src(%dma_wait3A_32 : memref<40x256xi32, #tpu.memory_space<hbm>>) dst(%arg7 : memref<40x256xi32, #tpu.memory_space<vmem>>)
      tpu.yield
    }) : () -> ()
    "tpu.region"() ({
      %run_scoped3A = tpu.sem_alloc : memref<!tpu.dma_semaphore, #tpu.memory_space<semaphore_mem>>
      %dma_start3A = arith.constant 0 : i32
      %dma_start3A_19 = arith.constant 0 : i32
      %dma_start3A_20 = tpu.memref_slice %arg4[%add3A, %dma_start3A, %dma_start3A_19] : memref<32x40x256xi32, #tpu.memory_space<hbm>> -> memref<1x40x256xi32, #tpu.memory_space<hbm>>
      %dma_start3A_21 = tpu.memref_squeeze %dma_start3A_20 : memref<1x40x256xi32, #tpu.memory_space<hbm>> -> memref<40x256xi32, #tpu.memory_space<hbm>>
      %dma_start3A_22 = arith.constant 0 : i32
      %dma_start3A_23 = arith.constant 0 : i32
      %dma_start3A_24 = tpu.memref_slice %arg4[%add3A, %dma_start3A_22, %dma_start3A_23] : memref<32x40x256xi32, #tpu.memory_space<hbm>> -> memref<1x40x256xi32, #tpu.memory_space<hbm>>
      %dma_start3A_25 = tpu.memref_squeeze %dma_start3A_24 : memref<1x40x256xi32, #tpu.memory_space<hbm>> -> memref<40x256xi32, #tpu.memory_space<hbm>>
      tpu.enqueue_dma source(%dma_start3A_25 : memref<40x256xi32, #tpu.memory_space<hbm>>) target(%arg8 : memref<40x256xi32, #tpu.memory_space<vmem>>) target_semaphore(%run_scoped3A : memref<!tpu.dma_semaphore, #tpu.memory_space<semaphore_mem>>)
      %dma_wait3A = arith.constant 0 : i32
      %dma_wait3A_26 = arith.constant 0 : i32
      %dma_wait3A_27 = tpu.memref_slice %arg4[%add3A, %dma_wait3A, %dma_wait3A_26] : memref<32x40x256xi32, #tpu.memory_space<hbm>> -> memref<1x40x256xi32, #tpu.memory_space<hbm>>
      %dma_wait3A_28 = tpu.memref_squeeze %dma_wait3A_27 : memref<1x40x256xi32, #tpu.memory_space<hbm>> -> memref<40x256xi32, #tpu.memory_space<hbm>>
      %dma_wait3A_29 = arith.constant 0 : i32
      %dma_wait3A_30 = arith.constant 0 : i32
      %dma_wait3A_31 = tpu.memref_slice %arg4[%add3A, %dma_wait3A_29, %dma_wait3A_30] : memref<32x40x256xi32, #tpu.memory_space<hbm>> -> memref<1x40x256xi32, #tpu.memory_space<hbm>>
      %dma_wait3A_32 = tpu.memref_squeeze %dma_wait3A_31 : memref<1x40x256xi32, #tpu.memory_space<hbm>> -> memref<40x256xi32, #tpu.memory_space<hbm>>
      tpu.wait_dma2 semaphore(%run_scoped3A : memref<!tpu.dma_semaphore, #tpu.memory_space<semaphore_mem>>) src(%dma_wait3A_32 : memref<40x256xi32, #tpu.memory_space<hbm>>) dst(%arg8 : memref<40x256xi32, #tpu.memory_space<vmem>>)
      tpu.yield
    }) : () -> ()
    %scan3A = arith.constant 0 : i32
    %scan3A_13 = arith.constant 0 : i32
    %scan3A_14 = arith.constant 40 : i32
    %scan3A_15 = arith.addi %scan3A_13, %scan3A_14 : i32
    %scan3A_16 = arith.constant 1 : i32
    scf.for %scan3A_19 = %scan3A_13 to %scan3A_15 step %scan3A_16  : i32 {
      %add3A_20 = arith.constant 0 : i32
      %add3A_21 = arith.addi %add3A_20, %scan3A_19 : i32
      "tpu.region"() ({
        %run_scoped3A = tpu.sem_alloc : memref<!tpu.dma_semaphore, #tpu.memory_space<semaphore_mem>>
        %dma_start3A = arith.constant 0 : i32
        %dma_start3A_22 = tpu.memref_slice %arg7[%add3A_21, %dma_start3A] : memref<40x256xi32, #tpu.memory_space<vmem>> -> memref<1x256xi32, #tpu.memory_space<vmem>>
        %dma_start3A_23 = tpu.memref_squeeze %dma_start3A_22 : memref<1x256xi32, #tpu.memory_space<vmem>> -> memref<256xi32, #tpu.memory_space<vmem>>
        %dma_start3A_24 = arith.constant 0 : i32
        %dma_start3A_25 = arith.constant 0 : i32
        %dma_start3A_26 = tpu.memref_slice %arg2[%dma_start3A_24, %dma_start3A_25] : memref<10240x16xf32, #tpu.memory_space<hbm>> -> memref<10240x16xf32, #tpu.memory_space<hbm>>
        tpu.enqueue_indirect_dma source(%dma_start3A_26 : memref<10240x16xf32, #tpu.memory_space<hbm>>) target(%arg9 : memref<256x16xf32, #tpu.memory_space<vmem>>) offsets(%dma_start3A_23 : memref<256xi32, #tpu.memory_space<vmem>>) semaphore(%run_scoped3A : memref<!tpu.dma_semaphore, #tpu.memory_space<semaphore_mem>>)
        %dma_wait3A = arith.constant 0 : i32
        %dma_wait3A_27 = tpu.memref_slice %arg7[%add3A_21, %dma_wait3A] : memref<40x256xi32, #tpu.memory_space<vmem>> -> memref<1x256xi32, #tpu.memory_space<vmem>>
        %dma_wait3A_28 = tpu.memref_squeeze %dma_wait3A_27 : memref<1x256xi32, #tpu.memory_space<vmem>> -> memref<256xi32, #tpu.memory_space<vmem>>
        %dma_wait3A_29 = arith.constant 0 : i32
        %dma_wait3A_30 = arith.constant 0 : i32
        %dma_wait3A_31 = tpu.memref_slice %arg2[%dma_wait3A_29, %dma_wait3A_30] : memref<10240x16xf32, #tpu.memory_space<hbm>> -> memref<10240x16xf32, #tpu.memory_space<hbm>>
        tpu.wait_indirect_dma semaphore(%run_scoped3A : memref<!tpu.dma_semaphore, #tpu.memory_space<semaphore_mem>>) src(%dma_wait3A_31 : memref<10240x16xf32, #tpu.memory_space<hbm>>) dst(%arg9 : memref<256x16xf32, #tpu.memory_space<vmem>>)
        tpu.yield
      }) : () -> ()
      "tpu.region"() ({
        %run_scoped3A = tpu.sem_alloc : memref<!tpu.dma_semaphore, #tpu.memory_space<semaphore_mem>>
        %dma_start3A = arith.constant 0 : i32
        %dma_start3A_22 = tpu.memref_slice %arg8[%add3A_21, %dma_start3A] : memref<40x256xi32, #tpu.memory_space<vmem>> -> memref<1x256xi32, #tpu.memory_space<vmem>>
        %dma_start3A_23 = tpu.memref_squeeze %dma_start3A_22 : memref<1x256xi32, #tpu.memory_space<vmem>> -> memref<256xi32, #tpu.memory_space<vmem>>
        %dma_start3A_24 = arith.constant 0 : i32
        %dma_start3A_25 = arith.constant 0 : i32
        %dma_start3A_26 = tpu.memref_slice %arg10[%dma_start3A_24, %dma_start3A_25] : memref<10240x16xf32, #tpu.memory_space<vmem_shared>> -> memref<10240x16xf32, #tpu.memory_space<vmem_shared>>
        tpu.enqueue_indirect_dma source(%arg9 : memref<256x16xf32, #tpu.memory_space<vmem>>) target(%dma_start3A_26 : memref<10240x16xf32, #tpu.memory_space<vmem_shared>>) offsets(%dma_start3A_23 : memref<256xi32, #tpu.memory_space<vmem>>) semaphore(%run_scoped3A : memref<!tpu.dma_semaphore, #tpu.memory_space<semaphore_mem>>) {add = true}
        %dma_wait3A = arith.constant 0 : i32
        %dma_wait3A_27 = tpu.memref_slice %arg8[%add3A_21, %dma_wait3A] : memref<40x256xi32, #tpu.memory_space<vmem>> -> memref<1x256xi32, #tpu.memory_space<vmem>>
        %dma_wait3A_28 = tpu.memref_squeeze %dma_wait3A_27 : memref<1x256xi32, #tpu.memory_space<vmem>> -> memref<256xi32, #tpu.memory_space<vmem>>
        %dma_wait3A_29 = arith.constant 0 : i32
        %dma_wait3A_30 = arith.constant 0 : i32
        %dma_wait3A_31 = tpu.memref_slice %arg10[%dma_wait3A_29, %dma_wait3A_30] : memref<10240x16xf32, #tpu.memory_space<vmem_shared>> -> memref<10240x16xf32, #tpu.memory_space<vmem_shared>>
        tpu.wait_indirect_dma semaphore(%run_scoped3A : memref<!tpu.dma_semaphore, #tpu.memory_space<semaphore_mem>>) src(%arg9 : memref<256x16xf32, #tpu.memory_space<vmem>>) dst(%dma_wait3A_31 : memref<10240x16xf32, #tpu.memory_space<vmem_shared>>)
        tpu.yield
      }) : () -> ()
    }
    %scan3A_17 = arith.constant 40 : i32
    %barrier3A_18 = arith.constant 0 : index
    tpu.barrier barrier_id(%barrier3A_18)
    "tpu.region"() ({
      %run_scoped3A = tpu.sem_alloc : memref<!tpu.dma_semaphore, #tpu.memory_space<semaphore_mem>>
      %dma_start3A = arith.constant 0 : i32
      %dma_start3A_19 = tpu.memref_slice %arg6[%arg0, %mul3A_2, %dma_start3A] : memref<2x10240x16xf32, #tpu.memory_space<hbm>> -> memref<1x640x16xf32, #tpu.memory_space<hbm>>
      %dma_start3A_20 = tpu.memref_squeeze %dma_start3A_19 : memref<1x640x16xf32, #tpu.memory_space<hbm>> -> memref<640x16xf32, #tpu.memory_space<hbm>>
      %dma_start3A_21 = arith.constant 0 : i32
      %dma_start3A_22 = tpu.memref_slice %arg10[%mul3A_2, %dma_start3A_21] : memref<10240x16xf32, #tpu.memory_space<vmem_shared>> -> memref<640x16xf32, #tpu.memory_space<vmem_shared>>
      tpu.enqueue_dma source(%dma_start3A_22 : memref<640x16xf32, #tpu.memory_space<vmem_shared>>) target(%dma_start3A_20 : memref<640x16xf32, #tpu.memory_space<hbm>>) target_semaphore(%run_scoped3A : memref<!tpu.dma_semaphore, #tpu.memory_space<semaphore_mem>>)
      %dma_wait3A = arith.constant 0 : i32
      %dma_wait3A_23 = tpu.memref_slice %arg6[%arg0, %mul3A_2, %dma_wait3A] : memref<2x10240x16xf32, #tpu.memory_space<hbm>> -> memref<1x640x16xf32, #tpu.memory_space<hbm>>
      %dma_wait3A_24 = tpu.memref_squeeze %dma_wait3A_23 : memref<1x640x16xf32, #tpu.memory_space<hbm>> -> memref<640x16xf32, #tpu.memory_space<hbm>>
      %dma_wait3A_25 = arith.constant 0 : i32
      %dma_wait3A_26 = tpu.memref_slice %arg10[%mul3A_2, %dma_wait3A_25] : memref<10240x16xf32, #tpu.memory_space<vmem_shared>> -> memref<640x16xf32, #tpu.memory_space<vmem_shared>>
      tpu.wait_dma2 semaphore(%run_scoped3A : memref<!tpu.dma_semaphore, #tpu.memory_space<semaphore_mem>>) src(%dma_wait3A_26 : memref<640x16xf32, #tpu.memory_space<vmem_shared>>) dst(%dma_wait3A_24 : memref<640x16xf32, #tpu.memory_space<hbm>>)
      tpu.yield
    }) : () -> ()
    return
  }
}

#map = affine_map<(d0, d1) -> (0, 0)>
#map1 = affine_map<(d0, d1) -> (0, 0, 0)>
module attributes {stable_mosaic.version = 14 : i64} {
  func.func @agg(%arg0: i32, %arg1: i32, %arg2: memref<10240x128xf32, #tpu.memory_space<hbm>>, %arg3: memref<32x40x256xi32, #tpu.memory_space<hbm>>, %arg4: memref<32x40x256xi32, #tpu.memory_space<hbm>>, %arg5: memref<128x128xf32, #tpu.memory_space<hbm>>, %arg6: memref<2x10240x128xf32, #tpu.memory_space<hbm>>, %arg7: memref<24x256xi32, #tpu.memory_space<vmem>>, %arg8: memref<24x256xi32, #tpu.memory_space<vmem>>, %arg9: memref<256x128xf32, #tpu.memory_space<vmem>>, %arg10: memref<10240x128xf32, #tpu.memory_space<vmem_shared>>) attributes {dimension_semantics = [#tpu.dimension_semantics<core_parallel>, #tpu.dimension_semantics<subcore_parallel>], iteration_bounds = array<i64: 2, 16>, scalar_prefetch = 0 : i64, scratch_operands = 4 : i64, tpu.core_type = #tpu.core_type<sc_vector_subcore>, window_params = [{transform_indices = #map}, {transform_indices = #map1}, {transform_indices = #map1}, {transform_indices = #map}, {transform_indices = #map1}]} {
    %mul3A = arith.constant 2 : i32
    %mul3A_0 = arith.muli %arg1, %mul3A : i32
    %add3A = arith.addi %mul3A_0, %arg0 : i32
    %mul3A_1 = arith.constant 640 : i32
    %mul3A_2 = arith.muli %arg1, %mul3A_1 : i32
    %add3A_3 = arith.constant 0 : i32
    %add3A_4 = arith.addi %mul3A_2, %add3A_3 : i32
    "tpu.region"() ({
      %run_scoped3A = tpu.sem_alloc : memref<!tpu.dma_semaphore, #tpu.memory_space<semaphore_mem>>
      %dma_start3A = arith.constant 0 : i32
      %dma_start3A_25 = tpu.memref_slice %arg10[%add3A_4, %dma_start3A] : memref<10240x128xf32, #tpu.memory_space<vmem_shared>> -> memref<128x128xf32, #tpu.memory_space<vmem_shared>>
      tpu.enqueue_dma source(%arg5 : memref<128x128xf32, #tpu.memory_space<hbm>>) target(%dma_start3A_25 : memref<128x128xf32, #tpu.memory_space<vmem_shared>>) target_semaphore(%run_scoped3A : memref<!tpu.dma_semaphore, #tpu.memory_space<semaphore_mem>>)
      %dma_wait3A = arith.constant 0 : i32
      %dma_wait3A_26 = tpu.memref_slice %arg10[%add3A_4, %dma_wait3A] : memref<10240x128xf32, #tpu.memory_space<vmem_shared>> -> memref<128x128xf32, #tpu.memory_space<vmem_shared>>
      tpu.wait_dma2 semaphore(%run_scoped3A : memref<!tpu.dma_semaphore, #tpu.memory_space<semaphore_mem>>) src(%arg5 : memref<128x128xf32, #tpu.memory_space<hbm>>) dst(%dma_wait3A_26 : memref<128x128xf32, #tpu.memory_space<vmem_shared>>)
      tpu.yield
    }) : () -> ()
    %add3A_5 = arith.constant 128 : i32
    %add3A_6 = arith.addi %mul3A_2, %add3A_5 : i32
    "tpu.region"() ({
      %run_scoped3A = tpu.sem_alloc : memref<!tpu.dma_semaphore, #tpu.memory_space<semaphore_mem>>
      %dma_start3A = arith.constant 0 : i32
      %dma_start3A_25 = tpu.memref_slice %arg10[%add3A_6, %dma_start3A] : memref<10240x128xf32, #tpu.memory_space<vmem_shared>> -> memref<128x128xf32, #tpu.memory_space<vmem_shared>>
      tpu.enqueue_dma source(%arg5 : memref<128x128xf32, #tpu.memory_space<hbm>>) target(%dma_start3A_25 : memref<128x128xf32, #tpu.memory_space<vmem_shared>>) target_semaphore(%run_scoped3A : memref<!tpu.dma_semaphore, #tpu.memory_space<semaphore_mem>>)
      %dma_wait3A = arith.constant 0 : i32
      %dma_wait3A_26 = tpu.memref_slice %arg10[%add3A_6, %dma_wait3A] : memref<10240x128xf32, #tpu.memory_space<vmem_shared>> -> memref<128x128xf32, #tpu.memory_space<vmem_shared>>
      tpu.wait_dma2 semaphore(%run_scoped3A : memref<!tpu.dma_semaphore, #tpu.memory_space<semaphore_mem>>) src(%arg5 : memref<128x128xf32, #tpu.memory_space<hbm>>) dst(%dma_wait3A_26 : memref<128x128xf32, #tpu.memory_space<vmem_shared>>)
      tpu.yield
    }) : () -> ()
    %add3A_7 = arith.constant 256 : i32
    %add3A_8 = arith.addi %mul3A_2, %add3A_7 : i32
    "tpu.region"() ({
      %run_scoped3A = tpu.sem_alloc : memref<!tpu.dma_semaphore, #tpu.memory_space<semaphore_mem>>
      %dma_start3A = arith.constant 0 : i32
      %dma_start3A_25 = tpu.memref_slice %arg10[%add3A_8, %dma_start3A] : memref<10240x128xf32, #tpu.memory_space<vmem_shared>> -> memref<128x128xf32, #tpu.memory_space<vmem_shared>>
      tpu.enqueue_dma source(%arg5 : memref<128x128xf32, #tpu.memory_space<hbm>>) target(%dma_start3A_25 : memref<128x128xf32, #tpu.memory_space<vmem_shared>>) target_semaphore(%run_scoped3A : memref<!tpu.dma_semaphore, #tpu.memory_space<semaphore_mem>>)
      %dma_wait3A = arith.constant 0 : i32
      %dma_wait3A_26 = tpu.memref_slice %arg10[%add3A_8, %dma_wait3A] : memref<10240x128xf32, #tpu.memory_space<vmem_shared>> -> memref<128x128xf32, #tpu.memory_space<vmem_shared>>
      tpu.wait_dma2 semaphore(%run_scoped3A : memref<!tpu.dma_semaphore, #tpu.memory_space<semaphore_mem>>) src(%arg5 : memref<128x128xf32, #tpu.memory_space<hbm>>) dst(%dma_wait3A_26 : memref<128x128xf32, #tpu.memory_space<vmem_shared>>)
      tpu.yield
    }) : () -> ()
    %add3A_9 = arith.constant 384 : i32
    %add3A_10 = arith.addi %mul3A_2, %add3A_9 : i32
    "tpu.region"() ({
      %run_scoped3A = tpu.sem_alloc : memref<!tpu.dma_semaphore, #tpu.memory_space<semaphore_mem>>
      %dma_start3A = arith.constant 0 : i32
      %dma_start3A_25 = tpu.memref_slice %arg10[%add3A_10, %dma_start3A] : memref<10240x128xf32, #tpu.memory_space<vmem_shared>> -> memref<128x128xf32, #tpu.memory_space<vmem_shared>>
      tpu.enqueue_dma source(%arg5 : memref<128x128xf32, #tpu.memory_space<hbm>>) target(%dma_start3A_25 : memref<128x128xf32, #tpu.memory_space<vmem_shared>>) target_semaphore(%run_scoped3A : memref<!tpu.dma_semaphore, #tpu.memory_space<semaphore_mem>>)
      %dma_wait3A = arith.constant 0 : i32
      %dma_wait3A_26 = tpu.memref_slice %arg10[%add3A_10, %dma_wait3A] : memref<10240x128xf32, #tpu.memory_space<vmem_shared>> -> memref<128x128xf32, #tpu.memory_space<vmem_shared>>
      tpu.wait_dma2 semaphore(%run_scoped3A : memref<!tpu.dma_semaphore, #tpu.memory_space<semaphore_mem>>) src(%arg5 : memref<128x128xf32, #tpu.memory_space<hbm>>) dst(%dma_wait3A_26 : memref<128x128xf32, #tpu.memory_space<vmem_shared>>)
      tpu.yield
    }) : () -> ()
    %add3A_11 = arith.constant 512 : i32
    %add3A_12 = arith.addi %mul3A_2, %add3A_11 : i32
    "tpu.region"() ({
      %run_scoped3A = tpu.sem_alloc : memref<!tpu.dma_semaphore, #tpu.memory_space<semaphore_mem>>
      %dma_start3A = arith.constant 0 : i32
      %dma_start3A_25 = tpu.memref_slice %arg10[%add3A_12, %dma_start3A] : memref<10240x128xf32, #tpu.memory_space<vmem_shared>> -> memref<128x128xf32, #tpu.memory_space<vmem_shared>>
      tpu.enqueue_dma source(%arg5 : memref<128x128xf32, #tpu.memory_space<hbm>>) target(%dma_start3A_25 : memref<128x128xf32, #tpu.memory_space<vmem_shared>>) target_semaphore(%run_scoped3A : memref<!tpu.dma_semaphore, #tpu.memory_space<semaphore_mem>>)
      %dma_wait3A = arith.constant 0 : i32
      %dma_wait3A_26 = tpu.memref_slice %arg10[%add3A_12, %dma_wait3A] : memref<10240x128xf32, #tpu.memory_space<vmem_shared>> -> memref<128x128xf32, #tpu.memory_space<vmem_shared>>
      tpu.wait_dma2 semaphore(%run_scoped3A : memref<!tpu.dma_semaphore, #tpu.memory_space<semaphore_mem>>) src(%arg5 : memref<128x128xf32, #tpu.memory_space<hbm>>) dst(%dma_wait3A_26 : memref<128x128xf32, #tpu.memory_space<vmem_shared>>)
      tpu.yield
    }) : () -> ()
    %barrier3A = arith.constant 0 : index
    tpu.barrier barrier_id(%barrier3A)
    "tpu.region"() ({
      %run_scoped3A = tpu.sem_alloc : memref<!tpu.dma_semaphore, #tpu.memory_space<semaphore_mem>>
      %dma_start3A = arith.constant 0 : i32
      %dma_start3A_25 = arith.constant 0 : i32
      %dma_start3A_26 = tpu.memref_slice %arg3[%add3A, %dma_start3A, %dma_start3A_25] : memref<32x40x256xi32, #tpu.memory_space<hbm>> -> memref<1x24x256xi32, #tpu.memory_space<hbm>>
      %dma_start3A_27 = tpu.memref_squeeze %dma_start3A_26 : memref<1x24x256xi32, #tpu.memory_space<hbm>> -> memref<24x256xi32, #tpu.memory_space<hbm>>
      %dma_start3A_28 = arith.constant 0 : i32
      %dma_start3A_29 = arith.constant 0 : i32
      %dma_start3A_30 = tpu.memref_slice %arg3[%add3A, %dma_start3A_28, %dma_start3A_29] : memref<32x40x256xi32, #tpu.memory_space<hbm>> -> memref<1x24x256xi32, #tpu.memory_space<hbm>>
      %dma_start3A_31 = tpu.memref_squeeze %dma_start3A_30 : memref<1x24x256xi32, #tpu.memory_space<hbm>> -> memref<24x256xi32, #tpu.memory_space<hbm>>
      tpu.enqueue_dma source(%dma_start3A_31 : memref<24x256xi32, #tpu.memory_space<hbm>>) target(%arg7 : memref<24x256xi32, #tpu.memory_space<vmem>>) target_semaphore(%run_scoped3A : memref<!tpu.dma_semaphore, #tpu.memory_space<semaphore_mem>>)
      %dma_wait3A = arith.constant 0 : i32
      %dma_wait3A_32 = arith.constant 0 : i32
      %dma_wait3A_33 = tpu.memref_slice %arg3[%add3A, %dma_wait3A, %dma_wait3A_32] : memref<32x40x256xi32, #tpu.memory_space<hbm>> -> memref<1x24x256xi32, #tpu.memory_space<hbm>>
      %dma_wait3A_34 = tpu.memref_squeeze %dma_wait3A_33 : memref<1x24x256xi32, #tpu.memory_space<hbm>> -> memref<24x256xi32, #tpu.memory_space<hbm>>
      %dma_wait3A_35 = arith.constant 0 : i32
      %dma_wait3A_36 = arith.constant 0 : i32
      %dma_wait3A_37 = tpu.memref_slice %arg3[%add3A, %dma_wait3A_35, %dma_wait3A_36] : memref<32x40x256xi32, #tpu.memory_space<hbm>> -> memref<1x24x256xi32, #tpu.memory_space<hbm>>
      %dma_wait3A_38 = tpu.memref_squeeze %dma_wait3A_37 : memref<1x24x256xi32, #tpu.memory_space<hbm>> -> memref<24x256xi32, #tpu.memory_space<hbm>>
      tpu.wait_dma2 semaphore(%run_scoped3A : memref<!tpu.dma_semaphore, #tpu.memory_space<semaphore_mem>>) src(%dma_wait3A_38 : memref<24x256xi32, #tpu.memory_space<hbm>>) dst(%arg7 : memref<24x256xi32, #tpu.memory_space<vmem>>)
      tpu.yield
    }) : () -> ()
    "tpu.region"() ({
      %run_scoped3A = tpu.sem_alloc : memref<!tpu.dma_semaphore, #tpu.memory_space<semaphore_mem>>
      %dma_start3A = arith.constant 0 : i32
      %dma_start3A_25 = arith.constant 0 : i32
      %dma_start3A_26 = tpu.memref_slice %arg4[%add3A, %dma_start3A, %dma_start3A_25] : memref<32x40x256xi32, #tpu.memory_space<hbm>> -> memref<1x24x256xi32, #tpu.memory_space<hbm>>
      %dma_start3A_27 = tpu.memref_squeeze %dma_start3A_26 : memref<1x24x256xi32, #tpu.memory_space<hbm>> -> memref<24x256xi32, #tpu.memory_space<hbm>>
      %dma_start3A_28 = arith.constant 0 : i32
      %dma_start3A_29 = arith.constant 0 : i32
      %dma_start3A_30 = tpu.memref_slice %arg4[%add3A, %dma_start3A_28, %dma_start3A_29] : memref<32x40x256xi32, #tpu.memory_space<hbm>> -> memref<1x24x256xi32, #tpu.memory_space<hbm>>
      %dma_start3A_31 = tpu.memref_squeeze %dma_start3A_30 : memref<1x24x256xi32, #tpu.memory_space<hbm>> -> memref<24x256xi32, #tpu.memory_space<hbm>>
      tpu.enqueue_dma source(%dma_start3A_31 : memref<24x256xi32, #tpu.memory_space<hbm>>) target(%arg8 : memref<24x256xi32, #tpu.memory_space<vmem>>) target_semaphore(%run_scoped3A : memref<!tpu.dma_semaphore, #tpu.memory_space<semaphore_mem>>)
      %dma_wait3A = arith.constant 0 : i32
      %dma_wait3A_32 = arith.constant 0 : i32
      %dma_wait3A_33 = tpu.memref_slice %arg4[%add3A, %dma_wait3A, %dma_wait3A_32] : memref<32x40x256xi32, #tpu.memory_space<hbm>> -> memref<1x24x256xi32, #tpu.memory_space<hbm>>
      %dma_wait3A_34 = tpu.memref_squeeze %dma_wait3A_33 : memref<1x24x256xi32, #tpu.memory_space<hbm>> -> memref<24x256xi32, #tpu.memory_space<hbm>>
      %dma_wait3A_35 = arith.constant 0 : i32
      %dma_wait3A_36 = arith.constant 0 : i32
      %dma_wait3A_37 = tpu.memref_slice %arg4[%add3A, %dma_wait3A_35, %dma_wait3A_36] : memref<32x40x256xi32, #tpu.memory_space<hbm>> -> memref<1x24x256xi32, #tpu.memory_space<hbm>>
      %dma_wait3A_38 = tpu.memref_squeeze %dma_wait3A_37 : memref<1x24x256xi32, #tpu.memory_space<hbm>> -> memref<24x256xi32, #tpu.memory_space<hbm>>
      tpu.wait_dma2 semaphore(%run_scoped3A : memref<!tpu.dma_semaphore, #tpu.memory_space<semaphore_mem>>) src(%dma_wait3A_38 : memref<24x256xi32, #tpu.memory_space<hbm>>) dst(%arg8 : memref<24x256xi32, #tpu.memory_space<vmem>>)
      tpu.yield
    }) : () -> ()
    %scan3A = arith.constant 0 : i32
    %scan3A_13 = arith.constant 0 : i32
    %scan3A_14 = arith.constant 24 : i32
    %scan3A_15 = arith.addi %scan3A_13, %scan3A_14 : i32
    %scan3A_16 = arith.constant 1 : i32
    scf.for %scan3A_25 = %scan3A_13 to %scan3A_15 step %scan3A_16  : i32 {
      %add3A_26 = arith.constant 0 : i32
      %add3A_27 = arith.addi %add3A_26, %scan3A_25 : i32
      "tpu.region"() ({
        %run_scoped3A = tpu.sem_alloc : memref<!tpu.dma_semaphore, #tpu.memory_space<semaphore_mem>>
        %dma_start3A = arith.constant 0 : i32
        %dma_start3A_28 = tpu.memref_slice %arg7[%add3A_27, %dma_start3A] : memref<24x256xi32, #tpu.memory_space<vmem>> -> memref<1x256xi32, #tpu.memory_space<vmem>>
        %dma_start3A_29 = tpu.memref_squeeze %dma_start3A_28 : memref<1x256xi32, #tpu.memory_space<vmem>> -> memref<256xi32, #tpu.memory_space<vmem>>
        %dma_start3A_30 = arith.constant 0 : i32
        %dma_start3A_31 = arith.constant 0 : i32
        %dma_start3A_32 = tpu.memref_slice %arg2[%dma_start3A_30, %dma_start3A_31] : memref<10240x128xf32, #tpu.memory_space<hbm>> -> memref<10240x128xf32, #tpu.memory_space<hbm>>
        tpu.enqueue_indirect_dma source(%dma_start3A_32 : memref<10240x128xf32, #tpu.memory_space<hbm>>) target(%arg9 : memref<256x128xf32, #tpu.memory_space<vmem>>) offsets(%dma_start3A_29 : memref<256xi32, #tpu.memory_space<vmem>>) semaphore(%run_scoped3A : memref<!tpu.dma_semaphore, #tpu.memory_space<semaphore_mem>>)
        %dma_wait3A = arith.constant 0 : i32
        %dma_wait3A_33 = tpu.memref_slice %arg7[%add3A_27, %dma_wait3A] : memref<24x256xi32, #tpu.memory_space<vmem>> -> memref<1x256xi32, #tpu.memory_space<vmem>>
        %dma_wait3A_34 = tpu.memref_squeeze %dma_wait3A_33 : memref<1x256xi32, #tpu.memory_space<vmem>> -> memref<256xi32, #tpu.memory_space<vmem>>
        %dma_wait3A_35 = arith.constant 0 : i32
        %dma_wait3A_36 = arith.constant 0 : i32
        %dma_wait3A_37 = tpu.memref_slice %arg2[%dma_wait3A_35, %dma_wait3A_36] : memref<10240x128xf32, #tpu.memory_space<hbm>> -> memref<10240x128xf32, #tpu.memory_space<hbm>>
        tpu.wait_indirect_dma semaphore(%run_scoped3A : memref<!tpu.dma_semaphore, #tpu.memory_space<semaphore_mem>>) src(%dma_wait3A_37 : memref<10240x128xf32, #tpu.memory_space<hbm>>) dst(%arg9 : memref<256x128xf32, #tpu.memory_space<vmem>>)
        tpu.yield
      }) : () -> ()
      "tpu.region"() ({
        %run_scoped3A = tpu.sem_alloc : memref<!tpu.dma_semaphore, #tpu.memory_space<semaphore_mem>>
        %dma_start3A = arith.constant 0 : i32
        %dma_start3A_28 = tpu.memref_slice %arg8[%add3A_27, %dma_start3A] : memref<24x256xi32, #tpu.memory_space<vmem>> -> memref<1x256xi32, #tpu.memory_space<vmem>>
        %dma_start3A_29 = tpu.memref_squeeze %dma_start3A_28 : memref<1x256xi32, #tpu.memory_space<vmem>> -> memref<256xi32, #tpu.memory_space<vmem>>
        %dma_start3A_30 = arith.constant 0 : i32
        %dma_start3A_31 = arith.constant 0 : i32
        %dma_start3A_32 = tpu.memref_slice %arg10[%dma_start3A_30, %dma_start3A_31] : memref<10240x128xf32, #tpu.memory_space<vmem_shared>> -> memref<10240x128xf32, #tpu.memory_space<vmem_shared>>
        tpu.enqueue_indirect_dma source(%arg9 : memref<256x128xf32, #tpu.memory_space<vmem>>) target(%dma_start3A_32 : memref<10240x128xf32, #tpu.memory_space<vmem_shared>>) offsets(%dma_start3A_29 : memref<256xi32, #tpu.memory_space<vmem>>) semaphore(%run_scoped3A : memref<!tpu.dma_semaphore, #tpu.memory_space<semaphore_mem>>) {add = true}
        %dma_wait3A = arith.constant 0 : i32
        %dma_wait3A_33 = tpu.memref_slice %arg8[%add3A_27, %dma_wait3A] : memref<24x256xi32, #tpu.memory_space<vmem>> -> memref<1x256xi32, #tpu.memory_space<vmem>>
        %dma_wait3A_34 = tpu.memref_squeeze %dma_wait3A_33 : memref<1x256xi32, #tpu.memory_space<vmem>> -> memref<256xi32, #tpu.memory_space<vmem>>
        %dma_wait3A_35 = arith.constant 0 : i32
        %dma_wait3A_36 = arith.constant 0 : i32
        %dma_wait3A_37 = tpu.memref_slice %arg10[%dma_wait3A_35, %dma_wait3A_36] : memref<10240x128xf32, #tpu.memory_space<vmem_shared>> -> memref<10240x128xf32, #tpu.memory_space<vmem_shared>>
        tpu.wait_indirect_dma semaphore(%run_scoped3A : memref<!tpu.dma_semaphore, #tpu.memory_space<semaphore_mem>>) src(%arg9 : memref<256x128xf32, #tpu.memory_space<vmem>>) dst(%dma_wait3A_37 : memref<10240x128xf32, #tpu.memory_space<vmem_shared>>)
        tpu.yield
      }) : () -> ()
    }
    %scan3A_17 = arith.constant 24 : i32
    "tpu.region"() ({
      %run_scoped3A = tpu.sem_alloc : memref<!tpu.dma_semaphore, #tpu.memory_space<semaphore_mem>>
      %dma_start3A = arith.constant 16 : i32
      %dma_start3A_25 = arith.constant 0 : i32
      %dma_start3A_26 = tpu.memref_slice %arg3[%add3A, %dma_start3A, %dma_start3A_25] : memref<32x40x256xi32, #tpu.memory_space<hbm>> -> memref<1x24x256xi32, #tpu.memory_space<hbm>>
      %dma_start3A_27 = tpu.memref_squeeze %dma_start3A_26 : memref<1x24x256xi32, #tpu.memory_space<hbm>> -> memref<24x256xi32, #tpu.memory_space<hbm>>
      %dma_start3A_28 = arith.constant 16 : i32
      %dma_start3A_29 = arith.constant 0 : i32
      %dma_start3A_30 = tpu.memref_slice %arg3[%add3A, %dma_start3A_28, %dma_start3A_29] : memref<32x40x256xi32, #tpu.memory_space<hbm>> -> memref<1x24x256xi32, #tpu.memory_space<hbm>>
      %dma_start3A_31 = tpu.memref_squeeze %dma_start3A_30 : memref<1x24x256xi32, #tpu.memory_space<hbm>> -> memref<24x256xi32, #tpu.memory_space<hbm>>
      tpu.enqueue_dma source(%dma_start3A_31 : memref<24x256xi32, #tpu.memory_space<hbm>>) target(%arg7 : memref<24x256xi32, #tpu.memory_space<vmem>>) target_semaphore(%run_scoped3A : memref<!tpu.dma_semaphore, #tpu.memory_space<semaphore_mem>>)
      %dma_wait3A = arith.constant 16 : i32
      %dma_wait3A_32 = arith.constant 0 : i32
      %dma_wait3A_33 = tpu.memref_slice %arg3[%add3A, %dma_wait3A, %dma_wait3A_32] : memref<32x40x256xi32, #tpu.memory_space<hbm>> -> memref<1x24x256xi32, #tpu.memory_space<hbm>>
      %dma_wait3A_34 = tpu.memref_squeeze %dma_wait3A_33 : memref<1x24x256xi32, #tpu.memory_space<hbm>> -> memref<24x256xi32, #tpu.memory_space<hbm>>
      %dma_wait3A_35 = arith.constant 16 : i32
      %dma_wait3A_36 = arith.constant 0 : i32
      %dma_wait3A_37 = tpu.memref_slice %arg3[%add3A, %dma_wait3A_35, %dma_wait3A_36] : memref<32x40x256xi32, #tpu.memory_space<hbm>> -> memref<1x24x256xi32, #tpu.memory_space<hbm>>
      %dma_wait3A_38 = tpu.memref_squeeze %dma_wait3A_37 : memref<1x24x256xi32, #tpu.memory_space<hbm>> -> memref<24x256xi32, #tpu.memory_space<hbm>>
      tpu.wait_dma2 semaphore(%run_scoped3A : memref<!tpu.dma_semaphore, #tpu.memory_space<semaphore_mem>>) src(%dma_wait3A_38 : memref<24x256xi32, #tpu.memory_space<hbm>>) dst(%arg7 : memref<24x256xi32, #tpu.memory_space<vmem>>)
      tpu.yield
    }) : () -> ()
    "tpu.region"() ({
      %run_scoped3A = tpu.sem_alloc : memref<!tpu.dma_semaphore, #tpu.memory_space<semaphore_mem>>
      %dma_start3A = arith.constant 16 : i32
      %dma_start3A_25 = arith.constant 0 : i32
      %dma_start3A_26 = tpu.memref_slice %arg4[%add3A, %dma_start3A, %dma_start3A_25] : memref<32x40x256xi32, #tpu.memory_space<hbm>> -> memref<1x24x256xi32, #tpu.memory_space<hbm>>
      %dma_start3A_27 = tpu.memref_squeeze %dma_start3A_26 : memref<1x24x256xi32, #tpu.memory_space<hbm>> -> memref<24x256xi32, #tpu.memory_space<hbm>>
      %dma_start3A_28 = arith.constant 16 : i32
      %dma_start3A_29 = arith.constant 0 : i32
      %dma_start3A_30 = tpu.memref_slice %arg4[%add3A, %dma_start3A_28, %dma_start3A_29] : memref<32x40x256xi32, #tpu.memory_space<hbm>> -> memref<1x24x256xi32, #tpu.memory_space<hbm>>
      %dma_start3A_31 = tpu.memref_squeeze %dma_start3A_30 : memref<1x24x256xi32, #tpu.memory_space<hbm>> -> memref<24x256xi32, #tpu.memory_space<hbm>>
      tpu.enqueue_dma source(%dma_start3A_31 : memref<24x256xi32, #tpu.memory_space<hbm>>) target(%arg8 : memref<24x256xi32, #tpu.memory_space<vmem>>) target_semaphore(%run_scoped3A : memref<!tpu.dma_semaphore, #tpu.memory_space<semaphore_mem>>)
      %dma_wait3A = arith.constant 16 : i32
      %dma_wait3A_32 = arith.constant 0 : i32
      %dma_wait3A_33 = tpu.memref_slice %arg4[%add3A, %dma_wait3A, %dma_wait3A_32] : memref<32x40x256xi32, #tpu.memory_space<hbm>> -> memref<1x24x256xi32, #tpu.memory_space<hbm>>
      %dma_wait3A_34 = tpu.memref_squeeze %dma_wait3A_33 : memref<1x24x256xi32, #tpu.memory_space<hbm>> -> memref<24x256xi32, #tpu.memory_space<hbm>>
      %dma_wait3A_35 = arith.constant 16 : i32
      %dma_wait3A_36 = arith.constant 0 : i32
      %dma_wait3A_37 = tpu.memref_slice %arg4[%add3A, %dma_wait3A_35, %dma_wait3A_36] : memref<32x40x256xi32, #tpu.memory_space<hbm>> -> memref<1x24x256xi32, #tpu.memory_space<hbm>>
      %dma_wait3A_38 = tpu.memref_squeeze %dma_wait3A_37 : memref<1x24x256xi32, #tpu.memory_space<hbm>> -> memref<24x256xi32, #tpu.memory_space<hbm>>
      tpu.wait_dma2 semaphore(%run_scoped3A : memref<!tpu.dma_semaphore, #tpu.memory_space<semaphore_mem>>) src(%dma_wait3A_38 : memref<24x256xi32, #tpu.memory_space<hbm>>) dst(%arg8 : memref<24x256xi32, #tpu.memory_space<vmem>>)
      tpu.yield
    }) : () -> ()
    %scan3A_18 = arith.constant 0 : i32
    %scan3A_19 = arith.constant 0 : i32
    %scan3A_20 = arith.constant 16 : i32
    %scan3A_21 = arith.addi %scan3A_19, %scan3A_20 : i32
    %scan3A_22 = arith.constant 1 : i32
    scf.for %scan3A_25 = %scan3A_19 to %scan3A_21 step %scan3A_22  : i32 {
      %add3A_26 = arith.constant 8 : i32
      %add3A_27 = arith.addi %add3A_26, %scan3A_25 : i32
      "tpu.region"() ({
        %run_scoped3A = tpu.sem_alloc : memref<!tpu.dma_semaphore, #tpu.memory_space<semaphore_mem>>
        %dma_start3A = arith.constant 0 : i32
        %dma_start3A_28 = tpu.memref_slice %arg7[%add3A_27, %dma_start3A] : memref<24x256xi32, #tpu.memory_space<vmem>> -> memref<1x256xi32, #tpu.memory_space<vmem>>
        %dma_start3A_29 = tpu.memref_squeeze %dma_start3A_28 : memref<1x256xi32, #tpu.memory_space<vmem>> -> memref<256xi32, #tpu.memory_space<vmem>>
        %dma_start3A_30 = arith.constant 0 : i32
        %dma_start3A_31 = arith.constant 0 : i32
        %dma_start3A_32 = tpu.memref_slice %arg2[%dma_start3A_30, %dma_start3A_31] : memref<10240x128xf32, #tpu.memory_space<hbm>> -> memref<10240x128xf32, #tpu.memory_space<hbm>>
        tpu.enqueue_indirect_dma source(%dma_start3A_32 : memref<10240x128xf32, #tpu.memory_space<hbm>>) target(%arg9 : memref<256x128xf32, #tpu.memory_space<vmem>>) offsets(%dma_start3A_29 : memref<256xi32, #tpu.memory_space<vmem>>) semaphore(%run_scoped3A : memref<!tpu.dma_semaphore, #tpu.memory_space<semaphore_mem>>)
        %dma_wait3A = arith.constant 0 : i32
        %dma_wait3A_33 = tpu.memref_slice %arg7[%add3A_27, %dma_wait3A] : memref<24x256xi32, #tpu.memory_space<vmem>> -> memref<1x256xi32, #tpu.memory_space<vmem>>
        %dma_wait3A_34 = tpu.memref_squeeze %dma_wait3A_33 : memref<1x256xi32, #tpu.memory_space<vmem>> -> memref<256xi32, #tpu.memory_space<vmem>>
        %dma_wait3A_35 = arith.constant 0 : i32
        %dma_wait3A_36 = arith.constant 0 : i32
        %dma_wait3A_37 = tpu.memref_slice %arg2[%dma_wait3A_35, %dma_wait3A_36] : memref<10240x128xf32, #tpu.memory_space<hbm>> -> memref<10240x128xf32, #tpu.memory_space<hbm>>
        tpu.wait_indirect_dma semaphore(%run_scoped3A : memref<!tpu.dma_semaphore, #tpu.memory_space<semaphore_mem>>) src(%dma_wait3A_37 : memref<10240x128xf32, #tpu.memory_space<hbm>>) dst(%arg9 : memref<256x128xf32, #tpu.memory_space<vmem>>)
        tpu.yield
      }) : () -> ()
      "tpu.region"() ({
        %run_scoped3A = tpu.sem_alloc : memref<!tpu.dma_semaphore, #tpu.memory_space<semaphore_mem>>
        %dma_start3A = arith.constant 0 : i32
        %dma_start3A_28 = tpu.memref_slice %arg8[%add3A_27, %dma_start3A] : memref<24x256xi32, #tpu.memory_space<vmem>> -> memref<1x256xi32, #tpu.memory_space<vmem>>
        %dma_start3A_29 = tpu.memref_squeeze %dma_start3A_28 : memref<1x256xi32, #tpu.memory_space<vmem>> -> memref<256xi32, #tpu.memory_space<vmem>>
        %dma_start3A_30 = arith.constant 0 : i32
        %dma_start3A_31 = arith.constant 0 : i32
        %dma_start3A_32 = tpu.memref_slice %arg10[%dma_start3A_30, %dma_start3A_31] : memref<10240x128xf32, #tpu.memory_space<vmem_shared>> -> memref<10240x128xf32, #tpu.memory_space<vmem_shared>>
        tpu.enqueue_indirect_dma source(%arg9 : memref<256x128xf32, #tpu.memory_space<vmem>>) target(%dma_start3A_32 : memref<10240x128xf32, #tpu.memory_space<vmem_shared>>) offsets(%dma_start3A_29 : memref<256xi32, #tpu.memory_space<vmem>>) semaphore(%run_scoped3A : memref<!tpu.dma_semaphore, #tpu.memory_space<semaphore_mem>>) {add = true}
        %dma_wait3A = arith.constant 0 : i32
        %dma_wait3A_33 = tpu.memref_slice %arg8[%add3A_27, %dma_wait3A] : memref<24x256xi32, #tpu.memory_space<vmem>> -> memref<1x256xi32, #tpu.memory_space<vmem>>
        %dma_wait3A_34 = tpu.memref_squeeze %dma_wait3A_33 : memref<1x256xi32, #tpu.memory_space<vmem>> -> memref<256xi32, #tpu.memory_space<vmem>>
        %dma_wait3A_35 = arith.constant 0 : i32
        %dma_wait3A_36 = arith.constant 0 : i32
        %dma_wait3A_37 = tpu.memref_slice %arg10[%dma_wait3A_35, %dma_wait3A_36] : memref<10240x128xf32, #tpu.memory_space<vmem_shared>> -> memref<10240x128xf32, #tpu.memory_space<vmem_shared>>
        tpu.wait_indirect_dma semaphore(%run_scoped3A : memref<!tpu.dma_semaphore, #tpu.memory_space<semaphore_mem>>) src(%arg9 : memref<256x128xf32, #tpu.memory_space<vmem>>) dst(%dma_wait3A_37 : memref<10240x128xf32, #tpu.memory_space<vmem_shared>>)
        tpu.yield
      }) : () -> ()
    }
    %scan3A_23 = arith.constant 16 : i32
    %barrier3A_24 = arith.constant 0 : index
    tpu.barrier barrier_id(%barrier3A_24)
    "tpu.region"() ({
      %run_scoped3A = tpu.sem_alloc : memref<!tpu.dma_semaphore, #tpu.memory_space<semaphore_mem>>
      %dma_start3A = arith.constant 0 : i32
      %dma_start3A_25 = tpu.memref_slice %arg6[%arg0, %mul3A_2, %dma_start3A] : memref<2x10240x128xf32, #tpu.memory_space<hbm>> -> memref<1x640x128xf32, #tpu.memory_space<hbm>>
      %dma_start3A_26 = tpu.memref_squeeze %dma_start3A_25 : memref<1x640x128xf32, #tpu.memory_space<hbm>> -> memref<640x128xf32, #tpu.memory_space<hbm>>
      %dma_start3A_27 = arith.constant 0 : i32
      %dma_start3A_28 = tpu.memref_slice %arg10[%mul3A_2, %dma_start3A_27] : memref<10240x128xf32, #tpu.memory_space<vmem_shared>> -> memref<640x128xf32, #tpu.memory_space<vmem_shared>>
      tpu.enqueue_dma source(%dma_start3A_28 : memref<640x128xf32, #tpu.memory_space<vmem_shared>>) target(%dma_start3A_26 : memref<640x128xf32, #tpu.memory_space<hbm>>) target_semaphore(%run_scoped3A : memref<!tpu.dma_semaphore, #tpu.memory_space<semaphore_mem>>)
      %dma_wait3A = arith.constant 0 : i32
      %dma_wait3A_29 = tpu.memref_slice %arg6[%arg0, %mul3A_2, %dma_wait3A] : memref<2x10240x128xf32, #tpu.memory_space<hbm>> -> memref<1x640x128xf32, #tpu.memory_space<hbm>>
      %dma_wait3A_30 = tpu.memref_squeeze %dma_wait3A_29 : memref<1x640x128xf32, #tpu.memory_space<hbm>> -> memref<640x128xf32, #tpu.memory_space<hbm>>
      %dma_wait3A_31 = arith.constant 0 : i32
      %dma_wait3A_32 = tpu.memref_slice %arg10[%mul3A_2, %dma_wait3A_31] : memref<10240x128xf32, #tpu.memory_space<vmem_shared>> -> memref<640x128xf32, #tpu.memory_space<vmem_shared>>
      tpu.wait_dma2 semaphore(%run_scoped3A : memref<!tpu.dma_semaphore, #tpu.memory_space<semaphore_mem>>) src(%dma_wait3A_32 : memref<640x128xf32, #tpu.memory_space<vmem_shared>>) dst(%dma_wait3A_30 : memref<640x128xf32, #tpu.memory_space<hbm>>)
      tpu.yield
    }) : () -> ()
    return
  }
}

#map = affine_map<(d0, d1) -> (0, 0)>
#map1 = affine_map<(d0, d1) -> (0, 0, 0)>
module attributes {stable_mosaic.version = 14 : i64} {
  func.func @agg(%arg0: i32, %arg1: i32, %arg2: memref<10240x16xf32, #tpu.memory_space<hbm>>, %arg3: memref<32x40x256xi32, #tpu.memory_space<hbm>>, %arg4: memref<32x40x256xi32, #tpu.memory_space<hbm>>, %arg5: memref<128x16xf32, #tpu.memory_space<hbm>>, %arg6: memref<2x10240x16xf32, #tpu.memory_space<hbm>>, %arg7: memref<40x256xi32, #tpu.memory_space<vmem>>, %arg8: memref<40x256xi32, #tpu.memory_space<vmem>>, %arg9: memref<256x16xf32, #tpu.memory_space<vmem>>, %arg10: memref<10240x16xf32, #tpu.memory_space<vmem_shared>>) attributes {dimension_semantics = [#tpu.dimension_semantics<core_parallel>, #tpu.dimension_semantics<subcore_parallel>], iteration_bounds = array<i64: 2, 16>, scalar_prefetch = 0 : i64, scratch_operands = 4 : i64, tpu.core_type = #tpu.core_type<sc_vector_subcore>, window_params = [{transform_indices = #map}, {transform_indices = #map1}, {transform_indices = #map1}, {transform_indices = #map}, {transform_indices = #map1}]} {
    %mul3A = arith.constant 2 : i32
    %mul3A_0 = arith.muli %arg1, %mul3A : i32
    %add3A = arith.addi %mul3A_0, %arg0 : i32
    %mul3A_1 = arith.constant 640 : i32
    %mul3A_2 = arith.muli %arg1, %mul3A_1 : i32
    %add3A_3 = arith.constant 0 : i32
    %add3A_4 = arith.addi %mul3A_2, %add3A_3 : i32
    "tpu.region"() ({
      %run_scoped3A = tpu.sem_alloc : memref<!tpu.dma_semaphore, #tpu.memory_space<semaphore_mem>>
      %dma_start3A = arith.constant 0 : i32
      %dma_start3A_19 = tpu.memref_slice %arg10[%add3A_4, %dma_start3A] : memref<10240x16xf32, #tpu.memory_space<vmem_shared>> -> memref<128x16xf32, #tpu.memory_space<vmem_shared>>
      tpu.enqueue_dma source(%arg5 : memref<128x16xf32, #tpu.memory_space<hbm>>) target(%dma_start3A_19 : memref<128x16xf32, #tpu.memory_space<vmem_shared>>) target_semaphore(%run_scoped3A : memref<!tpu.dma_semaphore, #tpu.memory_space<semaphore_mem>>)
      %dma_wait3A = arith.constant 0 : i32
      %dma_wait3A_20 = tpu.memref_slice %arg10[%add3A_4, %dma_wait3A] : memref<10240x16xf32, #tpu.memory_space<vmem_shared>> -> memref<128x16xf32, #tpu.memory_space<vmem_shared>>
      tpu.wait_dma2 semaphore(%run_scoped3A : memref<!tpu.dma_semaphore, #tpu.memory_space<semaphore_mem>>) src(%arg5 : memref<128x16xf32, #tpu.memory_space<hbm>>) dst(%dma_wait3A_20 : memref<128x16xf32, #tpu.memory_space<vmem_shared>>)
      tpu.yield
    }) : () -> ()
    %add3A_5 = arith.constant 128 : i32
    %add3A_6 = arith.addi %mul3A_2, %add3A_5 : i32
    "tpu.region"() ({
      %run_scoped3A = tpu.sem_alloc : memref<!tpu.dma_semaphore, #tpu.memory_space<semaphore_mem>>
      %dma_start3A = arith.constant 0 : i32
      %dma_start3A_19 = tpu.memref_slice %arg10[%add3A_6, %dma_start3A] : memref<10240x16xf32, #tpu.memory_space<vmem_shared>> -> memref<128x16xf32, #tpu.memory_space<vmem_shared>>
      tpu.enqueue_dma source(%arg5 : memref<128x16xf32, #tpu.memory_space<hbm>>) target(%dma_start3A_19 : memref<128x16xf32, #tpu.memory_space<vmem_shared>>) target_semaphore(%run_scoped3A : memref<!tpu.dma_semaphore, #tpu.memory_space<semaphore_mem>>)
      %dma_wait3A = arith.constant 0 : i32
      %dma_wait3A_20 = tpu.memref_slice %arg10[%add3A_6, %dma_wait3A] : memref<10240x16xf32, #tpu.memory_space<vmem_shared>> -> memref<128x16xf32, #tpu.memory_space<vmem_shared>>
      tpu.wait_dma2 semaphore(%run_scoped3A : memref<!tpu.dma_semaphore, #tpu.memory_space<semaphore_mem>>) src(%arg5 : memref<128x16xf32, #tpu.memory_space<hbm>>) dst(%dma_wait3A_20 : memref<128x16xf32, #tpu.memory_space<vmem_shared>>)
      tpu.yield
    }) : () -> ()
    %add3A_7 = arith.constant 256 : i32
    %add3A_8 = arith.addi %mul3A_2, %add3A_7 : i32
    "tpu.region"() ({
      %run_scoped3A = tpu.sem_alloc : memref<!tpu.dma_semaphore, #tpu.memory_space<semaphore_mem>>
      %dma_start3A = arith.constant 0 : i32
      %dma_start3A_19 = tpu.memref_slice %arg10[%add3A_8, %dma_start3A] : memref<10240x16xf32, #tpu.memory_space<vmem_shared>> -> memref<128x16xf32, #tpu.memory_space<vmem_shared>>
      tpu.enqueue_dma source(%arg5 : memref<128x16xf32, #tpu.memory_space<hbm>>) target(%dma_start3A_19 : memref<128x16xf32, #tpu.memory_space<vmem_shared>>) target_semaphore(%run_scoped3A : memref<!tpu.dma_semaphore, #tpu.memory_space<semaphore_mem>>)
      %dma_wait3A = arith.constant 0 : i32
      %dma_wait3A_20 = tpu.memref_slice %arg10[%add3A_8, %dma_wait3A] : memref<10240x16xf32, #tpu.memory_space<vmem_shared>> -> memref<128x16xf32, #tpu.memory_space<vmem_shared>>
      tpu.wait_dma2 semaphore(%run_scoped3A : memref<!tpu.dma_semaphore, #tpu.memory_space<semaphore_mem>>) src(%arg5 : memref<128x16xf32, #tpu.memory_space<hbm>>) dst(%dma_wait3A_20 : memref<128x16xf32, #tpu.memory_space<vmem_shared>>)
      tpu.yield
    }) : () -> ()
    %add3A_9 = arith.constant 384 : i32
    %add3A_10 = arith.addi %mul3A_2, %add3A_9 : i32
    "tpu.region"() ({
      %run_scoped3A = tpu.sem_alloc : memref<!tpu.dma_semaphore, #tpu.memory_space<semaphore_mem>>
      %dma_start3A = arith.constant 0 : i32
      %dma_start3A_19 = tpu.memref_slice %arg10[%add3A_10, %dma_start3A] : memref<10240x16xf32, #tpu.memory_space<vmem_shared>> -> memref<128x16xf32, #tpu.memory_space<vmem_shared>>
      tpu.enqueue_dma source(%arg5 : memref<128x16xf32, #tpu.memory_space<hbm>>) target(%dma_start3A_19 : memref<128x16xf32, #tpu.memory_space<vmem_shared>>) target_semaphore(%run_scoped3A : memref<!tpu.dma_semaphore, #tpu.memory_space<semaphore_mem>>)
      %dma_wait3A = arith.constant 0 : i32
      %dma_wait3A_20 = tpu.memref_slice %arg10[%add3A_10, %dma_wait3A] : memref<10240x16xf32, #tpu.memory_space<vmem_shared>> -> memref<128x16xf32, #tpu.memory_space<vmem_shared>>
      tpu.wait_dma2 semaphore(%run_scoped3A : memref<!tpu.dma_semaphore, #tpu.memory_space<semaphore_mem>>) src(%arg5 : memref<128x16xf32, #tpu.memory_space<hbm>>) dst(%dma_wait3A_20 : memref<128x16xf32, #tpu.memory_space<vmem_shared>>)
      tpu.yield
    }) : () -> ()
    %add3A_11 = arith.constant 512 : i32
    %add3A_12 = arith.addi %mul3A_2, %add3A_11 : i32
    "tpu.region"() ({
      %run_scoped3A = tpu.sem_alloc : memref<!tpu.dma_semaphore, #tpu.memory_space<semaphore_mem>>
      %dma_start3A = arith.constant 0 : i32
      %dma_start3A_19 = tpu.memref_slice %arg10[%add3A_12, %dma_start3A] : memref<10240x16xf32, #tpu.memory_space<vmem_shared>> -> memref<128x16xf32, #tpu.memory_space<vmem_shared>>
      tpu.enqueue_dma source(%arg5 : memref<128x16xf32, #tpu.memory_space<hbm>>) target(%dma_start3A_19 : memref<128x16xf32, #tpu.memory_space<vmem_shared>>) target_semaphore(%run_scoped3A : memref<!tpu.dma_semaphore, #tpu.memory_space<semaphore_mem>>)
      %dma_wait3A = arith.constant 0 : i32
      %dma_wait3A_20 = tpu.memref_slice %arg10[%add3A_12, %dma_wait3A] : memref<10240x16xf32, #tpu.memory_space<vmem_shared>> -> memref<128x16xf32, #tpu.memory_space<vmem_shared>>
      tpu.wait_dma2 semaphore(%run_scoped3A : memref<!tpu.dma_semaphore, #tpu.memory_space<semaphore_mem>>) src(%arg5 : memref<128x16xf32, #tpu.memory_space<hbm>>) dst(%dma_wait3A_20 : memref<128x16xf32, #tpu.memory_space<vmem_shared>>)
      tpu.yield
    }) : () -> ()
    %barrier3A = arith.constant 0 : index
    tpu.barrier barrier_id(%barrier3A)
    "tpu.region"() ({
      %run_scoped3A = tpu.sem_alloc : memref<!tpu.dma_semaphore, #tpu.memory_space<semaphore_mem>>
      %dma_start3A = arith.constant 0 : i32
      %dma_start3A_19 = arith.constant 0 : i32
      %dma_start3A_20 = tpu.memref_slice %arg3[%add3A, %dma_start3A, %dma_start3A_19] : memref<32x40x256xi32, #tpu.memory_space<hbm>> -> memref<1x40x256xi32, #tpu.memory_space<hbm>>
      %dma_start3A_21 = tpu.memref_squeeze %dma_start3A_20 : memref<1x40x256xi32, #tpu.memory_space<hbm>> -> memref<40x256xi32, #tpu.memory_space<hbm>>
      %dma_start3A_22 = arith.constant 0 : i32
      %dma_start3A_23 = arith.constant 0 : i32
      %dma_start3A_24 = tpu.memref_slice %arg3[%add3A, %dma_start3A_22, %dma_start3A_23] : memref<32x40x256xi32, #tpu.memory_space<hbm>> -> memref<1x40x256xi32, #tpu.memory_space<hbm>>
      %dma_start3A_25 = tpu.memref_squeeze %dma_start3A_24 : memref<1x40x256xi32, #tpu.memory_space<hbm>> -> memref<40x256xi32, #tpu.memory_space<hbm>>
      tpu.enqueue_dma source(%dma_start3A_25 : memref<40x256xi32, #tpu.memory_space<hbm>>) target(%arg7 : memref<40x256xi32, #tpu.memory_space<vmem>>) target_semaphore(%run_scoped3A : memref<!tpu.dma_semaphore, #tpu.memory_space<semaphore_mem>>)
      %dma_wait3A = arith.constant 0 : i32
      %dma_wait3A_26 = arith.constant 0 : i32
      %dma_wait3A_27 = tpu.memref_slice %arg3[%add3A, %dma_wait3A, %dma_wait3A_26] : memref<32x40x256xi32, #tpu.memory_space<hbm>> -> memref<1x40x256xi32, #tpu.memory_space<hbm>>
      %dma_wait3A_28 = tpu.memref_squeeze %dma_wait3A_27 : memref<1x40x256xi32, #tpu.memory_space<hbm>> -> memref<40x256xi32, #tpu.memory_space<hbm>>
      %dma_wait3A_29 = arith.constant 0 : i32
      %dma_wait3A_30 = arith.constant 0 : i32
      %dma_wait3A_31 = tpu.memref_slice %arg3[%add3A, %dma_wait3A_29, %dma_wait3A_30] : memref<32x40x256xi32, #tpu.memory_space<hbm>> -> memref<1x40x256xi32, #tpu.memory_space<hbm>>
      %dma_wait3A_32 = tpu.memref_squeeze %dma_wait3A_31 : memref<1x40x256xi32, #tpu.memory_space<hbm>> -> memref<40x256xi32, #tpu.memory_space<hbm>>
      tpu.wait_dma2 semaphore(%run_scoped3A : memref<!tpu.dma_semaphore, #tpu.memory_space<semaphore_mem>>) src(%dma_wait3A_32 : memref<40x256xi32, #tpu.memory_space<hbm>>) dst(%arg7 : memref<40x256xi32, #tpu.memory_space<vmem>>)
      tpu.yield
    }) : () -> ()
    "tpu.region"() ({
      %run_scoped3A = tpu.sem_alloc : memref<!tpu.dma_semaphore, #tpu.memory_space<semaphore_mem>>
      %dma_start3A = arith.constant 0 : i32
      %dma_start3A_19 = arith.constant 0 : i32
      %dma_start3A_20 = tpu.memref_slice %arg4[%add3A, %dma_start3A, %dma_start3A_19] : memref<32x40x256xi32, #tpu.memory_space<hbm>> -> memref<1x40x256xi32, #tpu.memory_space<hbm>>
      %dma_start3A_21 = tpu.memref_squeeze %dma_start3A_20 : memref<1x40x256xi32, #tpu.memory_space<hbm>> -> memref<40x256xi32, #tpu.memory_space<hbm>>
      %dma_start3A_22 = arith.constant 0 : i32
      %dma_start3A_23 = arith.constant 0 : i32
      %dma_start3A_24 = tpu.memref_slice %arg4[%add3A, %dma_start3A_22, %dma_start3A_23] : memref<32x40x256xi32, #tpu.memory_space<hbm>> -> memref<1x40x256xi32, #tpu.memory_space<hbm>>
      %dma_start3A_25 = tpu.memref_squeeze %dma_start3A_24 : memref<1x40x256xi32, #tpu.memory_space<hbm>> -> memref<40x256xi32, #tpu.memory_space<hbm>>
      tpu.enqueue_dma source(%dma_start3A_25 : memref<40x256xi32, #tpu.memory_space<hbm>>) target(%arg8 : memref<40x256xi32, #tpu.memory_space<vmem>>) target_semaphore(%run_scoped3A : memref<!tpu.dma_semaphore, #tpu.memory_space<semaphore_mem>>)
      %dma_wait3A = arith.constant 0 : i32
      %dma_wait3A_26 = arith.constant 0 : i32
      %dma_wait3A_27 = tpu.memref_slice %arg4[%add3A, %dma_wait3A, %dma_wait3A_26] : memref<32x40x256xi32, #tpu.memory_space<hbm>> -> memref<1x40x256xi32, #tpu.memory_space<hbm>>
      %dma_wait3A_28 = tpu.memref_squeeze %dma_wait3A_27 : memref<1x40x256xi32, #tpu.memory_space<hbm>> -> memref<40x256xi32, #tpu.memory_space<hbm>>
      %dma_wait3A_29 = arith.constant 0 : i32
      %dma_wait3A_30 = arith.constant 0 : i32
      %dma_wait3A_31 = tpu.memref_slice %arg4[%add3A, %dma_wait3A_29, %dma_wait3A_30] : memref<32x40x256xi32, #tpu.memory_space<hbm>> -> memref<1x40x256xi32, #tpu.memory_space<hbm>>
      %dma_wait3A_32 = tpu.memref_squeeze %dma_wait3A_31 : memref<1x40x256xi32, #tpu.memory_space<hbm>> -> memref<40x256xi32, #tpu.memory_space<hbm>>
      tpu.wait_dma2 semaphore(%run_scoped3A : memref<!tpu.dma_semaphore, #tpu.memory_space<semaphore_mem>>) src(%dma_wait3A_32 : memref<40x256xi32, #tpu.memory_space<hbm>>) dst(%arg8 : memref<40x256xi32, #tpu.memory_space<vmem>>)
      tpu.yield
    }) : () -> ()
    %scan3A = arith.constant 0 : i32
    %scan3A_13 = arith.constant 0 : i32
    %scan3A_14 = arith.constant 40 : i32
    %scan3A_15 = arith.addi %scan3A_13, %scan3A_14 : i32
    %scan3A_16 = arith.constant 1 : i32
    scf.for %scan3A_19 = %scan3A_13 to %scan3A_15 step %scan3A_16  : i32 {
      %add3A_20 = arith.constant 0 : i32
      %add3A_21 = arith.addi %add3A_20, %scan3A_19 : i32
      "tpu.region"() ({
        %run_scoped3A = tpu.sem_alloc : memref<!tpu.dma_semaphore, #tpu.memory_space<semaphore_mem>>
        %dma_start3A = arith.constant 0 : i32
        %dma_start3A_22 = tpu.memref_slice %arg7[%add3A_21, %dma_start3A] : memref<40x256xi32, #tpu.memory_space<vmem>> -> memref<1x256xi32, #tpu.memory_space<vmem>>
        %dma_start3A_23 = tpu.memref_squeeze %dma_start3A_22 : memref<1x256xi32, #tpu.memory_space<vmem>> -> memref<256xi32, #tpu.memory_space<vmem>>
        %dma_start3A_24 = arith.constant 0 : i32
        %dma_start3A_25 = arith.constant 0 : i32
        %dma_start3A_26 = tpu.memref_slice %arg2[%dma_start3A_24, %dma_start3A_25] : memref<10240x16xf32, #tpu.memory_space<hbm>> -> memref<10240x16xf32, #tpu.memory_space<hbm>>
        tpu.enqueue_indirect_dma source(%dma_start3A_26 : memref<10240x16xf32, #tpu.memory_space<hbm>>) target(%arg9 : memref<256x16xf32, #tpu.memory_space<vmem>>) offsets(%dma_start3A_23 : memref<256xi32, #tpu.memory_space<vmem>>) semaphore(%run_scoped3A : memref<!tpu.dma_semaphore, #tpu.memory_space<semaphore_mem>>)
        %dma_wait3A = arith.constant 0 : i32
        %dma_wait3A_27 = tpu.memref_slice %arg7[%add3A_21, %dma_wait3A] : memref<40x256xi32, #tpu.memory_space<vmem>> -> memref<1x256xi32, #tpu.memory_space<vmem>>
        %dma_wait3A_28 = tpu.memref_squeeze %dma_wait3A_27 : memref<1x256xi32, #tpu.memory_space<vmem>> -> memref<256xi32, #tpu.memory_space<vmem>>
        %dma_wait3A_29 = arith.constant 0 : i32
        %dma_wait3A_30 = arith.constant 0 : i32
        %dma_wait3A_31 = tpu.memref_slice %arg2[%dma_wait3A_29, %dma_wait3A_30] : memref<10240x16xf32, #tpu.memory_space<hbm>> -> memref<10240x16xf32, #tpu.memory_space<hbm>>
        tpu.wait_indirect_dma semaphore(%run_scoped3A : memref<!tpu.dma_semaphore, #tpu.memory_space<semaphore_mem>>) src(%dma_wait3A_31 : memref<10240x16xf32, #tpu.memory_space<hbm>>) dst(%arg9 : memref<256x16xf32, #tpu.memory_space<vmem>>)
        tpu.yield
      }) : () -> ()
      "tpu.region"() ({
        %run_scoped3A = tpu.sem_alloc : memref<!tpu.dma_semaphore, #tpu.memory_space<semaphore_mem>>
        %dma_start3A = arith.constant 0 : i32
        %dma_start3A_22 = tpu.memref_slice %arg8[%add3A_21, %dma_start3A] : memref<40x256xi32, #tpu.memory_space<vmem>> -> memref<1x256xi32, #tpu.memory_space<vmem>>
        %dma_start3A_23 = tpu.memref_squeeze %dma_start3A_22 : memref<1x256xi32, #tpu.memory_space<vmem>> -> memref<256xi32, #tpu.memory_space<vmem>>
        %dma_start3A_24 = arith.constant 0 : i32
        %dma_start3A_25 = arith.constant 0 : i32
        %dma_start3A_26 = tpu.memref_slice %arg10[%dma_start3A_24, %dma_start3A_25] : memref<10240x16xf32, #tpu.memory_space<vmem_shared>> -> memref<10240x16xf32, #tpu.memory_space<vmem_shared>>
        tpu.enqueue_indirect_dma source(%arg9 : memref<256x16xf32, #tpu.memory_space<vmem>>) target(%dma_start3A_26 : memref<10240x16xf32, #tpu.memory_space<vmem_shared>>) offsets(%dma_start3A_23 : memref<256xi32, #tpu.memory_space<vmem>>) semaphore(%run_scoped3A : memref<!tpu.dma_semaphore, #tpu.memory_space<semaphore_mem>>) {add = true}
        %dma_wait3A = arith.constant 0 : i32
        %dma_wait3A_27 = tpu.memref_slice %arg8[%add3A_21, %dma_wait3A] : memref<40x256xi32, #tpu.memory_space<vmem>> -> memref<1x256xi32, #tpu.memory_space<vmem>>
        %dma_wait3A_28 = tpu.memref_squeeze %dma_wait3A_27 : memref<1x256xi32, #tpu.memory_space<vmem>> -> memref<256xi32, #tpu.memory_space<vmem>>
        %dma_wait3A_29 = arith.constant 0 : i32
        %dma_wait3A_30 = arith.constant 0 : i32
        %dma_wait3A_31 = tpu.memref_slice %arg10[%dma_wait3A_29, %dma_wait3A_30] : memref<10240x16xf32, #tpu.memory_space<vmem_shared>> -> memref<10240x16xf32, #tpu.memory_space<vmem_shared>>
        tpu.wait_indirect_dma semaphore(%run_scoped3A : memref<!tpu.dma_semaphore, #tpu.memory_space<semaphore_mem>>) src(%arg9 : memref<256x16xf32, #tpu.memory_space<vmem>>) dst(%dma_wait3A_31 : memref<10240x16xf32, #tpu.memory_space<vmem_shared>>)
        tpu.yield
      }) : () -> ()
    }
    %scan3A_17 = arith.constant 40 : i32
    %barrier3A_18 = arith.constant 0 : index
    tpu.barrier barrier_id(%barrier3A_18)
    "tpu.region"() ({
      %run_scoped3A = tpu.sem_alloc : memref<!tpu.dma_semaphore, #tpu.memory_space<semaphore_mem>>
      %dma_start3A = arith.constant 0 : i32
      %dma_start3A_19 = tpu.memref_slice %arg6[%arg0, %mul3A_2, %dma_start3A] : memref<2x10240x16xf32, #tpu.memory_space<hbm>> -> memref<1x640x16xf32, #tpu.memory_space<hbm>>
      %dma_start3A_20 = tpu.memref_squeeze %dma_start3A_19 : memref<1x640x16xf32, #tpu.memory_space<hbm>> -> memref<640x16xf32, #tpu.memory_space<hbm>>
      %dma_start3A_21 = arith.constant 0 : i32
      %dma_start3A_22 = tpu.memref_slice %arg10[%mul3A_2, %dma_start3A_21] : memref<10240x16xf32, #tpu.memory_space<vmem_shared>> -> memref<640x16xf32, #tpu.memory_space<vmem_shared>>
      tpu.enqueue_dma source(%dma_start3A_22 : memref<640x16xf32, #tpu.memory_space<vmem_shared>>) target(%dma_start3A_20 : memref<640x16xf32, #tpu.memory_space<hbm>>) target_semaphore(%run_scoped3A : memref<!tpu.dma_semaphore, #tpu.memory_space<semaphore_mem>>)
      %dma_wait3A = arith.constant 0 : i32
      %dma_wait3A_23 = tpu.memref_slice %arg6[%arg0, %mul3A_2, %dma_wait3A] : memref<2x10240x16xf32, #tpu.memory_space<hbm>> -> memref<1x640x16xf32, #tpu.memory_space<hbm>>
      %dma_wait3A_24 = tpu.memref_squeeze %dma_wait3A_23 : memref<1x640x16xf32, #tpu.memory_space<hbm>> -> memref<640x16xf32, #tpu.memory_space<hbm>>
      %dma_wait3A_25 = arith.constant 0 : i32
      %dma_wait3A_26 = tpu.memref_slice %arg10[%mul3A_2, %dma_wait3A_25] : memref<10240x16xf32, #tpu.memory_space<vmem_shared>> -> memref<640x16xf32, #tpu.memory_space<vmem_shared>>
      tpu.wait_dma2 semaphore(%run_scoped3A : memref<!tpu.dma_semaphore, #tpu.memory_space<semaphore_mem>>) src(%dma_wait3A_26 : memref<640x16xf32, #tpu.memory_space<vmem_shared>>) dst(%dma_wait3A_24 : memref<640x16xf32, #tpu.memory_space<hbm>>)
      tpu.yield
    }) : () -> ()
    return
  }
}

#map = affine_map<(d0, d1) -> (0, 0)>
#map1 = affine_map<(d0, d1) -> (0, 0, 0)>
module attributes {stable_mosaic.version = 14 : i64} {
  func.func @agg(%arg0: i32, %arg1: i32, %arg2: memref<10240x16xf32, #tpu.memory_space<hbm>>, %arg3: memref<32x40x256xi32, #tpu.memory_space<hbm>>, %arg4: memref<32x40x256xi32, #tpu.memory_space<hbm>>, %arg5: memref<128x16xf32, #tpu.memory_space<hbm>>, %arg6: memref<2x10240x16xf32, #tpu.memory_space<hbm>>, %arg7: memref<40x256xi32, #tpu.memory_space<vmem>>, %arg8: memref<40x256xi32, #tpu.memory_space<vmem>>, %arg9: memref<256x16xf32, #tpu.memory_space<vmem>>, %arg10: memref<10240x16xf32, #tpu.memory_space<vmem_shared>>) attributes {dimension_semantics = [#tpu.dimension_semantics<core_parallel>, #tpu.dimension_semantics<subcore_parallel>], iteration_bounds = array<i64: 2, 16>, scalar_prefetch = 0 : i64, scratch_operands = 4 : i64, tpu.core_type = #tpu.core_type<sc_vector_subcore>, window_params = [{transform_indices = #map}, {transform_indices = #map1}, {transform_indices = #map1}, {transform_indices = #map}, {transform_indices = #map1}]} {
    %mul3A = arith.constant 2 : i32
    %mul3A_0 = arith.muli %arg1, %mul3A : i32
    %add3A = arith.addi %mul3A_0, %arg0 : i32
    %mul3A_1 = arith.constant 640 : i32
    %mul3A_2 = arith.muli %arg1, %mul3A_1 : i32
    %add3A_3 = arith.constant 0 : i32
    %add3A_4 = arith.addi %mul3A_2, %add3A_3 : i32
    "tpu.region"() ({
      %run_scoped3A = tpu.sem_alloc : memref<!tpu.dma_semaphore, #tpu.memory_space<semaphore_mem>>
      %dma_start3A = arith.constant 0 : i32
      %dma_start3A_19 = tpu.memref_slice %arg10[%add3A_4, %dma_start3A] : memref<10240x16xf32, #tpu.memory_space<vmem_shared>> -> memref<128x16xf32, #tpu.memory_space<vmem_shared>>
      tpu.enqueue_dma source(%arg5 : memref<128x16xf32, #tpu.memory_space<hbm>>) target(%dma_start3A_19 : memref<128x16xf32, #tpu.memory_space<vmem_shared>>) target_semaphore(%run_scoped3A : memref<!tpu.dma_semaphore, #tpu.memory_space<semaphore_mem>>)
      %dma_wait3A = arith.constant 0 : i32
      %dma_wait3A_20 = tpu.memref_slice %arg10[%add3A_4, %dma_wait3A] : memref<10240x16xf32, #tpu.memory_space<vmem_shared>> -> memref<128x16xf32, #tpu.memory_space<vmem_shared>>
      tpu.wait_dma2 semaphore(%run_scoped3A : memref<!tpu.dma_semaphore, #tpu.memory_space<semaphore_mem>>) src(%arg5 : memref<128x16xf32, #tpu.memory_space<hbm>>) dst(%dma_wait3A_20 : memref<128x16xf32, #tpu.memory_space<vmem_shared>>)
      tpu.yield
    }) : () -> ()
    %add3A_5 = arith.constant 128 : i32
    %add3A_6 = arith.addi %mul3A_2, %add3A_5 : i32
    "tpu.region"() ({
      %run_scoped3A = tpu.sem_alloc : memref<!tpu.dma_semaphore, #tpu.memory_space<semaphore_mem>>
      %dma_start3A = arith.constant 0 : i32
      %dma_start3A_19 = tpu.memref_slice %arg10[%add3A_6, %dma_start3A] : memref<10240x16xf32, #tpu.memory_space<vmem_shared>> -> memref<128x16xf32, #tpu.memory_space<vmem_shared>>
      tpu.enqueue_dma source(%arg5 : memref<128x16xf32, #tpu.memory_space<hbm>>) target(%dma_start3A_19 : memref<128x16xf32, #tpu.memory_space<vmem_shared>>) target_semaphore(%run_scoped3A : memref<!tpu.dma_semaphore, #tpu.memory_space<semaphore_mem>>)
      %dma_wait3A = arith.constant 0 : i32
      %dma_wait3A_20 = tpu.memref_slice %arg10[%add3A_6, %dma_wait3A] : memref<10240x16xf32, #tpu.memory_space<vmem_shared>> -> memref<128x16xf32, #tpu.memory_space<vmem_shared>>
      tpu.wait_dma2 semaphore(%run_scoped3A : memref<!tpu.dma_semaphore, #tpu.memory_space<semaphore_mem>>) src(%arg5 : memref<128x16xf32, #tpu.memory_space<hbm>>) dst(%dma_wait3A_20 : memref<128x16xf32, #tpu.memory_space<vmem_shared>>)
      tpu.yield
    }) : () -> ()
    %add3A_7 = arith.constant 256 : i32
    %add3A_8 = arith.addi %mul3A_2, %add3A_7 : i32
    "tpu.region"() ({
      %run_scoped3A = tpu.sem_alloc : memref<!tpu.dma_semaphore, #tpu.memory_space<semaphore_mem>>
      %dma_start3A = arith.constant 0 : i32
      %dma_start3A_19 = tpu.memref_slice %arg10[%add3A_8, %dma_start3A] : memref<10240x16xf32, #tpu.memory_space<vmem_shared>> -> memref<128x16xf32, #tpu.memory_space<vmem_shared>>
      tpu.enqueue_dma source(%arg5 : memref<128x16xf32, #tpu.memory_space<hbm>>) target(%dma_start3A_19 : memref<128x16xf32, #tpu.memory_space<vmem_shared>>) target_semaphore(%run_scoped3A : memref<!tpu.dma_semaphore, #tpu.memory_space<semaphore_mem>>)
      %dma_wait3A = arith.constant 0 : i32
      %dma_wait3A_20 = tpu.memref_slice %arg10[%add3A_8, %dma_wait3A] : memref<10240x16xf32, #tpu.memory_space<vmem_shared>> -> memref<128x16xf32, #tpu.memory_space<vmem_shared>>
      tpu.wait_dma2 semaphore(%run_scoped3A : memref<!tpu.dma_semaphore, #tpu.memory_space<semaphore_mem>>) src(%arg5 : memref<128x16xf32, #tpu.memory_space<hbm>>) dst(%dma_wait3A_20 : memref<128x16xf32, #tpu.memory_space<vmem_shared>>)
      tpu.yield
    }) : () -> ()
    %add3A_9 = arith.constant 384 : i32
    %add3A_10 = arith.addi %mul3A_2, %add3A_9 : i32
    "tpu.region"() ({
      %run_scoped3A = tpu.sem_alloc : memref<!tpu.dma_semaphore, #tpu.memory_space<semaphore_mem>>
      %dma_start3A = arith.constant 0 : i32
      %dma_start3A_19 = tpu.memref_slice %arg10[%add3A_10, %dma_start3A] : memref<10240x16xf32, #tpu.memory_space<vmem_shared>> -> memref<128x16xf32, #tpu.memory_space<vmem_shared>>
      tpu.enqueue_dma source(%arg5 : memref<128x16xf32, #tpu.memory_space<hbm>>) target(%dma_start3A_19 : memref<128x16xf32, #tpu.memory_space<vmem_shared>>) target_semaphore(%run_scoped3A : memref<!tpu.dma_semaphore, #tpu.memory_space<semaphore_mem>>)
      %dma_wait3A = arith.constant 0 : i32
      %dma_wait3A_20 = tpu.memref_slice %arg10[%add3A_10, %dma_wait3A] : memref<10240x16xf32, #tpu.memory_space<vmem_shared>> -> memref<128x16xf32, #tpu.memory_space<vmem_shared>>
      tpu.wait_dma2 semaphore(%run_scoped3A : memref<!tpu.dma_semaphore, #tpu.memory_space<semaphore_mem>>) src(%arg5 : memref<128x16xf32, #tpu.memory_space<hbm>>) dst(%dma_wait3A_20 : memref<128x16xf32, #tpu.memory_space<vmem_shared>>)
      tpu.yield
    }) : () -> ()
    %add3A_11 = arith.constant 512 : i32
    %add3A_12 = arith.addi %mul3A_2, %add3A_11 : i32
    "tpu.region"() ({
      %run_scoped3A = tpu.sem_alloc : memref<!tpu.dma_semaphore, #tpu.memory_space<semaphore_mem>>
      %dma_start3A = arith.constant 0 : i32
      %dma_start3A_19 = tpu.memref_slice %arg10[%add3A_12, %dma_start3A] : memref<10240x16xf32, #tpu.memory_space<vmem_shared>> -> memref<128x16xf32, #tpu.memory_space<vmem_shared>>
      tpu.enqueue_dma source(%arg5 : memref<128x16xf32, #tpu.memory_space<hbm>>) target(%dma_start3A_19 : memref<128x16xf32, #tpu.memory_space<vmem_shared>>) target_semaphore(%run_scoped3A : memref<!tpu.dma_semaphore, #tpu.memory_space<semaphore_mem>>)
      %dma_wait3A = arith.constant 0 : i32
      %dma_wait3A_20 = tpu.memref_slice %arg10[%add3A_12, %dma_wait3A] : memref<10240x16xf32, #tpu.memory_space<vmem_shared>> -> memref<128x16xf32, #tpu.memory_space<vmem_shared>>
      tpu.wait_dma2 semaphore(%run_scoped3A : memref<!tpu.dma_semaphore, #tpu.memory_space<semaphore_mem>>) src(%arg5 : memref<128x16xf32, #tpu.memory_space<hbm>>) dst(%dma_wait3A_20 : memref<128x16xf32, #tpu.memory_space<vmem_shared>>)
      tpu.yield
    }) : () -> ()
    %barrier3A = arith.constant 0 : index
    tpu.barrier barrier_id(%barrier3A)
    "tpu.region"() ({
      %run_scoped3A = tpu.sem_alloc : memref<!tpu.dma_semaphore, #tpu.memory_space<semaphore_mem>>
      %dma_start3A = arith.constant 0 : i32
      %dma_start3A_19 = arith.constant 0 : i32
      %dma_start3A_20 = tpu.memref_slice %arg3[%add3A, %dma_start3A, %dma_start3A_19] : memref<32x40x256xi32, #tpu.memory_space<hbm>> -> memref<1x40x256xi32, #tpu.memory_space<hbm>>
      %dma_start3A_21 = tpu.memref_squeeze %dma_start3A_20 : memref<1x40x256xi32, #tpu.memory_space<hbm>> -> memref<40x256xi32, #tpu.memory_space<hbm>>
      %dma_start3A_22 = arith.constant 0 : i32
      %dma_start3A_23 = arith.constant 0 : i32
      %dma_start3A_24 = tpu.memref_slice %arg3[%add3A, %dma_start3A_22, %dma_start3A_23] : memref<32x40x256xi32, #tpu.memory_space<hbm>> -> memref<1x40x256xi32, #tpu.memory_space<hbm>>
      %dma_start3A_25 = tpu.memref_squeeze %dma_start3A_24 : memref<1x40x256xi32, #tpu.memory_space<hbm>> -> memref<40x256xi32, #tpu.memory_space<hbm>>
      tpu.enqueue_dma source(%dma_start3A_25 : memref<40x256xi32, #tpu.memory_space<hbm>>) target(%arg7 : memref<40x256xi32, #tpu.memory_space<vmem>>) target_semaphore(%run_scoped3A : memref<!tpu.dma_semaphore, #tpu.memory_space<semaphore_mem>>)
      %dma_wait3A = arith.constant 0 : i32
      %dma_wait3A_26 = arith.constant 0 : i32
      %dma_wait3A_27 = tpu.memref_slice %arg3[%add3A, %dma_wait3A, %dma_wait3A_26] : memref<32x40x256xi32, #tpu.memory_space<hbm>> -> memref<1x40x256xi32, #tpu.memory_space<hbm>>
      %dma_wait3A_28 = tpu.memref_squeeze %dma_wait3A_27 : memref<1x40x256xi32, #tpu.memory_space<hbm>> -> memref<40x256xi32, #tpu.memory_space<hbm>>
      %dma_wait3A_29 = arith.constant 0 : i32
      %dma_wait3A_30 = arith.constant 0 : i32
      %dma_wait3A_31 = tpu.memref_slice %arg3[%add3A, %dma_wait3A_29, %dma_wait3A_30] : memref<32x40x256xi32, #tpu.memory_space<hbm>> -> memref<1x40x256xi32, #tpu.memory_space<hbm>>
      %dma_wait3A_32 = tpu.memref_squeeze %dma_wait3A_31 : memref<1x40x256xi32, #tpu.memory_space<hbm>> -> memref<40x256xi32, #tpu.memory_space<hbm>>
      tpu.wait_dma2 semaphore(%run_scoped3A : memref<!tpu.dma_semaphore, #tpu.memory_space<semaphore_mem>>) src(%dma_wait3A_32 : memref<40x256xi32, #tpu.memory_space<hbm>>) dst(%arg7 : memref<40x256xi32, #tpu.memory_space<vmem>>)
      tpu.yield
    }) : () -> ()
    "tpu.region"() ({
      %run_scoped3A = tpu.sem_alloc : memref<!tpu.dma_semaphore, #tpu.memory_space<semaphore_mem>>
      %dma_start3A = arith.constant 0 : i32
      %dma_start3A_19 = arith.constant 0 : i32
      %dma_start3A_20 = tpu.memref_slice %arg4[%add3A, %dma_start3A, %dma_start3A_19] : memref<32x40x256xi32, #tpu.memory_space<hbm>> -> memref<1x40x256xi32, #tpu.memory_space<hbm>>
      %dma_start3A_21 = tpu.memref_squeeze %dma_start3A_20 : memref<1x40x256xi32, #tpu.memory_space<hbm>> -> memref<40x256xi32, #tpu.memory_space<hbm>>
      %dma_start3A_22 = arith.constant 0 : i32
      %dma_start3A_23 = arith.constant 0 : i32
      %dma_start3A_24 = tpu.memref_slice %arg4[%add3A, %dma_start3A_22, %dma_start3A_23] : memref<32x40x256xi32, #tpu.memory_space<hbm>> -> memref<1x40x256xi32, #tpu.memory_space<hbm>>
      %dma_start3A_25 = tpu.memref_squeeze %dma_start3A_24 : memref<1x40x256xi32, #tpu.memory_space<hbm>> -> memref<40x256xi32, #tpu.memory_space<hbm>>
      tpu.enqueue_dma source(%dma_start3A_25 : memref<40x256xi32, #tpu.memory_space<hbm>>) target(%arg8 : memref<40x256xi32, #tpu.memory_space<vmem>>) target_semaphore(%run_scoped3A : memref<!tpu.dma_semaphore, #tpu.memory_space<semaphore_mem>>)
      %dma_wait3A = arith.constant 0 : i32
      %dma_wait3A_26 = arith.constant 0 : i32
      %dma_wait3A_27 = tpu.memref_slice %arg4[%add3A, %dma_wait3A, %dma_wait3A_26] : memref<32x40x256xi32, #tpu.memory_space<hbm>> -> memref<1x40x256xi32, #tpu.memory_space<hbm>>
      %dma_wait3A_28 = tpu.memref_squeeze %dma_wait3A_27 : memref<1x40x256xi32, #tpu.memory_space<hbm>> -> memref<40x256xi32, #tpu.memory_space<hbm>>
      %dma_wait3A_29 = arith.constant 0 : i32
      %dma_wait3A_30 = arith.constant 0 : i32
      %dma_wait3A_31 = tpu.memref_slice %arg4[%add3A, %dma_wait3A_29, %dma_wait3A_30] : memref<32x40x256xi32, #tpu.memory_space<hbm>> -> memref<1x40x256xi32, #tpu.memory_space<hbm>>
      %dma_wait3A_32 = tpu.memref_squeeze %dma_wait3A_31 : memref<1x40x256xi32, #tpu.memory_space<hbm>> -> memref<40x256xi32, #tpu.memory_space<hbm>>
      tpu.wait_dma2 semaphore(%run_scoped3A : memref<!tpu.dma_semaphore, #tpu.memory_space<semaphore_mem>>) src(%dma_wait3A_32 : memref<40x256xi32, #tpu.memory_space<hbm>>) dst(%arg8 : memref<40x256xi32, #tpu.memory_space<vmem>>)
      tpu.yield
    }) : () -> ()
    %scan3A = arith.constant 0 : i32
    %scan3A_13 = arith.constant 0 : i32
    %scan3A_14 = arith.constant 40 : i32
    %scan3A_15 = arith.addi %scan3A_13, %scan3A_14 : i32
    %scan3A_16 = arith.constant 1 : i32
    scf.for %scan3A_19 = %scan3A_13 to %scan3A_15 step %scan3A_16  : i32 {
      %add3A_20 = arith.constant 0 : i32
      %add3A_21 = arith.addi %add3A_20, %scan3A_19 : i32
      "tpu.region"() ({
        %run_scoped3A = tpu.sem_alloc : memref<!tpu.dma_semaphore, #tpu.memory_space<semaphore_mem>>
        %dma_start3A = arith.constant 0 : i32
        %dma_start3A_22 = tpu.memref_slice %arg7[%add3A_21, %dma_start3A] : memref<40x256xi32, #tpu.memory_space<vmem>> -> memref<1x256xi32, #tpu.memory_space<vmem>>
        %dma_start3A_23 = tpu.memref_squeeze %dma_start3A_22 : memref<1x256xi32, #tpu.memory_space<vmem>> -> memref<256xi32, #tpu.memory_space<vmem>>
        %dma_start3A_24 = arith.constant 0 : i32
        %dma_start3A_25 = arith.constant 0 : i32
        %dma_start3A_26 = tpu.memref_slice %arg2[%dma_start3A_24, %dma_start3A_25] : memref<10240x16xf32, #tpu.memory_space<hbm>> -> memref<10240x16xf32, #tpu.memory_space<hbm>>
        tpu.enqueue_indirect_dma source(%dma_start3A_26 : memref<10240x16xf32, #tpu.memory_space<hbm>>) target(%arg9 : memref<256x16xf32, #tpu.memory_space<vmem>>) offsets(%dma_start3A_23 : memref<256xi32, #tpu.memory_space<vmem>>) semaphore(%run_scoped3A : memref<!tpu.dma_semaphore, #tpu.memory_space<semaphore_mem>>)
        %dma_wait3A = arith.constant 0 : i32
        %dma_wait3A_27 = tpu.memref_slice %arg7[%add3A_21, %dma_wait3A] : memref<40x256xi32, #tpu.memory_space<vmem>> -> memref<1x256xi32, #tpu.memory_space<vmem>>
        %dma_wait3A_28 = tpu.memref_squeeze %dma_wait3A_27 : memref<1x256xi32, #tpu.memory_space<vmem>> -> memref<256xi32, #tpu.memory_space<vmem>>
        %dma_wait3A_29 = arith.constant 0 : i32
        %dma_wait3A_30 = arith.constant 0 : i32
        %dma_wait3A_31 = tpu.memref_slice %arg2[%dma_wait3A_29, %dma_wait3A_30] : memref<10240x16xf32, #tpu.memory_space<hbm>> -> memref<10240x16xf32, #tpu.memory_space<hbm>>
        tpu.wait_indirect_dma semaphore(%run_scoped3A : memref<!tpu.dma_semaphore, #tpu.memory_space<semaphore_mem>>) src(%dma_wait3A_31 : memref<10240x16xf32, #tpu.memory_space<hbm>>) dst(%arg9 : memref<256x16xf32, #tpu.memory_space<vmem>>)
        tpu.yield
      }) : () -> ()
      "tpu.region"() ({
        %run_scoped3A = tpu.sem_alloc : memref<!tpu.dma_semaphore, #tpu.memory_space<semaphore_mem>>
        %dma_start3A = arith.constant 0 : i32
        %dma_start3A_22 = tpu.memref_slice %arg8[%add3A_21, %dma_start3A] : memref<40x256xi32, #tpu.memory_space<vmem>> -> memref<1x256xi32, #tpu.memory_space<vmem>>
        %dma_start3A_23 = tpu.memref_squeeze %dma_start3A_22 : memref<1x256xi32, #tpu.memory_space<vmem>> -> memref<256xi32, #tpu.memory_space<vmem>>
        %dma_start3A_24 = arith.constant 0 : i32
        %dma_start3A_25 = arith.constant 0 : i32
        %dma_start3A_26 = tpu.memref_slice %arg10[%dma_start3A_24, %dma_start3A_25] : memref<10240x16xf32, #tpu.memory_space<vmem_shared>> -> memref<10240x16xf32, #tpu.memory_space<vmem_shared>>
        tpu.enqueue_indirect_dma source(%arg9 : memref<256x16xf32, #tpu.memory_space<vmem>>) target(%dma_start3A_26 : memref<10240x16xf32, #tpu.memory_space<vmem_shared>>) offsets(%dma_start3A_23 : memref<256xi32, #tpu.memory_space<vmem>>) semaphore(%run_scoped3A : memref<!tpu.dma_semaphore, #tpu.memory_space<semaphore_mem>>) {add = true}
        %dma_wait3A = arith.constant 0 : i32
        %dma_wait3A_27 = tpu.memref_slice %arg8[%add3A_21, %dma_wait3A] : memref<40x256xi32, #tpu.memory_space<vmem>> -> memref<1x256xi32, #tpu.memory_space<vmem>>
        %dma_wait3A_28 = tpu.memref_squeeze %dma_wait3A_27 : memref<1x256xi32, #tpu.memory_space<vmem>> -> memref<256xi32, #tpu.memory_space<vmem>>
        %dma_wait3A_29 = arith.constant 0 : i32
        %dma_wait3A_30 = arith.constant 0 : i32
        %dma_wait3A_31 = tpu.memref_slice %arg10[%dma_wait3A_29, %dma_wait3A_30] : memref<10240x16xf32, #tpu.memory_space<vmem_shared>> -> memref<10240x16xf32, #tpu.memory_space<vmem_shared>>
        tpu.wait_indirect_dma semaphore(%run_scoped3A : memref<!tpu.dma_semaphore, #tpu.memory_space<semaphore_mem>>) src(%arg9 : memref<256x16xf32, #tpu.memory_space<vmem>>) dst(%dma_wait3A_31 : memref<10240x16xf32, #tpu.memory_space<vmem_shared>>)
        tpu.yield
      }) : () -> ()
    }
    %scan3A_17 = arith.constant 40 : i32
    %barrier3A_18 = arith.constant 0 : index
    tpu.barrier barrier_id(%barrier3A_18)
    "tpu.region"() ({
      %run_scoped3A = tpu.sem_alloc : memref<!tpu.dma_semaphore, #tpu.memory_space<semaphore_mem>>
      %dma_start3A = arith.constant 0 : i32
      %dma_start3A_19 = tpu.memref_slice %arg6[%arg0, %mul3A_2, %dma_start3A] : memref<2x10240x16xf32, #tpu.memory_space<hbm>> -> memref<1x640x16xf32, #tpu.memory_space<hbm>>
      %dma_start3A_20 = tpu.memref_squeeze %dma_start3A_19 : memref<1x640x16xf32, #tpu.memory_space<hbm>> -> memref<640x16xf32, #tpu.memory_space<hbm>>
      %dma_start3A_21 = arith.constant 0 : i32
      %dma_start3A_22 = tpu.memref_slice %arg10[%mul3A_2, %dma_start3A_21] : memref<10240x16xf32, #tpu.memory_space<vmem_shared>> -> memref<640x16xf32, #tpu.memory_space<vmem_shared>>
      tpu.enqueue_dma source(%dma_start3A_22 : memref<640x16xf32, #tpu.memory_space<vmem_shared>>) target(%dma_start3A_20 : memref<640x16xf32, #tpu.memory_space<hbm>>) target_semaphore(%run_scoped3A : memref<!tpu.dma_semaphore, #tpu.memory_space<semaphore_mem>>)
      %dma_wait3A = arith.constant 0 : i32
      %dma_wait3A_23 = tpu.memref_slice %arg6[%arg0, %mul3A_2, %dma_wait3A] : memref<2x10240x16xf32, #tpu.memory_space<hbm>> -> memref<1x640x16xf32, #tpu.memory_space<hbm>>
      %dma_wait3A_24 = tpu.memref_squeeze %dma_wait3A_23 : memref<1x640x16xf32, #tpu.memory_space<hbm>> -> memref<640x16xf32, #tpu.memory_space<hbm>>
      %dma_wait3A_25 = arith.constant 0 : i32
      %dma_wait3A_26 = tpu.memref_slice %arg10[%mul3A_2, %dma_wait3A_25] : memref<10240x16xf32, #tpu.memory_space<vmem_shared>> -> memref<640x16xf32, #tpu.memory_space<vmem_shared>>
      tpu.wait_dma2 semaphore(%run_scoped3A : memref<!tpu.dma_semaphore, #tpu.memory_space<semaphore_mem>>) src(%dma_wait3A_26 : memref<640x16xf32, #tpu.memory_space<vmem_shared>>) dst(%dma_wait3A_24 : memref<640x16xf32, #tpu.memory_space<hbm>>)
      tpu.yield
    }) : () -> ()
    return
  }
}

module attributes {stable_mosaic.version = 14 : i64} {
  func.func @body(%arg0: i32, %arg1: memref<128x1xf32, #tpu.memory_space<vmem>>, %arg2: memref<128x1xf32, #tpu.memory_space<vmem>>, %arg3: memref<128x1xf32, #tpu.memory_space<vmem>>, %arg4: memref<128x16xf32, #tpu.memory_space<vmem>>) attributes {dimension_semantics = [#tpu.dimension_semantics<arbitrary>], iteration_bounds = array<i64: 80>, scalar_prefetch = 0 : i64, scratch_operands = 0 : i64, tpu.core_type = #tpu.core_type<tc>, window_params = [{transform_indices = @transform_0, window_bounds = array<i64: 128, 1>}, {transform_indices = @transform_1, window_bounds = array<i64: 128, 1>}, {transform_indices = @transform_2, window_bounds = array<i64: 128, 1>}, {transform_indices = @transform_3, window_bounds = array<i64: 128, 16>}]} {
    %get3A = arith.constant 0 : index
    %get3A_0 = arith.constant 0 : index
    %get3A_1 = vector.load %arg1[%get3A, %get3A_0] : memref<128x1xf32, #tpu.memory_space<vmem>>, vector<128x1xf32>
    %get3A_2 = arith.constant 0 : index
    %get3A_3 = arith.constant 0 : index
    %get3A_4 = vector.load %arg2[%get3A_2, %get3A_3] : memref<128x1xf32, #tpu.memory_space<vmem>>, vector<128x1xf32>
    %add3A = arith.addf %get3A_1, %get3A_4 : vector<128x1xf32>
    %add3A_5 = arith.constant 1.000000e+00 : f32
    %add3A_6 = vector.broadcast %add3A_5 : f32 to vector<128x1xf32>
    %add3A_7 = arith.addf %add3A, %add3A_6 : vector<128x1xf32>
    %rsqrt3A = math.rsqrt %add3A_7 : vector<128x1xf32>
    %iota3A = tpu.iota {dimensions = array<i32: 0>} : vector<128x1xi32>
    %mul3A = arith.constant 128 : i32
    %mul3A_8 = arith.muli %arg0, %mul3A : i32
    %add3A_9 = vector.broadcast %mul3A_8 : i32 to vector<128x1xi32>
    %add3A_10 = arith.addi %iota3A, %add3A_9 : vector<128x1xi32>
    %convert_element_type3A = arith.sitofp %add3A_10 : vector<128x1xi32> to vector<128x1xf32>
    %swap3A = arith.constant 0 : index
    %swap3A_11 = arith.constant 0 : index
    %swap3A_12 = vector.load %arg3[%swap3A, %swap3A_11] : memref<128x1xf32, #tpu.memory_space<vmem>>, vector<128x1xf32>
    tpu.vector_store %arg3[%swap3A, %swap3A_11], %rsqrt3A {strides = array<i32>} : memref<128x1xf32, #tpu.memory_space<vmem>>, vector<128x1xf32>,
    %mul3A_13 = arith.mulf %rsqrt3A, %convert_element_type3A : vector<128x1xf32>
    %broadcast_in_dim3A = vector.shape_cast %mul3A_13 : vector<128x1xf32> to vector<128x1xf32>
    %broadcast_in_dim3A_14 = vector.broadcast %broadcast_in_dim3A : vector<128x1xf32> to vector<128x16xf32>
    %swap3A_15 = arith.constant 0 : index
    %swap3A_16 = arith.constant 0 : index
    %swap3A_17 = vector.load %arg4[%swap3A_15, %swap3A_16] : memref<128x16xf32, #tpu.memory_space<vmem>>, vector<128x16xf32>
    tpu.vector_store %arg4[%swap3A_15, %swap3A_16], %broadcast_in_dim3A_14 {strides = array<i32>} : memref<128x16xf32, #tpu.memory_space<vmem>>, vector<128x16xf32>,
    return
  }
  func.func @transform_0(%arg0: i32) -> (i32, i32) {
    %c0_i32 = arith.constant 0 : i32
    %c0_i32_0 = arith.constant 0 : i32
    return %arg0, %c0_i32 : i32, i32
  }
  func.func @transform_1(%arg0: i32) -> (i32, i32) {
    %c0_i32 = arith.constant 0 : i32
    %c0_i32_0 = arith.constant 0 : i32
    return %arg0, %c0_i32 : i32, i32
  }
  func.func @transform_2(%arg0: i32) -> (i32, i32) {
    %c0_i32 = arith.constant 0 : i32
    %c0_i32_0 = arith.constant 0 : i32
    return %arg0, %c0_i32 : i32, i32
  }
  func.func @transform_3(%arg0: i32) -> (i32, i32) {
    %c0_i32 = arith.constant 0 : i32
    %c0_i32_0 = arith.constant 0 : i32
    return %arg0, %c0_i32 : i32, i32
  }
}

module attributes {stable_mosaic.version = 14 : i64} {
  func.func @body(%arg0: i32, %arg1: memref<128x1xf32, #tpu.memory_space<vmem>>, %arg2: memref<128x1xf32, #tpu.memory_space<vmem>>, %arg3: memref<128x1xf32, #tpu.memory_space<vmem>>, %arg4: memref<128x1xf32, #tpu.memory_space<vmem>>, %arg5: memref<1x128xf32, #tpu.memory_space<vmem>>, %arg6: memref<1x128xf32, #tpu.memory_space<vmem>>, %arg7: memref<128x128xf32, #tpu.memory_space<vmem>>, %arg8: memref<128x128xf32, #tpu.memory_space<vmem>>) attributes {dimension_semantics = [#tpu.dimension_semantics<arbitrary>], iteration_bounds = array<i64: 80>, scalar_prefetch = 0 : i64, scratch_operands = 0 : i64, tpu.core_type = #tpu.core_type<tc>, window_params = [{transform_indices = @transform_0, window_bounds = array<i64: 128, 1>}, {transform_indices = @transform_1, window_bounds = array<i64: 128, 1>}, {transform_indices = @transform_2, window_bounds = array<i64: 128, 1>}, {transform_indices = @transform_3, window_bounds = array<i64: 128, 1>}, {pipeline_mode = #tpu.pipeline_mode<synchronous>, transform_indices = @transform_4, window_bounds = array<i64: 1, 128>}, {pipeline_mode = #tpu.pipeline_mode<synchronous>, transform_indices = @transform_5, window_bounds = array<i64: 1, 128>}, {pipeline_mode = #tpu.pipeline_mode<synchronous>, transform_indices = @transform_6, window_bounds = array<i64: 128, 128>}, {transform_indices = @transform_7, window_bounds = array<i64: 128, 128>}]} {
    %get3A = arith.constant 0 : index
    %get3A_0 = arith.constant 0 : index
    %get3A_1 = vector.load %arg1[%get3A, %get3A_0] : memref<128x1xf32, #tpu.memory_space<vmem>>, vector<128x1xf32>
    %get3A_2 = arith.constant 0 : index
    %get3A_3 = arith.constant 0 : index
    %get3A_4 = vector.load %arg2[%get3A_2, %get3A_3] : memref<128x1xf32, #tpu.memory_space<vmem>>, vector<128x1xf32>
    %add3A = arith.addf %get3A_1, %get3A_4 : vector<128x1xf32>
    %get3A_5 = arith.constant 0 : index
    %get3A_6 = arith.constant 0 : index
    %get3A_7 = vector.load %arg3[%get3A_5, %get3A_6] : memref<128x1xf32, #tpu.memory_space<vmem>>, vector<128x1xf32>
    %add3A_8 = arith.addf %add3A, %get3A_7 : vector<128x1xf32>
    %get3A_9 = arith.constant 0 : index
    %get3A_10 = arith.constant 0 : index
    %get3A_11 = vector.load %arg4[%get3A_9, %get3A_10] : memref<128x1xf32, #tpu.memory_space<vmem>>, vector<128x1xf32>
    %mul3A = arith.mulf %get3A_11, %add3A_8 : vector<128x1xf32>
    %get3A_12 = arith.constant 0 : index
    %get3A_13 = arith.constant 0 : index
    %get3A_14 = vector.load %arg5[%get3A_12, %get3A_13] : memref<1x128xf32, #tpu.memory_space<vmem>>, vector<1x128xf32>
    %mul3A_15 = vector.broadcast %mul3A : vector<128x1xf32> to vector<128x128xf32>
    %mul3A_16 = vector.broadcast %get3A_14 : vector<1x128xf32> to vector<128x128xf32>
    %mul3A_17 = arith.mulf %mul3A_15, %mul3A_16 : vector<128x128xf32>
    %get3A_18 = arith.constant 0 : index
    %get3A_19 = arith.constant 0 : index
    %get3A_20 = vector.load %arg6[%get3A_18, %get3A_19] : memref<1x128xf32, #tpu.memory_space<vmem>>, vector<1x128xf32>
    %add3A_21 = vector.broadcast %get3A_20 : vector<1x128xf32> to vector<128x128xf32>
    %add3A_22 = arith.addf %mul3A_17, %add3A_21 : vector<128x128xf32>
    %ge3A = arith.constant 0.000000e+00 : f32
    %ge3A_23 = vector.broadcast %ge3A : f32 to vector<128x128xf32>
    %ge3A_24 = arith.cmpf oge, %add3A_22, %ge3A_23 : vector<128x128xf32>
    %mul3A_25 = arith.constant 0.00999999977 : f32
    %mul3A_26 = vector.broadcast %mul3A_25 : f32 to vector<128x128xf32>
    %mul3A_27 = arith.mulf %mul3A_26, %add3A_22 : vector<128x128xf32>
    %select_n3A = arith.select %ge3A_24, %add3A_22, %mul3A_27 : vector<128x128xi1>, vector<128x128xf32>
    %get3A_28 = arith.constant 0 : index
    %get3A_29 = arith.constant 0 : index
    %get3A_30 = vector.load %arg4[%get3A_28, %get3A_29] : memref<128x1xf32, #tpu.memory_space<vmem>>, vector<128x1xf32>
    %get3A_31 = arith.constant 0 : index
    %get3A_32 = arith.constant 0 : index
    %get3A_33 = vector.load %arg7[%get3A_31, %get3A_32] : memref<128x128xf32, #tpu.memory_space<vmem>>, vector<128x128xf32>
    %dot_general3A = arith.constant dense<0.000000e+00> : vector<128x128xf32>
    %dot_general3A_34 = tpu.matmul %select_n3A, %get3A_33, %dot_general3A {dimension_numbers = #tpu.dot_dimension_numbers<[1], [0], [0], [1], [0, 0, 1, 1], [], []>, transpose_lhs_hint = false} : vector<128x128xf32>, vector<128x128xf32>, vector<128x128xf32> -> vector<128x128xf32>
    %mul3A_35 = vector.broadcast %get3A_30 : vector<128x1xf32> to vector<128x128xf32>
    %mul3A_36 = arith.mulf %mul3A_35, %dot_general3A_34 : vector<128x128xf32>
    %swap3A = arith.constant 0 : index
    %swap3A_37 = arith.constant 0 : index
    %swap3A_38 = vector.load %arg8[%swap3A, %swap3A_37] : memref<128x128xf32, #tpu.memory_space<vmem>>, vector<128x128xf32>
    tpu.vector_store %arg8[%swap3A, %swap3A_37], %mul3A_36 {strides = array<i32>} : memref<128x128xf32, #tpu.memory_space<vmem>>, vector<128x128xf32>,
    return
  }
  func.func @transform_0(%arg0: i32) -> (i32, i32) {
    %c0_i32 = arith.constant 0 : i32
    %c0_i32_0 = arith.constant 0 : i32
    return %arg0, %c0_i32 : i32, i32
  }
  func.func @transform_1(%arg0: i32) -> (i32, i32) {
    %c0_i32 = arith.constant 0 : i32
    %c0_i32_0 = arith.constant 0 : i32
    return %arg0, %c0_i32 : i32, i32
  }
  func.func @transform_2(%arg0: i32) -> (i32, i32) {
    %c0_i32 = arith.constant 0 : i32
    %c0_i32_0 = arith.constant 0 : i32
    return %arg0, %c0_i32 : i32, i32
  }
  func.func @transform_3(%arg0: i32) -> (i32, i32) {
    %c0_i32 = arith.constant 0 : i32
    %c0_i32_0 = arith.constant 0 : i32
    return %arg0, %c0_i32 : i32, i32
  }
  func.func @transform_4(%arg0: i32) -> (i32, i32) {
    %c0_i32 = arith.constant 0 : i32
    %c0_i32_0 = arith.constant 0 : i32
    %c0_i32_1 = arith.constant 0 : i32
    return %c0_i32, %c0_i32_0 : i32, i32
  }
  func.func @transform_5(%arg0: i32) -> (i32, i32) {
    %c0_i32 = arith.constant 0 : i32
    %c0_i32_0 = arith.constant 0 : i32
    %c0_i32_1 = arith.constant 0 : i32
    return %c0_i32, %c0_i32_0 : i32, i32
  }
  func.func @transform_6(%arg0: i32) -> (i32, i32) {
    %c0_i32 = arith.constant 0 : i32
    %c0_i32_0 = arith.constant 0 : i32
    %c0_i32_1 = arith.constant 0 : i32
    return %c0_i32, %c0_i32_0 : i32, i32
  }
  func.func @transform_7(%arg0: i32) -> (i32, i32) {
    %c0_i32 = arith.constant 0 : i32
    %c0_i32_0 = arith.constant 0 : i32
    return %arg0, %c0_i32 : i32, i32
  }
}

module attributes {stable_mosaic.version = 14 : i64} {
  func.func @body(%arg0: i32, %arg1: memref<128x128xf32, #tpu.memory_space<vmem>>, %arg2: memref<128x128xf32, #tpu.memory_space<vmem>>, %arg3: memref<128x128xf32, #tpu.memory_space<vmem>>, %arg4: memref<128x1xf32, #tpu.memory_space<vmem>>, %arg5: memref<1x128xf32, #tpu.memory_space<vmem>>, %arg6: memref<128x128xf32, #tpu.memory_space<vmem>>, %arg7: memref<128x128xf32, #tpu.memory_space<vmem>>) attributes {dimension_semantics = [#tpu.dimension_semantics<arbitrary>], iteration_bounds = array<i64: 80>, scalar_prefetch = 0 : i64, scratch_operands = 0 : i64, tpu.core_type = #tpu.core_type<tc>, window_params = [{transform_indices = @transform_0, window_bounds = array<i64: 128, 128>}, {transform_indices = @transform_1, window_bounds = array<i64: 128, 128>}, {transform_indices = @transform_2, window_bounds = array<i64: 128, 128>}, {transform_indices = @transform_3, window_bounds = array<i64: 128, 1>}, {pipeline_mode = #tpu.pipeline_mode<synchronous>, transform_indices = @transform_4, window_bounds = array<i64: 1, 128>}, {pipeline_mode = #tpu.pipeline_mode<synchronous>, transform_indices = @transform_5, window_bounds = array<i64: 128, 128>}, {transform_indices = @transform_6, window_bounds = array<i64: 128, 128>}]} {
    %get3A = arith.constant 0 : index
    %get3A_0 = arith.constant 0 : index
    %get3A_1 = vector.load %arg1[%get3A, %get3A_0] : memref<128x128xf32, #tpu.memory_space<vmem>>, vector<128x128xf32>
    %get3A_2 = arith.constant 0 : index
    %get3A_3 = arith.constant 0 : index
    %get3A_4 = vector.load %arg2[%get3A_2, %get3A_3] : memref<128x128xf32, #tpu.memory_space<vmem>>, vector<128x128xf32>
    %add3A = arith.addf %get3A_1, %get3A_4 : vector<128x128xf32>
    %get3A_5 = arith.constant 0 : index
    %get3A_6 = arith.constant 0 : index
    %get3A_7 = vector.load %arg3[%get3A_5, %get3A_6] : memref<128x128xf32, #tpu.memory_space<vmem>>, vector<128x128xf32>
    %add3A_8 = arith.addf %add3A, %get3A_7 : vector<128x128xf32>
    %get3A_9 = arith.constant 0 : index
    %get3A_10 = arith.constant 0 : index
    %get3A_11 = vector.load %arg4[%get3A_9, %get3A_10] : memref<128x1xf32, #tpu.memory_space<vmem>>, vector<128x1xf32>
    %mul3A = vector.broadcast %get3A_11 : vector<128x1xf32> to vector<128x128xf32>
    %mul3A_12 = arith.mulf %mul3A, %add3A_8 : vector<128x128xf32>
    %get3A_13 = arith.constant 0 : index
    %get3A_14 = arith.constant 0 : index
    %get3A_15 = vector.load %arg5[%get3A_13, %get3A_14] : memref<1x128xf32, #tpu.memory_space<vmem>>, vector<1x128xf32>
    %add3A_16 = vector.broadcast %get3A_15 : vector<1x128xf32> to vector<128x128xf32>
    %add3A_17 = arith.addf %mul3A_12, %add3A_16 : vector<128x128xf32>
    %ge3A = arith.constant 0.000000e+00 : f32
    %ge3A_18 = vector.broadcast %ge3A : f32 to vector<128x128xf32>
    %ge3A_19 = arith.cmpf oge, %add3A_17, %ge3A_18 : vector<128x128xf32>
    %mul3A_20 = arith.constant 0.00999999977 : f32
    %mul3A_21 = vector.broadcast %mul3A_20 : f32 to vector<128x128xf32>
    %mul3A_22 = arith.mulf %mul3A_21, %add3A_17 : vector<128x128xf32>
    %select_n3A = arith.select %ge3A_19, %add3A_17, %mul3A_22 : vector<128x128xi1>, vector<128x128xf32>
    %get3A_23 = arith.constant 0 : index
    %get3A_24 = arith.constant 0 : index
    %get3A_25 = vector.load %arg4[%get3A_23, %get3A_24] : memref<128x1xf32, #tpu.memory_space<vmem>>, vector<128x1xf32>
    %get3A_26 = arith.constant 0 : index
    %get3A_27 = arith.constant 0 : index
    %get3A_28 = vector.load %arg6[%get3A_26, %get3A_27] : memref<128x128xf32, #tpu.memory_space<vmem>>, vector<128x128xf32>
    %dot_general3A = arith.constant dense<0.000000e+00> : vector<128x128xf32>
    %dot_general3A_29 = tpu.matmul %select_n3A, %get3A_28, %dot_general3A {dimension_numbers = #tpu.dot_dimension_numbers<[1], [0], [0], [1], [0, 0, 1, 1], [], []>, transpose_lhs_hint = false} : vector<128x128xf32>, vector<128x128xf32>, vector<128x128xf32> -> vector<128x128xf32>
    %mul3A_30 = vector.broadcast %get3A_25 : vector<128x1xf32> to vector<128x128xf32>
    %mul3A_31 = arith.mulf %mul3A_30, %dot_general3A_29 : vector<128x128xf32>
    %swap3A = arith.constant 0 : index
    %swap3A_32 = arith.constant 0 : index
    %swap3A_33 = vector.load %arg7[%swap3A, %swap3A_32] : memref<128x128xf32, #tpu.memory_space<vmem>>, vector<128x128xf32>
    tpu.vector_store %arg7[%swap3A, %swap3A_32], %mul3A_31 {strides = array<i32>} : memref<128x128xf32, #tpu.memory_space<vmem>>, vector<128x128xf32>,
    return
  }
  func.func @transform_0(%arg0: i32) -> (i32, i32) {
    %c0_i32 = arith.constant 0 : i32
    %c0_i32_0 = arith.constant 0 : i32
    return %arg0, %c0_i32 : i32, i32
  }
  func.func @transform_1(%arg0: i32) -> (i32, i32) {
    %c0_i32 = arith.constant 0 : i32
    %c0_i32_0 = arith.constant 0 : i32
    return %arg0, %c0_i32 : i32, i32
  }
  func.func @transform_2(%arg0: i32) -> (i32, i32) {
    %c0_i32 = arith.constant 0 : i32
    %c0_i32_0 = arith.constant 0 : i32
    return %arg0, %c0_i32 : i32, i32
  }
  func.func @transform_3(%arg0: i32) -> (i32, i32) {
    %c0_i32 = arith.constant 0 : i32
    %c0_i32_0 = arith.constant 0 : i32
    return %arg0, %c0_i32 : i32, i32
  }
  func.func @transform_4(%arg0: i32) -> (i32, i32) {
    %c0_i32 = arith.constant 0 : i32
    %c0_i32_0 = arith.constant 0 : i32
    %c0_i32_1 = arith.constant 0 : i32
    return %c0_i32, %c0_i32_0 : i32, i32
  }
  func.func @transform_5(%arg0: i32) -> (i32, i32) {
    %c0_i32 = arith.constant 0 : i32
    %c0_i32_0 = arith.constant 0 : i32
    %c0_i32_1 = arith.constant 0 : i32
    return %c0_i32, %c0_i32_0 : i32, i32
  }
  func.func @transform_6(%arg0: i32) -> (i32, i32) {
    %c0_i32 = arith.constant 0 : i32
    %c0_i32_0 = arith.constant 0 : i32
    return %arg0, %c0_i32 : i32, i32
  }
}

module attributes {stable_mosaic.version = 14 : i64} {
  func.func @body(%arg0: i32, %arg1: memref<128x128xf32, #tpu.memory_space<vmem>>, %arg2: memref<128x128xf32, #tpu.memory_space<vmem>>, %arg3: memref<128x128xf32, #tpu.memory_space<vmem>>, %arg4: memref<128x1xf32, #tpu.memory_space<vmem>>, %arg5: memref<1x128xf32, #tpu.memory_space<vmem>>, %arg6: memref<128x16xf32, #tpu.memory_space<vmem>>, %arg7: memref<128x16xf32, #tpu.memory_space<vmem>>) attributes {dimension_semantics = [#tpu.dimension_semantics<arbitrary>], iteration_bounds = array<i64: 80>, scalar_prefetch = 0 : i64, scratch_operands = 0 : i64, tpu.core_type = #tpu.core_type<tc>, window_params = [{transform_indices = @transform_0, window_bounds = array<i64: 128, 128>}, {transform_indices = @transform_1, window_bounds = array<i64: 128, 128>}, {transform_indices = @transform_2, window_bounds = array<i64: 128, 128>}, {transform_indices = @transform_3, window_bounds = array<i64: 128, 1>}, {pipeline_mode = #tpu.pipeline_mode<synchronous>, transform_indices = @transform_4, window_bounds = array<i64: 1, 128>}, {pipeline_mode = #tpu.pipeline_mode<synchronous>, transform_indices = @transform_5, window_bounds = array<i64: 128, 16>}, {transform_indices = @transform_6, window_bounds = array<i64: 128, 16>}]} {
    %get3A = arith.constant 0 : index
    %get3A_0 = arith.constant 0 : index
    %get3A_1 = vector.load %arg1[%get3A, %get3A_0] : memref<128x128xf32, #tpu.memory_space<vmem>>, vector<128x128xf32>
    %get3A_2 = arith.constant 0 : index
    %get3A_3 = arith.constant 0 : index
    %get3A_4 = vector.load %arg2[%get3A_2, %get3A_3] : memref<128x128xf32, #tpu.memory_space<vmem>>, vector<128x128xf32>
    %add3A = arith.addf %get3A_1, %get3A_4 : vector<128x128xf32>
    %get3A_5 = arith.constant 0 : index
    %get3A_6 = arith.constant 0 : index
    %get3A_7 = vector.load %arg3[%get3A_5, %get3A_6] : memref<128x128xf32, #tpu.memory_space<vmem>>, vector<128x128xf32>
    %add3A_8 = arith.addf %add3A, %get3A_7 : vector<128x128xf32>
    %get3A_9 = arith.constant 0 : index
    %get3A_10 = arith.constant 0 : index
    %get3A_11 = vector.load %arg4[%get3A_9, %get3A_10] : memref<128x1xf32, #tpu.memory_space<vmem>>, vector<128x1xf32>
    %mul3A = vector.broadcast %get3A_11 : vector<128x1xf32> to vector<128x128xf32>
    %mul3A_12 = arith.mulf %mul3A, %add3A_8 : vector<128x128xf32>
    %get3A_13 = arith.constant 0 : index
    %get3A_14 = arith.constant 0 : index
    %get3A_15 = vector.load %arg5[%get3A_13, %get3A_14] : memref<1x128xf32, #tpu.memory_space<vmem>>, vector<1x128xf32>
    %add3A_16 = vector.broadcast %get3A_15 : vector<1x128xf32> to vector<128x128xf32>
    %add3A_17 = arith.addf %mul3A_12, %add3A_16 : vector<128x128xf32>
    %ge3A = arith.constant 0.000000e+00 : f32
    %ge3A_18 = vector.broadcast %ge3A : f32 to vector<128x128xf32>
    %ge3A_19 = arith.cmpf oge, %add3A_17, %ge3A_18 : vector<128x128xf32>
    %mul3A_20 = arith.constant 0.00999999977 : f32
    %mul3A_21 = vector.broadcast %mul3A_20 : f32 to vector<128x128xf32>
    %mul3A_22 = arith.mulf %mul3A_21, %add3A_17 : vector<128x128xf32>
    %select_n3A = arith.select %ge3A_19, %add3A_17, %mul3A_22 : vector<128x128xi1>, vector<128x128xf32>
    %get3A_23 = arith.constant 0 : index
    %get3A_24 = arith.constant 0 : index
    %get3A_25 = vector.load %arg4[%get3A_23, %get3A_24] : memref<128x1xf32, #tpu.memory_space<vmem>>, vector<128x1xf32>
    %get3A_26 = arith.constant 0 : index
    %get3A_27 = arith.constant 0 : index
    %get3A_28 = vector.load %arg6[%get3A_26, %get3A_27] : memref<128x16xf32, #tpu.memory_space<vmem>>, vector<128x16xf32>
    %dot_general3A = arith.constant dense<0.000000e+00> : vector<128x16xf32>
    %dot_general3A_29 = tpu.matmul %select_n3A, %get3A_28, %dot_general3A {dimension_numbers = #tpu.dot_dimension_numbers<[1], [0], [0], [1], [0, 0, 1, 1], [], []>, transpose_lhs_hint = false} : vector<128x128xf32>, vector<128x16xf32>, vector<128x16xf32> -> vector<128x16xf32>
    %mul3A_30 = vector.broadcast %get3A_25 : vector<128x1xf32> to vector<128x16xf32>
    %mul3A_31 = arith.mulf %mul3A_30, %dot_general3A_29 : vector<128x16xf32>
    %swap3A = arith.constant 0 : index
    %swap3A_32 = arith.constant 0 : index
    %swap3A_33 = vector.load %arg7[%swap3A, %swap3A_32] : memref<128x16xf32, #tpu.memory_space<vmem>>, vector<128x16xf32>
    tpu.vector_store %arg7[%swap3A, %swap3A_32], %mul3A_31 {strides = array<i32>} : memref<128x16xf32, #tpu.memory_space<vmem>>, vector<128x16xf32>,
    return
  }
  func.func @transform_0(%arg0: i32) -> (i32, i32) {
    %c0_i32 = arith.constant 0 : i32
    %c0_i32_0 = arith.constant 0 : i32
    return %arg0, %c0_i32 : i32, i32
  }
  func.func @transform_1(%arg0: i32) -> (i32, i32) {
    %c0_i32 = arith.constant 0 : i32
    %c0_i32_0 = arith.constant 0 : i32
    return %arg0, %c0_i32 : i32, i32
  }
  func.func @transform_2(%arg0: i32) -> (i32, i32) {
    %c0_i32 = arith.constant 0 : i32
    %c0_i32_0 = arith.constant 0 : i32
    return %arg0, %c0_i32 : i32, i32
  }
  func.func @transform_3(%arg0: i32) -> (i32, i32) {
    %c0_i32 = arith.constant 0 : i32
    %c0_i32_0 = arith.constant 0 : i32
    return %arg0, %c0_i32 : i32, i32
  }
  func.func @transform_4(%arg0: i32) -> (i32, i32) {
    %c0_i32 = arith.constant 0 : i32
    %c0_i32_0 = arith.constant 0 : i32
    %c0_i32_1 = arith.constant 0 : i32
    return %c0_i32, %c0_i32_0 : i32, i32
  }
  func.func @transform_5(%arg0: i32) -> (i32, i32) {
    %c0_i32 = arith.constant 0 : i32
    %c0_i32_0 = arith.constant 0 : i32
    %c0_i32_1 = arith.constant 0 : i32
    return %c0_i32, %c0_i32_0 : i32, i32
  }
  func.func @transform_6(%arg0: i32) -> (i32, i32) {
    %c0_i32 = arith.constant 0 : i32
    %c0_i32_0 = arith.constant 0 : i32
    return %arg0, %c0_i32 : i32, i32
  }
}

module attributes {stable_mosaic.version = 14 : i64} {
  func.func @body(%arg0: i32, %arg1: memref<128x16xf32, #tpu.memory_space<vmem>>, %arg2: memref<128x16xf32, #tpu.memory_space<vmem>>, %arg3: memref<128x16xf32, #tpu.memory_space<vmem>>, %arg4: memref<128x1xf32, #tpu.memory_space<vmem>>, %arg5: memref<1x16xf32, #tpu.memory_space<vmem>>, %arg6: memref<128x16xf32, #tpu.memory_space<vmem>>) attributes {dimension_semantics = [#tpu.dimension_semantics<arbitrary>], iteration_bounds = array<i64: 80>, scalar_prefetch = 0 : i64, scratch_operands = 0 : i64, tpu.core_type = #tpu.core_type<tc>, window_params = [{transform_indices = @transform_0, window_bounds = array<i64: 128, 16>}, {transform_indices = @transform_1, window_bounds = array<i64: 128, 16>}, {transform_indices = @transform_2, window_bounds = array<i64: 128, 16>}, {transform_indices = @transform_3, window_bounds = array<i64: 128, 1>}, {pipeline_mode = #tpu.pipeline_mode<synchronous>, transform_indices = @transform_4, window_bounds = array<i64: 1, 16>}, {transform_indices = @transform_5, window_bounds = array<i64: 128, 16>}]} {
    %get3A = arith.constant 0 : index
    %get3A_0 = arith.constant 0 : index
    %get3A_1 = vector.load %arg4[%get3A, %get3A_0] : memref<128x1xf32, #tpu.memory_space<vmem>>, vector<128x1xf32>
    %get3A_2 = arith.constant 0 : index
    %get3A_3 = arith.constant 0 : index
    %get3A_4 = vector.load %arg1[%get3A_2, %get3A_3] : memref<128x16xf32, #tpu.memory_space<vmem>>, vector<128x16xf32>
    %get3A_5 = arith.constant 0 : index
    %get3A_6 = arith.constant 0 : index
    %get3A_7 = vector.load %arg2[%get3A_5, %get3A_6] : memref<128x16xf32, #tpu.memory_space<vmem>>, vector<128x16xf32>
    %add3A = arith.addf %get3A_4, %get3A_7 : vector<128x16xf32>
    %get3A_8 = arith.constant 0 : index
    %get3A_9 = arith.constant 0 : index
    %get3A_10 = vector.load %arg3[%get3A_8, %get3A_9] : memref<128x16xf32, #tpu.memory_space<vmem>>, vector<128x16xf32>
    %add3A_11 = arith.addf %add3A, %get3A_10 : vector<128x16xf32>
    %mul3A = vector.broadcast %get3A_1 : vector<128x1xf32> to vector<128x16xf32>
    %mul3A_12 = arith.mulf %mul3A, %add3A_11 : vector<128x16xf32>
    %get3A_13 = arith.constant 0 : index
    %get3A_14 = arith.constant 0 : index
    %get3A_15 = vector.load %arg5[%get3A_13, %get3A_14] : memref<1x16xf32, #tpu.memory_space<vmem>>, vector<1x16xf32>
    %add3A_16 = vector.broadcast %get3A_15 : vector<1x16xf32> to vector<128x16xf32>
    %add3A_17 = arith.addf %mul3A_12, %add3A_16 : vector<128x16xf32>
    %reduce_max3A = arith.constant dense<0xFF800000> : vector<128xf32>
    %reduce_max3A_18 = vector.multi_reduction <maximumf>, %add3A_17, %reduce_max3A [1] : vector<128x16xf32> to vector<128xf32>
    %broadcast_in_dim3A = vector.shape_cast %reduce_max3A_18 : vector<128xf32> to vector<128x1xf32>
    %sub3A = vector.broadcast %broadcast_in_dim3A : vector<128x1xf32> to vector<128x16xf32>
    %sub3A_19 = arith.subf %add3A_17, %sub3A : vector<128x16xf32>
    %exp3A = math.exp %sub3A_19 : vector<128x16xf32>
    %reduce_sum3A = arith.constant dense<0.000000e+00> : vector<128xf32>
    %reduce_sum3A_20 = vector.multi_reduction <add>, %exp3A, %reduce_sum3A [1] : vector<128x16xf32> to vector<128xf32>
    %broadcast_in_dim3A_21 = vector.shape_cast %reduce_sum3A_20 : vector<128xf32> to vector<128x1xf32>
    %div3A = vector.broadcast %broadcast_in_dim3A_21 : vector<128x1xf32> to vector<128x16xf32>
    %div3A_22 = arith.divf %exp3A, %div3A : vector<128x16xf32>
    %swap3A = arith.constant 0 : index
    %swap3A_23 = arith.constant 0 : index
    %swap3A_24 = vector.load %arg6[%swap3A, %swap3A_23] : memref<128x16xf32, #tpu.memory_space<vmem>>, vector<128x16xf32>
    tpu.vector_store %arg6[%swap3A, %swap3A_23], %div3A_22 {strides = array<i32>} : memref<128x16xf32, #tpu.memory_space<vmem>>, vector<128x16xf32>,
    return
  }
  func.func @transform_0(%arg0: i32) -> (i32, i32) {
    %c0_i32 = arith.constant 0 : i32
    %c0_i32_0 = arith.constant 0 : i32
    return %arg0, %c0_i32 : i32, i32
  }
  func.func @transform_1(%arg0: i32) -> (i32, i32) {
    %c0_i32 = arith.constant 0 : i32
    %c0_i32_0 = arith.constant 0 : i32
    return %arg0, %c0_i32 : i32, i32
  }
  func.func @transform_2(%arg0: i32) -> (i32, i32) {
    %c0_i32 = arith.constant 0 : i32
    %c0_i32_0 = arith.constant 0 : i32
    return %arg0, %c0_i32 : i32, i32
  }
  func.func @transform_3(%arg0: i32) -> (i32, i32) {
    %c0_i32 = arith.constant 0 : i32
    %c0_i32_0 = arith.constant 0 : i32
    return %arg0, %c0_i32 : i32, i32
  }
  func.func @transform_4(%arg0: i32) -> (i32, i32) {
    %c0_i32 = arith.constant 0 : i32
    %c0_i32_0 = arith.constant 0 : i32
    %c0_i32_1 = arith.constant 0 : i32
    return %c0_i32, %c0_i32_0 : i32, i32
  }
  func.func @transform_5(%arg0: i32) -> (i32, i32) {
    %c0_i32 = arith.constant 0 : i32
    %c0_i32_0 = arith.constant 0 : i32
    return %arg0, %c0_i32 : i32, i32
  }
}

</mosaic_0001>

<sc_bundles>
// kernel: kernel.12.cloned.1.call-start
scs
__scs_entry_jumppad:
0x0: {  	(pc) =	sbr.rel $0x88, $3  }
0x1: {  	(tag) =	ssettag $0x0;
	lr =	simm.s32 $0x1  }
0x2: {  	[smem:$0x3F98] =	sst lr;
	_ =	strace $0xD0000000  }
0x3: {  	_ = 	snop  }
0x4: {  	_ = 	snop  }
0x5: {  	_ = 	snop  }
0x6: {  	_ = 	snop  }
0x7: {  	_ = 	snop  }
__scs_overlays_trampoline_lowered:
0x8: {  	[smem:$0x3FA7] =	sst s0  }
0x9: {  	[smem:$0x3FA8] =	sst s1  }
0xa: {  	[smem:$0x3FA9] =	sst s2  }
0xb: {  	[smem:$0x3FAA] =	sst s3  }
0xc: {  	[smem:$0x3FAB] =	sst s4  }
0xd: {  	[smem:$0x3FAC] =	sst s5  }
0xe: {  	[smem:$0x3FAD] =	sst s6  }
0xf: {  	[smem:$0x3FAE] =	sst s7  }
0x10: {  	[smem:$0x3FAF] =	sst s8  }
0x11: {  	[smem:$0x3FB0] =	sst s9;
	s0 =	simm.s32 @!p0 $0x0  }
0x12: {  	s1 =	sld [smem:$0x3F96];
	s0 =	simm.s32 @p0 $0x1  }
0x13: {  	[smem:$0x3FB1] =	sst s0;
	s0 =	simm.s32 @!p1 $0x0  }
0x14: {  	s2 =	sld [smem:$0x3F95];
	s0 =	simm.s32 @p1 $0x1  }
0x15: {  	[smem:$0x3FB2] =	sst s0;
	s0 =	simm.s32 @!p2 $0x0  }
0x16: {  	s3 =	sld [smem:$0x3FDB];
	s0 =	simm.s32 @p2 $0x1  }
0x17: {  	s4 =	simm.s32 $0x1BF5;
	[smem:$0x3FB4] =	sst s0  }
0x18: {  	s0 =	sld [smem:$0x3F97];
	_ =	swait.ge [sflag:s4], $0x0  }
0x19: {  	s7 =	sld [smem:$0x3F98]  }
0x1a: {  	s8 =	sadd.s32 $0xFFFFE003, lr  }
0x1b: {  	s9 =	sadd.s32 $0xFFFFFEF7, lr;
	s5 =	simm.s32 $0xFFFFFFFF;
	p2 =	slt.u32 s8, $0xFFFFF086  }
0x1c: {  	p1 =	slt.u32 s9, $0xF7A;
	s5 =	simm.s32 @!p2 $0x0  }
0x1d: {  	s5 =	simm.s32 @p1 $0x1;
	p0 =	seq.s32 s7, s2  }
0x1e: {  	s7 =	smul.u32 @!p0 $0xF7A, s2;
	p2 =	seq.s32 @!p0 s5, $0x0  }
0x1f: {  	s9 =	smul.u32 $0xF7A, s1;
	s8 =	simm.s32 @!p0 $0x1BF5;
	p2 =	por !p2, p0  }
0x20: {  	[sflag:s8] =	ssyncset.s32 @!p0 $0xFFFFF086;
	s6 =	sadd.s32 @!p0 s3, s7;
	s7 =	simm.s32 @!p0 $0x108  }
0x21: {  	s3 =	sadd.s32 s3, s9;
	s6 =	sadd.s32 @!p0 $0x88, s6;
	s7 =	simm.s32 @p2 $0x1082  }
0x22: {  	[simem:s7], [sflag:s8] =	dma.local @!p0 [hbm:s6], $0xF7A  }
0x23: {  	s9 =	sor.u32 $0xD0000000, s2;
	s6 =	simm.s32 $0x108;
	_ =	swait.ge @!p0 [sflag:s8], $0x0  }
0x24: {  	s3 =	sadd.s32 $0x88, s3;
	s6 =	simm.s32 @!p1 $0x1082;
	[sflag:s4] =	ssyncset.s32 $0xFFFFF086  }
0x25: {  	[simem:s6], [sflag:s4] =	dma.local [hbm:s3], $0xF7A  }
0x26: {  	[smem:$0x3F98] =	sst s1;
	(tag) =	ssettag s2;
	_ =	strace s9  }
0x27: {  	s1 =	sld [smem:$0x3FA8]  }
0x28: {  	s2 =	sld [smem:$0x3FA9]  }
0x29: {  	s4 =	sld [smem:$0x3FAB]  }
0x2a: {  	p0 =	seq.s32 s5, $0x0;
	s5 =	sld [smem:$0x3FAC]  }
0x2b: {  	s6 =	sld [smem:$0x3FAD]  }
0x2c: {  	s7 =	sld [smem:$0x3FAE]  }
0x2d: {  	s3 =	simm.s32 $0x108;
	s8 =	sld [smem:$0x3FAF]  }
0x2e: {  	s3 =	simm.s32 @!p0 $0x1082;
	s9 =	sld [smem:$0x3FB0]  }
0x2f: {  	lr =	sadd.s32 s0, s3;
	s0 =	sld [smem:$0x3FA7]  }
0x30: {  	s3 =	sld [smem:$0x3FAA]  }
0x31: {  	[smem:$0x3FB3] =	sst s10  }
0x32: {  	s10 =	sld [smem:$0x3FB1];
	_ =	sdelay $0x3  }
0x33: {  	p0 =	seq.s32 s10, $0x1;
	s10 =	sld [smem:$0x3FB3];
	_ =	sdelay $0x3  }
0x34: {  	[smem:$0x3FB3] =	sst s10  }
0x35: {  	s10 =	sld [smem:$0x3FB2];
	_ =	sdelay $0x3  }
0x36: {  	p1 =	seq.s32 s10, $0x1;
	s10 =	sld [smem:$0x3FB3];
	_ =	sdelay $0x3  }
0x37: {  	[smem:$0x3FB3] =	sst s10  }
0x38: {  	s10 =	sld [smem:$0x3FB4]  }
0x39: {  	_ = 	snop;
	(pc) =	sbr.ind lr, $3  }
0x3a: {  	_ = 	snop  }
0x3b: {  	_ = 	snop  }
0x3c: {  	p2 =	seq.s32 s10, $0x1;
	s10 =	sld [smem:$0x3FB3]  }
0x3d: {  	_ =	shalt  }
0x3e: {  	_ =	shalt  }
0x3f: {  	_ =	shalt  }
0x40: {  	_ =	shalt  }
0x41: {  	_ =	shalt  }
0x42: {  	_ =	shalt  }
0x43: {  	_ =	shalt  }
0x44: {  	_ =	shalt  }
0x45: {  	_ =	shalt  }
0x46: {  	_ =	shalt  }
0x47: {  	_ =	shalt  }
0x48: {  	_ =	shalt  }
0x49: {  	_ =	shalt  }
0x4a: {  	_ =	shalt  }
0x4b: {  	_ =	shalt  }
0x4c: {  	_ =	shalt  }
0x4d: {  	_ =	shalt  }
0x4e: {  	_ =	shalt  }
0x4f: {  	_ =	shalt  }
0x50: {  	_ =	shalt  }
0x51: {  	_ =	shalt  }
0x52: {  	_ =	shalt  }
0x53: {  	_ =	shalt  }
0x54: {  	_ =	shalt  }
0x55: {  	_ =	shalt  }
0x56: {  	_ =	shalt  }
0x57: {  	_ =	shalt  }
0x58: {  	_ =	shalt  }
0x59: {  	_ =	shalt  }
0x5a: {  	_ =	shalt  }
0x5b: {  	_ =	shalt  }
0x5c: {  	_ =	shalt  }
0x5d: {  	_ =	shalt  }
0x5e: {  	_ =	shalt  }
0x5f: {  	_ =	shalt  }
0x60: {  	_ =	shalt  }
0x61: {  	_ =	shalt  }
0x62: {  	_ =	shalt  }
0x63: {  	_ =	shalt  }
0x64: {  	_ =	shalt  }
0x65: {  	_ =	shalt  }
0x66: {  	_ =	shalt  }
0x67: {  	_ =	shalt  }
0x68: {  	_ =	shalt  }
0x69: {  	_ =	shalt  }
0x6a: {  	_ =	shalt  }
0x6b: {  	_ =	shalt  }
0x6c: {  	_ =	shalt  }
0x6d: {  	_ =	shalt  }
0x6e: {  	_ =	shalt  }
0x6f: {  	_ =	shalt  }
0x70: {  	_ =	shalt  }
0x71: {  	_ =	shalt  }
0x72: {  	_ =	shalt  }
0x73: {  	_ =	shalt  }
0x74: {  	_ =	shalt  }
0x75: {  	_ =	shalt  }
0x76: {  	_ =	shalt  }
0x77: {  	_ =	shalt  }
0x78: {  	_ =	shalt  }
0x79: {  	_ =	shalt  }
0x7a: {  	_ =	shalt  }
0x7b: {  	_ =	shalt  }
0x7c: {  	_ =	shalt  }
0x7d: {  	_ =	shalt  }
0x7e: {  	_ =	shalt  }
0x7f: {  	_ =	shalt  }
0x80: {  	_ =	shalt  }
0x81: {  	_ =	shalt  }
0x82: {  	_ =	shalt  }
0x83: {  	_ =	shalt  }
0x84: {  	_ =	shalt  }
0x85: {  	_ =	shalt  }
0x86: {  	_ =	shalt  }
0x87: {  	_ =	shalt  }
.Lfunc_end0:
.L_simem_size_0:
called_computation_lowered:
.L_overlay_start_0:
0x88: {  	s2 =	sld [smem:$0x3FD9]  }
0x89: {  	s3 =	sld [smem:$0x3FFE];
	_ =	sdelay $0x1  }
0x8a: {  	s1 =	srdreg.scid  }
0x8b: {  	s0 =	sand.u32 $0x1, s1  }
0x8c: {  	s16 =	sshll.u32 s0, $0xA;
	s2 =	sadd.s32 s3, s2  }
0x8d: {  	s2 =	sadd.s32 s2, s16  }
0x8e: {  	[smem:$0x3FBF] =	sst s2  }
0x8f: {  	_ = 	snop  }
0x90: {  	(tm) =	ssettm $0x1  }
0x91: {  	s17 =	sld [smem:$0x3FFB];
	_ =	sdelay $0x3  }
0x92: {  	_ =	strace s17  }
0x93: {  	s2 =	sld [smem:$0x3FFC];
	_ =	sdelay $0x3  }
0x94: {  	_ =	strace s2  }
0x95: {  	s2 =	sld [smem:$0x3FFD];
	_ =	sdelay $0x3  }
0x96: {  	_ =	strace s2  }
0x97: {  	_ =	strace $0x8FFFFFFF  }
0x98: {  	s18 =	sld [smem:$0x3FDB];
	_ =	sdelay $0x1  }
0x99: {  	s19 =	simm.s32 $_scs_section_size  }
0x9a: {  	s4 =	simm.s32 $_size__tile_overlayer_lowered;
	s5 =	simm.s32 $_tile_overlayer_lowered  }
0x9b: {  	s22 =	simm.s32 $0x1BFF;
	s21 =	sshll.u32 s5, $0x1;
	s2 =	sadd.s32 s19, s18  }
0x9c: {  	s6 =	simm.s32 $0x0;
	s20 =	sshll.u32 s4, $0x1;
	s4 =	sadd.s32 s21, s2  }
0x9d: {  	[timem:s6], [sflag:s22] =	dma.local [hbm:s4], s20  }
0x9e: {  	_ =	swait.ge [sflag:s22], s20  }
0x9f: {  	s3 =	ssub.s32 $0x0, s20;
	[sflag:s22] =	ssyncset.done $0x0  }
0xa0: {  	[sflag:s22] =	ssyncadd.s32 s3;
	_ =	sdelay $0x1  }
0xa1: {  	s23 =	simm.s32 $0x1B8B  }
0xa2: {  	_ =	swait.ge [sflag:s23], $0x1  }
0xa3: {  	[sflag:s23] =	ssyncset.done $0x0  }
0xa4: {  	s25 =	simm.s32 $0x1B8E;
	s24 =	sld [smem:$0x3FFE];
	[sflag:s23] =	ssyncadd.s32 $0xFFFFFFFF  }
0xa5: {  	s26 =	simm.s32 $execute0_lowered;
	[smem:$0x3FD2] =	sst s25  }
0xa6: {  	s4 =	sshll.u32 s26, $0x1;
	_ =	strace $0x80000046;
	[dreg:$0x1] =	wrdreg $0xFFFFFFFF  }
0xa7: {  	s28 =	simm.s32 $_size_execute0_lowered;
	s2 =	sadd.s32 s2, s4;
	[dreg:$0x0] =	wrdreg $0x0  }
0xa8: {  	s4 =	sshll.u32 s28, $0x1;
	[dreg:$0x2] =	wrdreg s2  }
0xa9: {  	[dreg:$0x3] =	wrdreg s4  }
0xaa: {  	[dreg:$0x4] =	wrdreg $0xC0  }
0xab: {  	_ =	task [dreg:s6], $0x5FFFF  }
0xac: {  	[dreg:$0x1] =	wrdreg $0xFFFFFFFF  }
0xad: {  	[dreg:$0x0] =	wrdreg $0x60  }
0xae: {  	[dreg:$0x2] =	wrdreg s24  }
0xaf: {  	[dreg:$0x3] =	wrdreg $0x60000  }
0xb0: {  	[dreg:$0x4] =	wrdreg $0x9  }
0xb1: {  	_ =	task.clear_ibuf [dreg:s6], $0x5FFFF;
	_ =	strace $0x90000046  }
0xb2: {  	s29 =	simm.s32 $0x9;
	_ =	strace $0x80000048  }
0xb3: {  	_ =	swait.ge [sflag:s29], $0x1  }
0xb4: {  	[sflag:s29] =	ssyncadd.s32 $0xFFFFFFFF  }
0xb5: {  	_ =	strace $0x90000048  }
0xb6: {  	_ =	sfence  }
0xb7: {  	s30 =	sld [smem:$0x0];
	_ =	sdelay $0x2  }
0xb8: {  	s31 =	sshll.u32 s1, $0xD;
	s1 =	sshrl.u32 s1, $0x2  }
0xb9: {  	s3 =	sand.u32 $0x4000, s31;
	s1 =	sadd.s32 s1, s30  }
0xba: {  	s0 =	sor.u32 s3, s0;
	s1 =	sshll.u32 s1, $0x11  }
0xbb: {  	s0 =	sor.u32 s1, s0  }
0xbc: {  	s0 =	sadd.s32 $0x8F2B, s0  }
0xbd: {  	[sflag:s0] =	ssyncadd.remote.s32 $0x1  }
0xbe: {  	_ =	sfence.sel $0xFFFF  }
0xbf: {  	[dreg:$0x0] =	wrdreg $0xFFFFFFFF;
	(pc) =	sbr.abs _section_cstart, $3  }
0xc0: {  	[dreg:$0x1] =	wrdreg $0xFFFFFFFF  }
0xc1: {  	_ =	task.clear_ibuf [dreg:s6], $0x2FFFF;
	_ =	strace $0x9FFFFFFF  }
0xc2: {  	(tm) =	ssettm $0x7FFFFFFF  }
0xc3: {  	_ =	shalt  }
tec
execute0_lowered:
.L_overlay_start_1:
0x0: {  	(tag) =	ssettag $0x1  }
0x1: {  	s1 =	srdreg.scid;
	s6 =	rddreg [dreg:$0x0]  }
0x2: {  	s0 =	stileid.u32;
	s2 =	rddreg [dreg:$0x1];
	s3 =	simm.s32 $0x0  }
0x3: {  	s18 =	simm.s32 $0x100;
	s19 =	simm.s32 $0x5000;
	s20 =	simm.s32 $0x0  }
0x4: {  	s5 =	sand.u32 $0x1, s1;
	s24 =	sshll.u32 s0, $0x1;
	s8 =	smul.u32 $0x2800, s0  }
0x5: {  	[smem:$0x7FF] =	sst s3;
	s4 =	sadd.s32 $0x17400, s6;
	s11 =	smul.u32 $0xA000, s0  }
0x6: {  	s29 =	sshll.u32 s0, $0x6;
	s1 =	sor.u32 s5, s24;
	s9 =	smul.u32 $0x28000, s5  }
0x7: {  	s26 =	ssub.s32 $0x2, s5;
	s5 =	sadd.s32 $0x17200, s6;
	s7 =	smul.u32 $0x500, s1  }
0x8: {  	s1 =	rddreg [dreg:$0x2];
	_ =	strace $0x80000047;
	s28 =	sshrl.u32 s26, $0x1  }
0x9: {  	s30 =	sshrl.u32 s11, $0x2;
	s31 =	sadd.s32 s8, s2;
	s25 =	sadd.s32 s8, s9  }
0xa: {  	s13 =	ssub.s32 s26, s28;
	s10 =	sadd.s32 s7, s6;
	s7 =	sshrl.u32 s25, $0x3  }
0xb: {  	s11 =	sshrl.u32 s31, $0x3;
	s12 =	sadd.s32 s7, s6;
	s7 =	sadd.s32 s30, s2  }
0xc: {  	s6 =	sor.u32 $0x1C01, s29;
	s8 =	sadd.s32 $0x3200, s10;
	s14 =	sadd.s32 $0x800, s7  }
0xd: {  	s15 =	sadd.s32 $0x1000, s7;
	s16 =	sadd.s32 $0x1800, s7;
	s17 =	sadd.s32 $0x2000, s7  }
0xe: {  	s7 =	sadd.s32 $0xD200, s10;
	s9 =	sadd.s32 $0x1C400, s12;
	s10 =	smax.u32 s13, $0x1  }
0xf: {  	s12 =	simm.s32 $0x1;
	s13 =	sshrl.u32 s14, $0x3;
	s14 =	sshrl.u32 s15, $0x3  }
0x10: {  	s15 =	sshrl.u32 s16, $0x3;
	s16 =	sshrl.u32 s17, $0x3;
	s17 =	simm.s32 $0x2800  }
.LBB2_1:
0x11: {  	[spmem:s11], [sflag:s6] =	dma.local [hbm:s5], $0x100  }
0x12: {  	_ =	swait.ge [sflag:s12], $0x100  }
0x13: {  	[sflag:s12] =	ssyncset.done $0x0  }
0x14: {  	[sflag:s12] =	ssyncadd.s32 $0xFFFFFF00  }
0x15: {  	[spmem:s13], [sflag:s6] =	dma.local [hbm:s5], $0x100  }
0x16: {  	_ =	swait.ge [sflag:s12], $0x100  }
0x17: {  	[sflag:s12] =	ssyncset.done $0x0  }
0x18: {  	[sflag:s12] =	ssyncadd.s32 $0xFFFFFF00  }
0x19: {  	[spmem:s14], [sflag:s6] =	dma.local [hbm:s5], $0x100  }
0x1a: {  	_ =	swait.ge [sflag:s12], $0x100  }
0x1b: {  	[sflag:s12] =	ssyncset.done $0x0  }
0x1c: {  	[sflag:s12] =	ssyncadd.s32 $0xFFFFFF00  }
0x1d: {  	[spmem:s15], [sflag:s6] =	dma.local [hbm:s5], $0x100  }
0x1e: {  	_ =	swait.ge [sflag:s12], $0x100  }
0x1f: {  	[sflag:s12] =	ssyncset.done $0x0  }
0x20: {  	[sflag:s12] =	ssyncadd.s32 $0xFFFFFF00  }
0x21: {  	[spmem:s16], [sflag:s6] =	dma.local [hbm:s5], $0x100  }
0x22: {  	_ =	swait.ge [sflag:s12], $0x100  }
0x23: {  	[sflag:s12] =	ssyncset.done $0x0  }
0x24: {  	[sflag:s12] =	ssyncadd.s32 $0xFFFFFF00  }
0x25: {  	[bflag:$0x0] =	sbarrier.arrive $0xFFFF  }
0x26: {  	[tilespmem:s3], [sflag:$0x1] =	stream.linear.gather [hbm4b:s7+s3], $0x2800, $0x38;
	[tilespmem:$0x8800] =	vst v63  }
0x27: {  	_ =	swait.ge [sflag:s12], $0x2800  }
0x28: {  	[sflag:s12] =	ssyncset.done $0x0  }
0x29: {  	[sflag:s12] =	ssyncadd.s32 $0xFFFFD800  }
0x2a: {  	[tilespmem:s17], [sflag:$0x1] =	stream.linear.gather [hbm4b:s8+s3], $0x2800, $0x38;
	[tilespmem:$0x8800] =	vst v63  }
0x2b: {  	_ =	swait.ge [sflag:s12], $0x2800  }
0x2c: {  	[sflag:s12] =	ssyncset.done $0x0  }
0x2d: {  	s21 =	simm.s32 $0x0;
	[sflag:s12] =	ssyncadd.s32 $0xFFFFD800  }
0x2e: {  	[tilespmem:s19], [sflag:$0x1] =	stream.indirect.gather [hbm4b:s4+s18], $0x10, s21, s18, $0xb8;
	[tilespmem:$0x8800] =	vst v63  }
0x2f: {  	_ =	swait.ge [sflag:s12], $0x1000  }
0x30: {  	[sflag:s12] =	ssyncset.done $0x0  }
0x31: {  	s31 =	simm.s32 $0x2800;
	[sflag:s12] =	ssyncadd.s32 $0xFFFFF000  }
0x32: {  	[spmem:s2] =	stream.indirect.scatter.add.f32 [tilespmem:s19], [sflag:$0x1], $0x10, s31, s18, $0xb8;
	[tilespmem:$0x8800] =	vst v63  }
0x33: {  	_ =	swait.ge [sflag:s12], $0x1000  }
0x34: {  	s22 =	simm.s32 $0x800;
	s21 =	simm.s32 $0x400;
	[sflag:s12] =	ssyncset.done $0x0  }
.LBB2_2:
0x35: {  	s23 =	sshra.s32 s21, $0x2  }
0x36: {  	[sflag:s12] =	ssyncadd.s32 $0xFFFFF000;
	s21 =	smov.u32 s22;
	s24 =	sadd.s32 $0x400, s22  }
0x37: {  	[tilespmem:s19], [sflag:$0x1] =	stream.indirect.gather [hbm4b:s4+s18], $0x10, s23, s18, $0xb8;
	[tilespmem:$0x8800] =	vst v63  }
0x38: {  	p0 =	sne.s32 s22, $0x9C00;
	_ =	swait.ge [sflag:s12], $0x1000  }
.Ltmp0:
0x39: {  	[sflag:s12] =	ssyncset.done $0x0;
	(pc) =	sbr.rel @p0 .LBB2_2-.Ltmp0, $4  }
0x3a: {  	s22 =	sadd.s32 $0x2800, s23;
	[sflag:s12] =	ssyncadd.s32 $0xFFFFF000  }
0x3b: {  	[spmem:s2] =	stream.indirect.scatter.add.f32 [tilespmem:s19], [sflag:$0x1], $0x10, s22, s18, $0xb8;
	[tilespmem:$0x8800] =	vst v63  }
0x3c: {  	_ =	swait.ge [sflag:s12], $0x1000  }
0x3d: {  	s22 =	smov.u32 s24;
	[sflag:s12] =	ssyncset.done $0x0  }
0x3e: {  	s21 =	sshra.s32 s21, $0x2;
	[sflag:s12] =	ssyncadd.s32 $0xFFFFF000  }
0x3f: {  	[tilespmem:s19], [sflag:$0x1] =	stream.indirect.gather [hbm4b:s4+s18], $0x10, s21, s18, $0xb8;
	[tilespmem:$0x8800] =	vst v63  }
0x40: {  	_ =	swait.ge [sflag:s12], $0x1000  }
0x41: {  	[sflag:s12] =	ssyncset.done $0x0  }
0x42: {  	s21 =	sadd.s32 $0x2800, s21;
	[sflag:s12] =	ssyncadd.s32 $0xFFFFF000  }
0x43: {  	[spmem:s2] =	stream.indirect.scatter.add.f32 [tilespmem:s19], [sflag:$0x1], $0x10, s21, s18, $0xb8;
	[tilespmem:$0x8800] =	vst v63  }
0x44: {  	_ =	swait.ge [sflag:s12], $0x1000  }
0x45: {  	s20 =	sadd.s32 $0x1, s20;
	[sflag:s12] =	ssyncset.done $0x0  }
0x46: {  	p0 =	sne.s32 s20, s10;
	[sflag:s12] =	ssyncadd.s32 $0xFFFFF000  }
.Ltmp1:
0x47: {  	[bflag:$0x0] =	sbarrier.arrive $0xFFFF;
	(pc) =	sbr.rel @p0 .LBB2_1-.Ltmp1, $4  }
0x48: {  	[hbm:s9], [sflag:s6] =	dma.local [spmem:s11], $0x500  }
0x49: {  	_ =	swait.ge [sflag:s12], $0x500  }
0x4a: {  	[sflag:s12] =	ssyncset.done $0x0  }
0x4b: {  	[sflag:s12] =	ssyncadd.s32 $0xFFFFFB00  }
0x4c: {  	_ =	sfence.sel $0x180000  }
0x4d: {  	[bflag:$0x0] =	sbarrier.arrive $0xFFFF  }
0x4e: {  	p0 =	sne.s32 s0, $0x0;
	_ =	strace $0x90000047  }
0x4f: {  	s0 =	sadd.s32 @!p0 $0x100000, s1;
	[bflag:$0x2] =	sbarrier.arrive $0xFFFF  }
0x50: {  	[sflag:s0] =	ssyncadd.tile.s32 @!p0 $0x1;
	_ =	shalt  }
.Lfunc_end2:
_tile_overlayer_lowered:
.L_overlay_start_2:
0x51: {  	(tag) =	ssettag $0x2  }
0x52: {  	s0 =	rddreg [dreg:$0x0];
	s2 =	stileid.u32  }
0x53: {  	s1 =	rddreg [dreg:$0x1];
	p0 =	sne.s32 s2, $0x0  }
0x54: {  	s3 =	rddreg [dreg:$0x2];
	[bflag:$0x3] =	sbarrier.arrive $0xFFFF;
	s2 =	simm.s32 @!p0 $0x1C01  }
0x55: {  	[timem:s3], [sflag:s2] =	dma.local @!p0 [hbm:s0], s1  }
0x56: {  	s0 =	simm.s32 @!p0 $0x1  }
0x57: {  	_ =	swait.ge @!p0 [sflag:s0], s1  }
0x58: {  	s1 =	ssub.s32 @!p0 $0x0, s1;
	[sflag:s0] =	ssyncset.done @!p0 $0x0  }
0x59: {  	[sflag:s0] =	ssyncadd.s32 @!p0 s1  }
0x5a: {  	[bflag:$0x3] =	sbarrier.arrive $0xFFFF  }
0x5b: {  	_ =	shalt  }

// kernel: kernel.15.cloned.1.call-start
scs
__scs_entry_jumppad:
0x0: {  	(pc) =	sbr.rel $0x88, $3  }
0x1: {  	(tag) =	ssettag $0x0;
	lr =	simm.s32 $0x1  }
0x2: {  	[smem:$0x3F98] =	sst lr;
	_ =	strace $0xD0000000  }
0x3: {  	_ = 	snop  }
0x4: {  	_ = 	snop  }
0x5: {  	_ = 	snop  }
0x6: {  	_ = 	snop  }
0x7: {  	_ = 	snop  }
__scs_overlays_trampoline_lowered:
0x8: {  	[smem:$0x3FA7] =	sst s0  }
0x9: {  	[smem:$0x3FA8] =	sst s1  }
0xa: {  	[smem:$0x3FA9] =	sst s2  }
0xb: {  	[smem:$0x3FAA] =	sst s3  }
0xc: {  	[smem:$0x3FAB] =	sst s4  }
0xd: {  	[smem:$0x3FAC] =	sst s5  }
0xe: {  	[smem:$0x3FAD] =	sst s6  }
0xf: {  	[smem:$0x3FAE] =	sst s7  }
0x10: {  	[smem:$0x3FAF] =	sst s8  }
0x11: {  	[smem:$0x3FB0] =	sst s9;
	s0 =	simm.s32 @!p0 $0x0  }
0x12: {  	s1 =	sld [smem:$0x3F96];
	s0 =	simm.s32 @p0 $0x1  }
0x13: {  	[smem:$0x3FB1] =	sst s0;
	s0 =	simm.s32 @!p1 $0x0  }
0x14: {  	s2 =	sld [smem:$0x3F95];
	s0 =	simm.s32 @p1 $0x1  }
0x15: {  	[smem:$0x3FB2] =	sst s0;
	s0 =	simm.s32 @!p2 $0x0  }
0x16: {  	s3 =	sld [smem:$0x3FDB];
	s0 =	simm.s32 @p2 $0x1  }
0x17: {  	s4 =	simm.s32 $0x1BF5;
	[smem:$0x3FB4] =	sst s0  }
0x18: {  	s0 =	sld [smem:$0x3F97];
	_ =	swait.ge [sflag:s4], $0x0  }
0x19: {  	s7 =	sld [smem:$0x3F98]  }
0x1a: {  	s8 =	sadd.s32 $0xFFFFE003, lr  }
0x1b: {  	s9 =	sadd.s32 $0xFFFFFEF7, lr;
	s5 =	simm.s32 $0xFFFFFFFF;
	p2 =	slt.u32 s8, $0xFFFFF086  }
0x1c: {  	p1 =	slt.u32 s9, $0xF7A;
	s5 =	simm.s32 @!p2 $0x0  }
0x1d: {  	s5 =	simm.s32 @p1 $0x1;
	p0 =	seq.s32 s7, s2  }
0x1e: {  	s7 =	smul.u32 @!p0 $0xF7A, s2;
	p2 =	seq.s32 @!p0 s5, $0x0  }
0x1f: {  	s9 =	smul.u32 $0xF7A, s1;
	s8 =	simm.s32 @!p0 $0x1BF5;
	p2 =	por !p2, p0  }
0x20: {  	[sflag:s8] =	ssyncset.s32 @!p0 $0xFFFFF086;
	s6 =	sadd.s32 @!p0 s3, s7;
	s7 =	simm.s32 @!p0 $0x108  }
0x21: {  	s3 =	sadd.s32 s3, s9;
	s6 =	sadd.s32 @!p0 $0x88, s6;
	s7 =	simm.s32 @p2 $0x1082  }
0x22: {  	[simem:s7], [sflag:s8] =	dma.local @!p0 [hbm:s6], $0xF7A  }
0x23: {  	s9 =	sor.u32 $0xD0000000, s2;
	s6 =	simm.s32 $0x108;
	_ =	swait.ge @!p0 [sflag:s8], $0x0  }
0x24: {  	s3 =	sadd.s32 $0x88, s3;
	s6 =	simm.s32 @!p1 $0x1082;
	[sflag:s4] =	ssyncset.s32 $0xFFFFF086  }
0x25: {  	[simem:s6], [sflag:s4] =	dma.local [hbm:s3], $0xF7A  }
0x26: {  	[smem:$0x3F98] =	sst s1;
	(tag) =	ssettag s2;
	_ =	strace s9  }
0x27: {  	s1 =	sld [smem:$0x3FA8]  }
0x28: {  	s2 =	sld [smem:$0x3FA9]  }
0x29: {  	s4 =	sld [smem:$0x3FAB]  }
0x2a: {  	p0 =	seq.s32 s5, $0x0;
	s5 =	sld [smem:$0x3FAC]  }
0x2b: {  	s6 =	sld [smem:$0x3FAD]  }
0x2c: {  	s7 =	sld [smem:$0x3FAE]  }
0x2d: {  	s3 =	simm.s32 $0x108;
	s8 =	sld [smem:$0x3FAF]  }
0x2e: {  	s3 =	simm.s32 @!p0 $0x1082;
	s9 =	sld [smem:$0x3FB0]  }
0x2f: {  	lr =	sadd.s32 s0, s3;
	s0 =	sld [smem:$0x3FA7]  }
0x30: {  	s3 =	sld [smem:$0x3FAA]  }
0x31: {  	[smem:$0x3FB3] =	sst s10  }
0x32: {  	s10 =	sld [smem:$0x3FB1];
	_ =	sdelay $0x3  }
0x33: {  	p0 =	seq.s32 s10, $0x1;
	s10 =	sld [smem:$0x3FB3];
	_ =	sdelay $0x3  }
0x34: {  	[smem:$0x3FB3] =	sst s10  }
0x35: {  	s10 =	sld [smem:$0x3FB2];
	_ =	sdelay $0x3  }
0x36: {  	p1 =	seq.s32 s10, $0x1;
	s10 =	sld [smem:$0x3FB3];
	_ =	sdelay $0x3  }
0x37: {  	[smem:$0x3FB3] =	sst s10  }
0x38: {  	s10 =	sld [smem:$0x3FB4]  }
0x39: {  	_ = 	snop;
	(pc) =	sbr.ind lr, $3  }
0x3a: {  	_ = 	snop  }
0x3b: {  	_ = 	snop  }
0x3c: {  	p2 =	seq.s32 s10, $0x1;
	s10 =	sld [smem:$0x3FB3]  }
0x3d: {  	_ =	shalt  }
0x3e: {  	_ =	shalt  }
0x3f: {  	_ =	shalt  }
0x40: {  	_ =	shalt  }
0x41: {  	_ =	shalt  }
0x42: {  	_ =	shalt  }
0x43: {  	_ =	shalt  }
0x44: {  	_ =	shalt  }
0x45: {  	_ =	shalt  }
0x46: {  	_ =	shalt  }
0x47: {  	_ =	shalt  }
0x48: {  	_ =	shalt  }
0x49: {  	_ =	shalt  }
0x4a: {  	_ =	shalt  }
0x4b: {  	_ =	shalt  }
0x4c: {  	_ =	shalt  }
0x4d: {  	_ =	shalt  }
0x4e: {  	_ =	shalt  }
0x4f: {  	_ =	shalt  }
0x50: {  	_ =	shalt  }
0x51: {  	_ =	shalt  }
0x52: {  	_ =	shalt  }
0x53: {  	_ =	shalt  }
0x54: {  	_ =	shalt  }
0x55: {  	_ =	shalt  }
0x56: {  	_ =	shalt  }
0x57: {  	_ =	shalt  }
0x58: {  	_ =	shalt  }
0x59: {  	_ =	shalt  }
0x5a: {  	_ =	shalt  }
0x5b: {  	_ =	shalt  }
0x5c: {  	_ =	shalt  }
0x5d: {  	_ =	shalt  }
0x5e: {  	_ =	shalt  }
0x5f: {  	_ =	shalt  }
0x60: {  	_ =	shalt  }
0x61: {  	_ =	shalt  }
0x62: {  	_ =	shalt  }
0x63: {  	_ =	shalt  }
0x64: {  	_ =	shalt  }
0x65: {  	_ =	shalt  }
0x66: {  	_ =	shalt  }
0x67: {  	_ =	shalt  }
0x68: {  	_ =	shalt  }
0x69: {  	_ =	shalt  }
0x6a: {  	_ =	shalt  }
0x6b: {  	_ =	shalt  }
0x6c: {  	_ =	shalt  }
0x6d: {  	_ =	shalt  }
0x6e: {  	_ =	shalt  }
0x6f: {  	_ =	shalt  }
0x70: {  	_ =	shalt  }
0x71: {  	_ =	shalt  }
0x72: {  	_ =	shalt  }
0x73: {  	_ =	shalt  }
0x74: {  	_ =	shalt  }
0x75: {  	_ =	shalt  }
0x76: {  	_ =	shalt  }
0x77: {  	_ =	shalt  }
0x78: {  	_ =	shalt  }
0x79: {  	_ =	shalt  }
0x7a: {  	_ =	shalt  }
0x7b: {  	_ =	shalt  }
0x7c: {  	_ =	shalt  }
0x7d: {  	_ =	shalt  }
0x7e: {  	_ =	shalt  }
0x7f: {  	_ =	shalt  }
0x80: {  	_ =	shalt  }
0x81: {  	_ =	shalt  }
0x82: {  	_ =	shalt  }
0x83: {  	_ =	shalt  }
0x84: {  	_ =	shalt  }
0x85: {  	_ =	shalt  }
0x86: {  	_ =	shalt  }
0x87: {  	_ =	shalt  }
.Lfunc_end0:
.L_simem_size_0:
called_computation.1_lowered:
.L_overlay_start_0:
0x88: {  	s2 =	sld [smem:$0x3FD9]  }
0x89: {  	s3 =	sld [smem:$0x3FFE];
	_ =	sdelay $0x1  }
0x8a: {  	s1 =	srdreg.scid  }
0x8b: {  	s0 =	sand.u32 $0x1, s1  }
0x8c: {  	s16 =	sshll.u32 s0, $0xA;
	s2 =	sadd.s32 s3, s2  }
0x8d: {  	s2 =	sadd.s32 s2, s16  }
0x8e: {  	[smem:$0x3FBF] =	sst s2  }
0x8f: {  	_ = 	snop  }
0x90: {  	(tm) =	ssettm $0x1  }
0x91: {  	s17 =	sld [smem:$0x3FFB];
	_ =	sdelay $0x3  }
0x92: {  	_ =	strace s17  }
0x93: {  	s2 =	sld [smem:$0x3FFC];
	_ =	sdelay $0x3  }
0x94: {  	_ =	strace s2  }
0x95: {  	s2 =	sld [smem:$0x3FFD];
	_ =	sdelay $0x3  }
0x96: {  	_ =	strace s2  }
0x97: {  	_ =	strace $0x8FFFFFFF  }
0x98: {  	s18 =	sld [smem:$0x3FDB];
	_ =	sdelay $0x1  }
0x99: {  	s19 =	simm.s32 $_scs_section_size  }
0x9a: {  	s4 =	simm.s32 $_size__tile_overlayer_lowered;
	s5 =	simm.s32 $_tile_overlayer_lowered  }
0x9b: {  	s22 =	simm.s32 $0x1BFF;
	s21 =	sshll.u32 s5, $0x1;
	s2 =	sadd.s32 s19, s18  }
0x9c: {  	s6 =	simm.s32 $0x0;
	s20 =	sshll.u32 s4, $0x1;
	s4 =	sadd.s32 s21, s2  }
0x9d: {  	[timem:s6], [sflag:s22] =	dma.local [hbm:s4], s20  }
0x9e: {  	_ =	swait.ge [sflag:s22], s20  }
0x9f: {  	s3 =	ssub.s32 $0x0, s20;
	[sflag:s22] =	ssyncset.done $0x0  }
0xa0: {  	[sflag:s22] =	ssyncadd.s32 s3;
	_ =	sdelay $0x1  }
0xa1: {  	s23 =	simm.s32 $0x1B8B  }
0xa2: {  	_ =	swait.ge [sflag:s23], $0x1  }
0xa3: {  	[sflag:s23] =	ssyncset.done $0x0  }
0xa4: {  	s25 =	simm.s32 $0x1B8E;
	s24 =	sld [smem:$0x3FFE];
	[sflag:s23] =	ssyncadd.s32 $0xFFFFFFFF  }
0xa5: {  	s26 =	simm.s32 $execute0_lowered;
	[smem:$0x3FD2] =	sst s25  }
0xa6: {  	s4 =	sshll.u32 s26, $0x1;
	_ =	strace $0x80000049;
	[dreg:$0x1] =	wrdreg $0xFFFFFFFF  }
0xa7: {  	s28 =	simm.s32 $_size_execute0_lowered;
	s2 =	sadd.s32 s2, s4;
	[dreg:$0x0] =	wrdreg $0x0  }
0xa8: {  	s4 =	sshll.u32 s28, $0x1;
	[dreg:$0x2] =	wrdreg s2  }
0xa9: {  	[dreg:$0x3] =	wrdreg s4  }
0xaa: {  	[dreg:$0x4] =	wrdreg $0xC0  }
0xab: {  	_ =	task [dreg:s6], $0x5FFFF  }
0xac: {  	[dreg:$0x1] =	wrdreg $0xFFFFFFFF  }
0xad: {  	[dreg:$0x0] =	wrdreg $0x60  }
0xae: {  	[dreg:$0x2] =	wrdreg s24  }
0xaf: {  	[dreg:$0x3] =	wrdreg $0x60000  }
0xb0: {  	[dreg:$0x4] =	wrdreg $0x9  }
0xb1: {  	_ =	task.clear_ibuf [dreg:s6], $0x5FFFF;
	_ =	strace $0x90000049  }
0xb2: {  	s29 =	simm.s32 $0x9;
	_ =	strace $0x8000004B  }
0xb3: {  	_ =	swait.ge [sflag:s29], $0x1  }
0xb4: {  	[sflag:s29] =	ssyncadd.s32 $0xFFFFFFFF  }
0xb5: {  	_ =	strace $0x9000004B  }
0xb6: {  	_ =	sfence  }
0xb7: {  	s30 =	sld [smem:$0x0];
	_ =	sdelay $0x2  }
0xb8: {  	s31 =	sshll.u32 s1, $0xD;
	s1 =	sshrl.u32 s1, $0x2  }
0xb9: {  	s3 =	sand.u32 $0x4000, s31;
	s1 =	sadd.s32 s1, s30  }
0xba: {  	s0 =	sor.u32 s3, s0;
	s1 =	sshll.u32 s1, $0x11  }
0xbb: {  	s0 =	sor.u32 s1, s0  }
0xbc: {  	s0 =	sadd.s32 $0x8F2B, s0  }
0xbd: {  	[sflag:s0] =	ssyncadd.remote.s32 $0x1  }
0xbe: {  	_ =	sfence.sel $0xFFFF  }
0xbf: {  	[dreg:$0x0] =	wrdreg $0xFFFFFFFF;
	(pc) =	sbr.abs _section_cstart, $3  }
0xc0: {  	[dreg:$0x1] =	wrdreg $0xFFFFFFFF  }
0xc1: {  	_ =	task.clear_ibuf [dreg:s6], $0x2FFFF;
	_ =	strace $0x9FFFFFFF  }
0xc2: {  	(tm) =	ssettm $0x7FFFFFFF  }
0xc3: {  	_ =	shalt  }
tec
execute0_lowered:
.L_overlay_start_1:
0x0: {  	(tag) =	ssettag $0x1  }
0x1: {  	s1 =	srdreg.scid;
	s6 =	rddreg [dreg:$0x0]  }
0x2: {  	s0 =	stileid.u32;
	s2 =	rddreg [dreg:$0x1];
	s3 =	simm.s32 $0x0  }
0x3: {  	s18 =	simm.s32 $0x100;
	s19 =	simm.s32 $0x5000;
	s20 =	simm.s32 $0x0  }
0x4: {  	s5 =	sand.u32 $0x1, s1;
	s24 =	sshll.u32 s0, $0x1;
	s8 =	smul.u32 $0x2800, s0  }
0x5: {  	[smem:$0x7FF] =	sst s3;
	s4 =	sadd.s32 $0x3F400, s6;
	s11 =	smul.u32 $0xA000, s0  }
0x6: {  	s29 =	sshll.u32 s0, $0x6;
	s1 =	sor.u32 s5, s24;
	s9 =	smul.u32 $0x28000, s5  }
0x7: {  	s26 =	ssub.s32 $0x2, s5;
	s5 =	sadd.s32 $0x17200, s6;
	s7 =	smul.u32 $0x500, s1  }
0x8: {  	s1 =	rddreg [dreg:$0x2];
	_ =	strace $0x8000004A;
	s28 =	sshrl.u32 s26, $0x1  }
0x9: {  	s30 =	sshrl.u32 s11, $0x2;
	s31 =	sadd.s32 s8, s2;
	s25 =	sadd.s32 s8, s9  }
0xa: {  	s13 =	ssub.s32 s26, s28;
	s10 =	sadd.s32 s7, s6;
	s7 =	sshrl.u32 s25, $0x3  }
0xb: {  	s11 =	sshrl.u32 s31, $0x3;
	s12 =	sadd.s32 s7, s6;
	s7 =	sadd.s32 s30, s2  }
0xc: {  	s6 =	sor.u32 $0x1C01, s29;
	s8 =	sadd.s32 $0x3200, s10;
	s14 =	sadd.s32 $0x800, s7  }
0xd: {  	s15 =	sadd.s32 $0x1000, s7;
	s16 =	sadd.s32 $0x1800, s7;
	s17 =	sadd.s32 $0x2000, s7  }
0xe: {  	s7 =	sadd.s32 $0xD200, s10;
	s9 =	sadd.s32 $0x44400, s12;
	s10 =	smax.u32 s13, $0x1  }
0xf: {  	s12 =	simm.s32 $0x1;
	s13 =	sshrl.u32 s14, $0x3;
	s14 =	sshrl.u32 s15, $0x3  }
0x10: {  	s15 =	sshrl.u32 s16, $0x3;
	s16 =	sshrl.u32 s17, $0x3;
	s17 =	simm.s32 $0x2800  }
.LBB2_1:
0x11: {  	[spmem:s11], [sflag:s6] =	dma.local [hbm:s5], $0x100  }
0x12: {  	_ =	swait.ge [sflag:s12], $0x100  }
0x13: {  	[sflag:s12] =	ssyncset.done $0x0  }
0x14: {  	[sflag:s12] =	ssyncadd.s32 $0xFFFFFF00  }
0x15: {  	[spmem:s13], [sflag:s6] =	dma.local [hbm:s5], $0x100  }
0x16: {  	_ =	swait.ge [sflag:s12], $0x100  }
0x17: {  	[sflag:s12] =	ssyncset.done $0x0  }
0x18: {  	[sflag:s12] =	ssyncadd.s32 $0xFFFFFF00  }
0x19: {  	[spmem:s14], [sflag:s6] =	dma.local [hbm:s5], $0x100  }
0x1a: {  	_ =	swait.ge [sflag:s12], $0x100  }
0x1b: {  	[sflag:s12] =	ssyncset.done $0x0  }
0x1c: {  	[sflag:s12] =	ssyncadd.s32 $0xFFFFFF00  }
0x1d: {  	[spmem:s15], [sflag:s6] =	dma.local [hbm:s5], $0x100  }
0x1e: {  	_ =	swait.ge [sflag:s12], $0x100  }
0x1f: {  	[sflag:s12] =	ssyncset.done $0x0  }
0x20: {  	[sflag:s12] =	ssyncadd.s32 $0xFFFFFF00  }
0x21: {  	[spmem:s16], [sflag:s6] =	dma.local [hbm:s5], $0x100  }
0x22: {  	_ =	swait.ge [sflag:s12], $0x100  }
0x23: {  	[sflag:s12] =	ssyncset.done $0x0  }
0x24: {  	[sflag:s12] =	ssyncadd.s32 $0xFFFFFF00  }
0x25: {  	[bflag:$0x0] =	sbarrier.arrive $0xFFFF  }
0x26: {  	[tilespmem:s3], [sflag:$0x1] =	stream.linear.gather [hbm4b:s7+s3], $0x2800, $0x38;
	[tilespmem:$0x8800] =	vst v63  }
0x27: {  	_ =	swait.ge [sflag:s12], $0x2800  }
0x28: {  	[sflag:s12] =	ssyncset.done $0x0  }
0x29: {  	[sflag:s12] =	ssyncadd.s32 $0xFFFFD800  }
0x2a: {  	[tilespmem:s17], [sflag:$0x1] =	stream.linear.gather [hbm4b:s8+s3], $0x2800, $0x38;
	[tilespmem:$0x8800] =	vst v63  }
0x2b: {  	_ =	swait.ge [sflag:s12], $0x2800  }
0x2c: {  	[sflag:s12] =	ssyncset.done $0x0  }
0x2d: {  	s21 =	simm.s32 $0x0;
	[sflag:s12] =	ssyncadd.s32 $0xFFFFD800  }
0x2e: {  	[tilespmem:s19], [sflag:$0x1] =	stream.indirect.gather [hbm4b:s4+s18], $0x10, s21, s18, $0xb8;
	[tilespmem:$0x8800] =	vst v63  }
0x2f: {  	_ =	swait.ge [sflag:s12], $0x1000  }
0x30: {  	[sflag:s12] =	ssyncset.done $0x0  }
0x31: {  	s31 =	simm.s32 $0x2800;
	[sflag:s12] =	ssyncadd.s32 $0xFFFFF000  }
0x32: {  	[spmem:s2] =	stream.indirect.scatter.add.f32 [tilespmem:s19], [sflag:$0x1], $0x10, s31, s18, $0xb8;
	[tilespmem:$0x8800] =	vst v63  }
0x33: {  	_ =	swait.ge [sflag:s12], $0x1000  }
0x34: {  	s22 =	simm.s32 $0x800;
	s21 =	simm.s32 $0x400;
	[sflag:s12] =	ssyncset.done $0x0  }
.LBB2_2:
0x35: {  	s23 =	sshra.s32 s21, $0x2  }
0x36: {  	[sflag:s12] =	ssyncadd.s32 $0xFFFFF000;
	s21 =	smov.u32 s22;
	s24 =	sadd.s32 $0x400, s22  }
0x37: {  	[tilespmem:s19], [sflag:$0x1] =	stream.indirect.gather [hbm4b:s4+s18], $0x10, s23, s18, $0xb8;
	[tilespmem:$0x8800] =	vst v63  }
0x38: {  	p0 =	sne.s32 s22, $0x9C00;
	_ =	swait.ge [sflag:s12], $0x1000  }
.Ltmp0:
0x39: {  	[sflag:s12] =	ssyncset.done $0x0;
	(pc) =	sbr.rel @p0 .LBB2_2-.Ltmp0, $4  }
0x3a: {  	s22 =	sadd.s32 $0x2800, s23;
	[sflag:s12] =	ssyncadd.s32 $0xFFFFF000  }
0x3b: {  	[spmem:s2] =	stream.indirect.scatter.add.f32 [tilespmem:s19], [sflag:$0x1], $0x10, s22, s18, $0xb8;
	[tilespmem:$0x8800] =	vst v63  }
0x3c: {  	_ =	swait.ge [sflag:s12], $0x1000  }
0x3d: {  	s22 =	smov.u32 s24;
	[sflag:s12] =	ssyncset.done $0x0  }
0x3e: {  	s21 =	sshra.s32 s21, $0x2;
	[sflag:s12] =	ssyncadd.s32 $0xFFFFF000  }
0x3f: {  	[tilespmem:s19], [sflag:$0x1] =	stream.indirect.gather [hbm4b:s4+s18], $0x10, s21, s18, $0xb8;
	[tilespmem:$0x8800] =	vst v63  }
0x40: {  	_ =	swait.ge [sflag:s12], $0x1000  }
0x41: {  	[sflag:s12] =	ssyncset.done $0x0  }
0x42: {  	s21 =	sadd.s32 $0x2800, s21;
	[sflag:s12] =	ssyncadd.s32 $0xFFFFF000  }
0x43: {  	[spmem:s2] =	stream.indirect.scatter.add.f32 [tilespmem:s19], [sflag:$0x1], $0x10, s21, s18, $0xb8;
	[tilespmem:$0x8800] =	vst v63  }
0x44: {  	_ =	swait.ge [sflag:s12], $0x1000  }
0x45: {  	s20 =	sadd.s32 $0x1, s20;
	[sflag:s12] =	ssyncset.done $0x0  }
0x46: {  	p0 =	sne.s32 s20, s10;
	[sflag:s12] =	ssyncadd.s32 $0xFFFFF000  }
.Ltmp1:
0x47: {  	[bflag:$0x0] =	sbarrier.arrive $0xFFFF;
	(pc) =	sbr.rel @p0 .LBB2_1-.Ltmp1, $4  }
0x48: {  	[hbm:s9], [sflag:s6] =	dma.local [spmem:s11], $0x500  }
0x49: {  	_ =	swait.ge [sflag:s12], $0x500  }
0x4a: {  	[sflag:s12] =	ssyncset.done $0x0  }
0x4b: {  	[sflag:s12] =	ssyncadd.s32 $0xFFFFFB00  }
0x4c: {  	_ =	sfence.sel $0x180000  }
0x4d: {  	[bflag:$0x0] =	sbarrier.arrive $0xFFFF  }
0x4e: {  	p0 =	sne.s32 s0, $0x0;
	_ =	strace $0x9000004A  }
0x4f: {  	s0 =	sadd.s32 @!p0 $0x100000, s1;
	[bflag:$0x2] =	sbarrier.arrive $0xFFFF  }
0x50: {  	[sflag:s0] =	ssyncadd.tile.s32 @!p0 $0x1;
	_ =	shalt  }
.Lfunc_end2:
_tile_overlayer_lowered:
.L_overlay_start_2:
0x51: {  	(tag) =	ssettag $0x2  }
0x52: {  	s0 =	rddreg [dreg:$0x0];
	s2 =	stileid.u32  }
0x53: {  	s1 =	rddreg [dreg:$0x1];
	p0 =	sne.s32 s2, $0x0  }
0x54: {  	s3 =	rddreg [dreg:$0x2];
	[bflag:$0x3] =	sbarrier.arrive $0xFFFF;
	s2 =	simm.s32 @!p0 $0x1C01  }
0x55: {  	[timem:s3], [sflag:s2] =	dma.local @!p0 [hbm:s0], s1  }
0x56: {  	s0 =	simm.s32 @!p0 $0x1  }
0x57: {  	_ =	swait.ge @!p0 [sflag:s0], s1  }
0x58: {  	s1 =	ssub.s32 @!p0 $0x0, s1;
	[sflag:s0] =	ssyncset.done @!p0 $0x0  }
0x59: {  	[sflag:s0] =	ssyncadd.s32 @!p0 s1  }
0x5a: {  	[bflag:$0x3] =	sbarrier.arrive $0xFFFF  }
0x5b: {  	_ =	shalt  }

// kernel: kernel.18.cloned.1.call-start
scs
__scs_entry_jumppad:
0x0: {  	(pc) =	sbr.rel $0x88, $3  }
0x1: {  	(tag) =	ssettag $0x0;
	lr =	simm.s32 $0x1  }
0x2: {  	[smem:$0x3F98] =	sst lr;
	_ =	strace $0xD0000000  }
0x3: {  	_ = 	snop  }
0x4: {  	_ = 	snop  }
0x5: {  	_ = 	snop  }
0x6: {  	_ = 	snop  }
0x7: {  	_ = 	snop  }
__scs_overlays_trampoline_lowered:
0x8: {  	[smem:$0x3FA7] =	sst s0  }
0x9: {  	[smem:$0x3FA8] =	sst s1  }
0xa: {  	[smem:$0x3FA9] =	sst s2  }
0xb: {  	[smem:$0x3FAA] =	sst s3  }
0xc: {  	[smem:$0x3FAB] =	sst s4  }
0xd: {  	[smem:$0x3FAC] =	sst s5  }
0xe: {  	[smem:$0x3FAD] =	sst s6  }
0xf: {  	[smem:$0x3FAE] =	sst s7  }
0x10: {  	[smem:$0x3FAF] =	sst s8  }
0x11: {  	[smem:$0x3FB0] =	sst s9;
	s0 =	simm.s32 @!p0 $0x0  }
0x12: {  	s1 =	sld [smem:$0x3F96];
	s0 =	simm.s32 @p0 $0x1  }
0x13: {  	[smem:$0x3FB1] =	sst s0;
	s0 =	simm.s32 @!p1 $0x0  }
0x14: {  	s2 =	sld [smem:$0x3F95];
	s0 =	simm.s32 @p1 $0x1  }
0x15: {  	[smem:$0x3FB2] =	sst s0;
	s0 =	simm.s32 @!p2 $0x0  }
0x16: {  	s3 =	sld [smem:$0x3FDB];
	s0 =	simm.s32 @p2 $0x1  }
0x17: {  	s4 =	simm.s32 $0x1BF5;
	[smem:$0x3FB4] =	sst s0  }
0x18: {  	s0 =	sld [smem:$0x3F97];
	_ =	swait.ge [sflag:s4], $0x0  }
0x19: {  	s7 =	sld [smem:$0x3F98]  }
0x1a: {  	s8 =	sadd.s32 $0xFFFFE003, lr  }
0x1b: {  	s9 =	sadd.s32 $0xFFFFFEF7, lr;
	s5 =	simm.s32 $0xFFFFFFFF;
	p2 =	slt.u32 s8, $0xFFFFF086  }
0x1c: {  	p1 =	slt.u32 s9, $0xF7A;
	s5 =	simm.s32 @!p2 $0x0  }
0x1d: {  	s5 =	simm.s32 @p1 $0x1;
	p0 =	seq.s32 s7, s2  }
0x1e: {  	s7 =	smul.u32 @!p0 $0xF7A, s2;
	p2 =	seq.s32 @!p0 s5, $0x0  }
0x1f: {  	s9 =	smul.u32 $0xF7A, s1;
	s8 =	simm.s32 @!p0 $0x1BF5;
	p2 =	por !p2, p0  }
0x20: {  	[sflag:s8] =	ssyncset.s32 @!p0 $0xFFFFF086;
	s6 =	sadd.s32 @!p0 s3, s7;
	s7 =	simm.s32 @!p0 $0x108  }
0x21: {  	s3 =	sadd.s32 s3, s9;
	s6 =	sadd.s32 @!p0 $0x88, s6;
	s7 =	simm.s32 @p2 $0x1082  }
0x22: {  	[simem:s7], [sflag:s8] =	dma.local @!p0 [hbm:s6], $0xF7A  }
0x23: {  	s9 =	sor.u32 $0xD0000000, s2;
	s6 =	simm.s32 $0x108;
	_ =	swait.ge @!p0 [sflag:s8], $0x0  }
0x24: {  	s3 =	sadd.s32 $0x88, s3;
	s6 =	simm.s32 @!p1 $0x1082;
	[sflag:s4] =	ssyncset.s32 $0xFFFFF086  }
0x25: {  	[simem:s6], [sflag:s4] =	dma.local [hbm:s3], $0xF7A  }
0x26: {  	[smem:$0x3F98] =	sst s1;
	(tag) =	ssettag s2;
	_ =	strace s9  }
0x27: {  	s1 =	sld [smem:$0x3FA8]  }
0x28: {  	s2 =	sld [smem:$0x3FA9]  }
0x29: {  	s4 =	sld [smem:$0x3FAB]  }
0x2a: {  	p0 =	seq.s32 s5, $0x0;
	s5 =	sld [smem:$0x3FAC]  }
0x2b: {  	s6 =	sld [smem:$0x3FAD]  }
0x2c: {  	s7 =	sld [smem:$0x3FAE]  }
0x2d: {  	s3 =	simm.s32 $0x108;
	s8 =	sld [smem:$0x3FAF]  }
0x2e: {  	s3 =	simm.s32 @!p0 $0x1082;
	s9 =	sld [smem:$0x3FB0]  }
0x2f: {  	lr =	sadd.s32 s0, s3;
	s0 =	sld [smem:$0x3FA7]  }
0x30: {  	s3 =	sld [smem:$0x3FAA]  }
0x31: {  	[smem:$0x3FB3] =	sst s10  }
0x32: {  	s10 =	sld [smem:$0x3FB1];
	_ =	sdelay $0x3  }
0x33: {  	p0 =	seq.s32 s10, $0x1;
	s10 =	sld [smem:$0x3FB3];
	_ =	sdelay $0x3  }
0x34: {  	[smem:$0x3FB3] =	sst s10  }
0x35: {  	s10 =	sld [smem:$0x3FB2];
	_ =	sdelay $0x3  }
0x36: {  	p1 =	seq.s32 s10, $0x1;
	s10 =	sld [smem:$0x3FB3];
	_ =	sdelay $0x3  }
0x37: {  	[smem:$0x3FB3] =	sst s10  }
0x38: {  	s10 =	sld [smem:$0x3FB4]  }
0x39: {  	_ = 	snop;
	(pc) =	sbr.ind lr, $3  }
0x3a: {  	_ = 	snop  }
0x3b: {  	_ = 	snop  }
0x3c: {  	p2 =	seq.s32 s10, $0x1;
	s10 =	sld [smem:$0x3FB3]  }
0x3d: {  	_ =	shalt  }
0x3e: {  	_ =	shalt  }
0x3f: {  	_ =	shalt  }
0x40: {  	_ =	shalt  }
0x41: {  	_ =	shalt  }
0x42: {  	_ =	shalt  }
0x43: {  	_ =	shalt  }
0x44: {  	_ =	shalt  }
0x45: {  	_ =	shalt  }
0x46: {  	_ =	shalt  }
0x47: {  	_ =	shalt  }
0x48: {  	_ =	shalt  }
0x49: {  	_ =	shalt  }
0x4a: {  	_ =	shalt  }
0x4b: {  	_ =	shalt  }
0x4c: {  	_ =	shalt  }
0x4d: {  	_ =	shalt  }
0x4e: {  	_ =	shalt  }
0x4f: {  	_ =	shalt  }
0x50: {  	_ =	shalt  }
0x51: {  	_ =	shalt  }
0x52: {  	_ =	shalt  }
0x53: {  	_ =	shalt  }
0x54: {  	_ =	shalt  }
0x55: {  	_ =	shalt  }
0x56: {  	_ =	shalt  }
0x57: {  	_ =	shalt  }
0x58: {  	_ =	shalt  }
0x59: {  	_ =	shalt  }
0x5a: {  	_ =	shalt  }
0x5b: {  	_ =	shalt  }
0x5c: {  	_ =	shalt  }
0x5d: {  	_ =	shalt  }
0x5e: {  	_ =	shalt  }
0x5f: {  	_ =	shalt  }
0x60: {  	_ =	shalt  }
0x61: {  	_ =	shalt  }
0x62: {  	_ =	shalt  }
0x63: {  	_ =	shalt  }
0x64: {  	_ =	shalt  }
0x65: {  	_ =	shalt  }
0x66: {  	_ =	shalt  }
0x67: {  	_ =	shalt  }
0x68: {  	_ =	shalt  }
0x69: {  	_ =	shalt  }
0x6a: {  	_ =	shalt  }
0x6b: {  	_ =	shalt  }
0x6c: {  	_ =	shalt  }
0x6d: {  	_ =	shalt  }
0x6e: {  	_ =	shalt  }
0x6f: {  	_ =	shalt  }
0x70: {  	_ =	shalt  }
0x71: {  	_ =	shalt  }
0x72: {  	_ =	shalt  }
0x73: {  	_ =	shalt  }
0x74: {  	_ =	shalt  }
0x75: {  	_ =	shalt  }
0x76: {  	_ =	shalt  }
0x77: {  	_ =	shalt  }
0x78: {  	_ =	shalt  }
0x79: {  	_ =	shalt  }
0x7a: {  	_ =	shalt  }
0x7b: {  	_ =	shalt  }
0x7c: {  	_ =	shalt  }
0x7d: {  	_ =	shalt  }
0x7e: {  	_ =	shalt  }
0x7f: {  	_ =	shalt  }
0x80: {  	_ =	shalt  }
0x81: {  	_ =	shalt  }
0x82: {  	_ =	shalt  }
0x83: {  	_ =	shalt  }
0x84: {  	_ =	shalt  }
0x85: {  	_ =	shalt  }
0x86: {  	_ =	shalt  }
0x87: {  	_ =	shalt  }
.Lfunc_end0:
.L_simem_size_0:
called_computation.2_lowered:
.L_overlay_start_0:
0x88: {  	s2 =	sld [smem:$0x3FD9]  }
0x89: {  	s3 =	sld [smem:$0x3FFE];
	_ =	sdelay $0x1  }
0x8a: {  	s1 =	srdreg.scid  }
0x8b: {  	s0 =	sand.u32 $0x1, s1  }
0x8c: {  	s17 =	sshll.u32 s0, $0xA;
	s2 =	sadd.s32 s3, s2  }
0x8d: {  	s2 =	sadd.s32 s2, s17  }
0x8e: {  	[smem:$0x3FBF] =	sst s2  }
0x8f: {  	_ = 	snop  }
0x90: {  	s2 =	sld [smem:$0x3FD0];
	(tm) =	ssettm $0x1  }
0x91: {  	s18 =	sld [smem:$0x3FFB];
	_ =	sdelay $0x3  }
0x92: {  	_ =	strace s18  }
0x93: {  	s3 =	sld [smem:$0x3FFC];
	_ =	sdelay $0x3  }
0x94: {  	_ =	strace s3  }
0x95: {  	s3 =	sld [smem:$0x3FFD];
	_ =	sdelay $0x3  }
0x96: {  	_ =	strace s3  }
0x97: {  	_ =	strace $0x8FFFFFFF  }
0x98: {  	s19 =	sld [smem:$0x3FDB];
	_ =	sdelay $0x1  }
0x99: {  	s4 =	simm.s32 $_scs_section_size  }
0x9a: {  	s5 =	simm.s32 $_size__tile_overlayer_lowered;
	s6 =	simm.s32 $_tile_overlayer_lowered  }
0x9b: {  	s22 =	simm.s32 $0x1BFF;
	s21 =	sshll.u32 s6, $0x1;
	s3 =	sadd.s32 s4, s19  }
0x9c: {  	s7 =	simm.s32 $0x0;
	s20 =	sshll.u32 s5, $0x1;
	s5 =	sadd.s32 s21, s3  }
0x9d: {  	[timem:s7], [sflag:s22] =	dma.local [hbm:s5], s20  }
0x9e: {  	_ =	swait.ge [sflag:s22], s20  }
0x9f: {  	s4 =	ssub.s32 $0x0, s20;
	[sflag:s22] =	ssyncset.done $0x0  }
0xa0: {  	[sflag:s22] =	ssyncadd.s32 s4;
	_ =	sdelay $0x1  }
0xa1: {  	s23 =	simm.s32 $0x1B8B  }
0xa2: {  	_ =	swait.ge [sflag:s23], $0x1  }
0xa3: {  	[sflag:s23] =	ssyncset.done $0x0  }
0xa4: {  	s25 =	simm.s32 $0x1B8E;
	s24 =	sld [smem:$0x3FFE];
	[sflag:s23] =	ssyncadd.s32 $0xFFFFFFFF  }
0xa5: {  	s26 =	simm.s32 $execute0_lowered;
	[smem:$0x3FD2] =	sst s25  }
0xa6: {  	s5 =	sshll.u32 s26, $0x1;
	_ =	strace $0x8000004C;
	[dreg:$0x1] =	wrdreg $0xFFFFFFFF  }
0xa7: {  	s28 =	simm.s32 $_size_execute0_lowered;
	s3 =	sadd.s32 s3, s5;
	[dreg:$0x0] =	wrdreg $0x0  }
0xa8: {  	s5 =	sshll.u32 s28, $0x1;
	[dreg:$0x2] =	wrdreg s3  }
0xa9: {  	[dreg:$0x3] =	wrdreg s5  }
0xaa: {  	[dreg:$0x4] =	wrdreg $0xC0  }
0xab: {  	_ =	task [dreg:s7], $0x5FFFF  }
0xac: {  	[dreg:$0x1] =	wrdreg $0xFFFFFFFF  }
0xad: {  	[dreg:$0x0] =	wrdreg $0x60  }
0xae: {  	[dreg:$0x2] =	wrdreg s24  }
0xaf: {  	[dreg:$0x3] =	wrdreg s2  }
0xb0: {  	[dreg:$0x4] =	wrdreg $0xB0000  }
0xb1: {  	[dreg:$0x5] =	wrdreg $0x9  }
0xb2: {  	_ =	task.clear_ibuf [dreg:s7], $0x6FFFF;
	_ =	strace $0x9000004C  }
0xb3: {  	s29 =	simm.s32 $0x9;
	_ =	strace $0x8000004E  }
0xb4: {  	_ =	swait.ge [sflag:s29], $0x1  }
0xb5: {  	[sflag:s29] =	ssyncadd.s32 $0xFFFFFFFF  }
0xb6: {  	_ =	strace $0x9000004E  }
0xb7: {  	_ =	sfence  }
0xb8: {  	s30 =	sld [smem:$0x0];
	_ =	sdelay $0x2  }
0xb9: {  	s31 =	sshll.u32 s1, $0xD;
	s1 =	sshrl.u32 s1, $0x2  }
0xba: {  	s3 =	sand.u32 $0x4000, s31;
	s1 =	sadd.s32 s1, s30  }
0xbb: {  	s0 =	sor.u32 s3, s0;
	s1 =	sshll.u32 s1, $0x11  }
0xbc: {  	s0 =	sor.u32 s1, s0  }
0xbd: {  	s0 =	sadd.s32 $0x8F2B, s0  }
0xbe: {  	[sflag:s0] =	ssyncadd.remote.s32 $0x1  }
0xbf: {  	_ =	sfence.sel $0xFFFF  }
0xc0: {  	[dreg:$0x0] =	wrdreg $0xFFFFFFFF;
	(pc) =	sbr.abs _section_cstart, $3  }
0xc1: {  	[dreg:$0x1] =	wrdreg $0xFFFFFFFF  }
0xc2: {  	_ =	task.clear_ibuf [dreg:s7], $0x2FFFF;
	_ =	strace $0x9FFFFFFF  }
0xc3: {  	(tm) =	ssettm $0x7FFFFFFF  }
tec
execute0_lowered:
.L_overlay_start_1:
0x0: {  	(tag) =	ssettag $0x1  }
0x1: {  	s6 =	rddreg [dreg:$0x0]  }
0x2: {  	s2 =	rddreg [dreg:$0x1]  }
0x3: {  	s3 =	rddreg [dreg:$0x2]  }
0x4: {  	s0 =	rddreg [dreg:$0x3]  }
0x5: {  	s5 =	srdreg.scid;
	s1 =	stileid.u32;
	s4 =	simm.s32 $0x0  }
0x6: {  	s20 =	simm.s32 $0x100;
	s21 =	simm.s32 $0x3000;
	s22 =	simm.s32 $0x0  }
0x7: {  	s7 =	sand.u32 $0x1, s5;
	s8 =	smul.u32 $0x14000, s1;
	[smem:$0x7FF] =	sst s4  }
0x8: {  	s5 =	sadd.s32 $0x3F400, s6;
	s10 =	sadd.s32 $0xD200, s6;
	s11 =	sadd.s32 $0x3200, s6  }
0x9: {  	s13 =	smul.u32 $0x50000, s1;
	s25 =	sshll.u32 s1, $0x1;
	s29 =	sshll.u32 s1, $0x6  }
0xa: {  	s9 =	smul.u32 $0x140000, s7;
	_ =	strace $0x8000004D;
	s12 =	ssub.s32 $0x2, s7  }
0xb: {  	s26 =	sor.u32 s7, s25;
	s24 =	sshrl.u32 s12, $0x1;
	s28 =	sshrl.u32 s13, $0x2  }
0xc: {  	s30 =	smul.u32 $0x2800, s26;
	s15 =	sadd.s32 s8, s3;
	s9 =	sadd.s32 s8, s9  }
0xd: {  	s12 =	ssub.s32 s12, s24;
	s7 =	sadd.s32 s28, s3;
	s9 =	sshrl.u32 s9, $0x3  }
0xe: {  	s16 =	sadd.s32 $0x4000, s7;
	s17 =	sadd.s32 $0x8000, s7;
	s18 =	sadd.s32 $0xC000, s7  }
0xf: {  	s31 =	sshrl.u32 s30, $0x3;
	s19 =	sadd.s32 $0x10000, s7;
	s12 =	smax.u32 s12, $0x1  }
0x10: {  	s14 =	sadd.s32 s9, s6;
	s6 =	sor.u32 $0x1C01, s29;
	s13 =	sadd.s32 $0x200, s31  }
0x11: {  	s7 =	sadd.s32 s10, s31;
	s8 =	sadd.s32 s11, s31;
	s9 =	sadd.s32 s10, s13  }
0x12: {  	s10 =	sadd.s32 s11, s13;
	s11 =	sadd.s32 $0x67400, s14;
	s13 =	sshrl.u32 s15, $0x3  }
0x13: {  	s14 =	simm.s32 $0x1;
	s15 =	sshrl.u32 s16, $0x3;
	s16 =	sshrl.u32 s17, $0x3  }
0x14: {  	s17 =	sshrl.u32 s18, $0x3;
	s18 =	sshrl.u32 s19, $0x3;
	s19 =	simm.s32 $0x1800  }
.LBB2_1:
0x15: {  	[spmem:s13], [sflag:s6] =	dma.local [hbm:s2], $0x800  }
0x16: {  	_ =	swait.ge [sflag:s14], $0x800  }
0x17: {  	[sflag:s14] =	ssyncset.done $0x0  }
0x18: {  	[sflag:s14] =	ssyncadd.s32 $0xFFFFF800  }
0x19: {  	[spmem:s15], [sflag:s6] =	dma.local [hbm:s2], $0x800  }
0x1a: {  	_ =	swait.ge [sflag:s14], $0x800  }
0x1b: {  	[sflag:s14] =	ssyncset.done $0x0  }
0x1c: {  	[sflag:s14] =	ssyncadd.s32 $0xFFFFF800  }
0x1d: {  	[spmem:s16], [sflag:s6] =	dma.local [hbm:s2], $0x800  }
0x1e: {  	_ =	swait.ge [sflag:s14], $0x800  }
0x1f: {  	[sflag:s14] =	ssyncset.done $0x0  }
0x20: {  	[sflag:s14] =	ssyncadd.s32 $0xFFFFF800  }
0x21: {  	[spmem:s17], [sflag:s6] =	dma.local [hbm:s2], $0x800  }
0x22: {  	_ =	swait.ge [sflag:s14], $0x800  }
0x23: {  	[sflag:s14] =	ssyncset.done $0x0  }
0x24: {  	[sflag:s14] =	ssyncadd.s32 $0xFFFFF800  }
0x25: {  	[spmem:s18], [sflag:s6] =	dma.local [hbm:s2], $0x800  }
0x26: {  	_ =	swait.ge [sflag:s14], $0x800  }
0x27: {  	[sflag:s14] =	ssyncset.done $0x0  }
0x28: {  	[sflag:s14] =	ssyncadd.s32 $0xFFFFF800  }
0x29: {  	[bflag:$0x0] =	sbarrier.arrive $0xFFFF  }
0x2a: {  	[tilespmem:s4], [sflag:$0x1] =	stream.linear.gather [hbm4b:s7+s4], $0x1800, $0x38;
	[tilespmem:$0x1F000] =	vst v63  }
0x2b: {  	_ =	swait.ge [sflag:s14], $0x1800  }
0x2c: {  	[sflag:s14] =	ssyncset.done $0x0  }
0x2d: {  	[sflag:s14] =	ssyncadd.s32 $0xFFFFE800  }
0x2e: {  	[tilespmem:s19], [sflag:$0x1] =	stream.linear.gather [hbm4b:s8+s4], $0x1800, $0x38;
	[tilespmem:$0x1F000] =	vst v63  }
0x2f: {  	_ =	swait.ge [sflag:s14], $0x1800  }
0x30: {  	[sflag:s14] =	ssyncset.done $0x0  }
0x31: {  	s23 =	simm.s32 $0x0;
	[sflag:s14] =	ssyncadd.s32 $0xFFFFE800  }
0x32: {  	[tilespmem:s21], [sflag:$0x1] =	stream.indirect.gather [hbm4b:s5+s20], $0x80, s23, s20, $0xb8;
	[tilespmem:$0x1F000] =	vst v63  }
0x33: {  	_ =	swait.ge [sflag:s14], $0x8000  }
0x34: {  	[sflag:s14] =	ssyncset.done $0x0  }
0x35: {  	s31 =	simm.s32 $0x1800;
	[sflag:s14] =	ssyncadd.s32 $0xFFFF8000  }
0x36: {  	[spmem:s3] =	stream.indirect.scatter.add.f32 [tilespmem:s21], [sflag:$0x1], $0x80, s31, s20, $0xb8;
	[tilespmem:$0x1F000] =	vst v63  }
0x37: {  	_ =	swait.ge [sflag:s14], $0x8000  }
0x38: {  	s24 =	simm.s32 $0x800;
	s23 =	simm.s32 $0x400;
	[sflag:s14] =	ssyncset.done $0x0  }
.LBB2_2:
0x39: {  	s25 =	sshra.s32 s23, $0x2  }
0x3a: {  	[sflag:s14] =	ssyncadd.s32 $0xFFFF8000;
	s23 =	smov.u32 s24;
	s26 =	sadd.s32 $0x400, s24  }
0x3b: {  	[tilespmem:s21], [sflag:$0x1] =	stream.indirect.gather [hbm4b:s5+s20], $0x80, s25, s20, $0xb8;
	[tilespmem:$0x1F000] =	vst v63  }
0x3c: {  	p0 =	sne.s32 s24, $0x5C00;
	_ =	swait.ge [sflag:s14], $0x8000  }
.Ltmp0:
0x3d: {  	[sflag:s14] =	ssyncset.done $0x0;
	(pc) =	sbr.rel @p0 .LBB2_2-.Ltmp0, $4  }
0x3e: {  	s24 =	sadd.s32 $0x1800, s25;
	[sflag:s14] =	ssyncadd.s32 $0xFFFF8000  }
0x3f: {  	[spmem:s3] =	stream.indirect.scatter.add.f32 [tilespmem:s21], [sflag:$0x1], $0x80, s24, s20, $0xb8;
	[tilespmem:$0x1F000] =	vst v63  }
0x40: {  	_ =	swait.ge [sflag:s14], $0x8000  }
0x41: {  	s24 =	smov.u32 s26;
	[sflag:s14] =	ssyncset.done $0x0  }
0x42: {  	s23 =	sshra.s32 s23, $0x2;
	[sflag:s14] =	ssyncadd.s32 $0xFFFF8000  }
0x43: {  	[tilespmem:s21], [sflag:$0x1] =	stream.indirect.gather [hbm4b:s5+s20], $0x80, s23, s20, $0xb8;
	[tilespmem:$0x1F000] =	vst v63  }
0x44: {  	_ =	swait.ge [sflag:s14], $0x8000  }
0x45: {  	[sflag:s14] =	ssyncset.done $0x0  }
0x46: {  	s23 =	sadd.s32 $0x1800, s23;
	[sflag:s14] =	ssyncadd.s32 $0xFFFF8000  }
0x47: {  	[spmem:s3] =	stream.indirect.scatter.add.f32 [tilespmem:s21], [sflag:$0x1], $0x80, s23, s20, $0xb8;
	[tilespmem:$0x1F000] =	vst v63  }
0x48: {  	_ =	swait.ge [sflag:s14], $0x8000  }
0x49: {  	[sflag:s14] =	ssyncset.done $0x0  }
0x4a: {  	s29 =	simm.s32 $0x0;
	[sflag:s14] =	ssyncadd.s32 $0xFFFF8000  }
0x4b: {  	[tilespmem:s29], [sflag:$0x1] =	stream.linear.gather [hbm4b:s9+s29], $0x1800, $0x38;
	[tilespmem:$0x1F000] =	vst v63  }
0x4c: {  	_ =	swait.ge [sflag:s14], $0x1800  }
0x4d: {  	[sflag:s14] =	ssyncset.done $0x0  }
0x4e: {  	[sflag:s14] =	ssyncadd.s32 $0xFFFFE800  }
0x4f: {  	[tilespmem:s19], [sflag:$0x1] =	stream.linear.gather [hbm4b:s10+s29], $0x1800, $0x38;
	[tilespmem:$0x1F000] =	vst v63  }
0x50: {  	_ =	swait.ge [sflag:s14], $0x1800  }
0x51: {  	[sflag:s14] =	ssyncset.done $0x0  }
0x52: {  	s30 =	simm.s32 $0x800;
	[sflag:s14] =	ssyncadd.s32 $0xFFFFE800  }
0x53: {  	[tilespmem:s21], [sflag:$0x1] =	stream.indirect.gather [hbm4b:s5+s20], $0x80, s30, s20, $0xb8;
	[tilespmem:$0x1F000] =	vst v63  }
0x54: {  	_ =	swait.ge [sflag:s14], $0x8000  }
0x55: {  	[sflag:s14] =	ssyncset.done $0x0  }
0x56: {  	s31 =	simm.s32 $0x2000;
	[sflag:s14] =	ssyncadd.s32 $0xFFFF8000  }
0x57: {  	[spmem:s3] =	stream.indirect.scatter.add.f32 [tilespmem:s21], [sflag:$0x1], $0x80, s31, s20, $0xb8;
	[tilespmem:$0x1F000] =	vst v63  }
0x58: {  	_ =	swait.ge [sflag:s14], $0x8000  }
0x59: {  	s24 =	simm.s32 $0x800;
	s23 =	simm.s32 $0x100;
	[sflag:s14] =	ssyncset.done $0x0  }
.LBB2_4:
0x5a: {  	s25 =	sadd.s32 $0x800, s23  }
0x5b: {  	[sflag:s14] =	ssyncadd.s32 $0xFFFF8000;
	s26 =	smov.u32 s24;
	s28 =	sadd.s32 $0x400, s24  }
0x5c: {  	[tilespmem:s21], [sflag:$0x1] =	stream.indirect.gather [hbm4b:s5+s20], $0x80, s25, s20, $0xb8;
	[tilespmem:$0x1F000] =	vst v63  }
0x5d: {  	p0 =	sne.s32 s24, $0x3C00;
	_ =	swait.ge [sflag:s14], $0x8000  }
.Ltmp1:
0x5e: {  	[sflag:s14] =	ssyncset.done $0x0;
	(pc) =	sbr.rel @p0 .LBB2_4-.Ltmp1, $4  }
0x5f: {  	s23 =	sadd.s32 $0x2000, s23;
	[sflag:s14] =	ssyncadd.s32 $0xFFFF8000  }
0x60: {  	[spmem:s3] =	stream.indirect.scatter.add.f32 [tilespmem:s21], [sflag:$0x1], $0x80, s23, s20, $0xb8;
	[tilespmem:$0x1F000] =	vst v63  }
0x61: {  	_ =	swait.ge [sflag:s14], $0x8000  }
0x62: {  	s24 =	smov.u32 s28;
	s23 =	sshra.s32 s26, $0x2;
	[sflag:s14] =	ssyncset.done $0x0  }
0x63: {  	s24 =	sadd.s32 $0x800, s23;
	[sflag:s14] =	ssyncadd.s32 $0xFFFF8000  }
0x64: {  	[tilespmem:s21], [sflag:$0x1] =	stream.indirect.gather [hbm4b:s5+s20], $0x80, s24, s20, $0xb8;
	[tilespmem:$0x1F000] =	vst v63  }
0x65: {  	_ =	swait.ge [sflag:s14], $0x8000  }
0x66: {  	[sflag:s14] =	ssyncset.done $0x0  }
0x67: {  	s31 =	sadd.s32 $0x2000, s23;
	[sflag:s14] =	ssyncadd.s32 $0xFFFF8000  }
0x68: {  	[spmem:s3] =	stream.indirect.scatter.add.f32 [tilespmem:s21], [sflag:$0x1], $0x80, s31, s20, $0xb8;
	[tilespmem:$0x1F000] =	vst v63  }
0x69: {  	_ =	swait.ge [sflag:s14], $0x8000  }
0x6a: {  	s22 =	sadd.s32 $0x1, s22;
	[sflag:s14] =	ssyncset.done $0x0  }
0x6b: {  	p0 =	sne.s32 s22, s12;
	[sflag:s14] =	ssyncadd.s32 $0xFFFF8000  }
.Ltmp2:
0x6c: {  	[bflag:$0x0] =	sbarrier.arrive $0xFFFF;
	(pc) =	sbr.rel @p0 .LBB2_1-.Ltmp2, $4  }
0x6d: {  	[hbm:s11], [sflag:s6] =	dma.local [spmem:s13], $0x2800  }
0x6e: {  	_ =	swait.ge [sflag:s14], $0x2800  }
0x6f: {  	[sflag:s14] =	ssyncset.done $0x0  }
0x70: {  	[sflag:s14] =	ssyncadd.s32 $0xFFFFD800  }
0x71: {  	_ =	sfence.sel $0x180000  }
0x72: {  	[bflag:$0x0] =	sbarrier.arrive $0xFFFF  }
0x73: {  	p0 =	sne.s32 s1, $0x0;
	_ =	strace $0x9000004D  }
0x74: {  	s0 =	sadd.s32 @!p0 $0x100000, s0;
	[bflag:$0x2] =	sbarrier.arrive $0xFFFF  }
0x75: {  	[sflag:s0] =	ssyncadd.tile.s32 @!p0 $0x1;
	_ =	shalt  }
.Lfunc_end2:
_tile_overlayer_lowered:
.L_overlay_start_2:
0x76: {  	(tag) =	ssettag $0x2  }
0x77: {  	s0 =	rddreg [dreg:$0x0];
	s2 =	stileid.u32  }
0x78: {  	s1 =	rddreg [dreg:$0x1];
	p0 =	sne.s32 s2, $0x0  }
0x79: {  	s3 =	rddreg [dreg:$0x2];
	[bflag:$0x3] =	sbarrier.arrive $0xFFFF;
	s2 =	simm.s32 @!p0 $0x1C01  }
0x7a: {  	[timem:s3], [sflag:s2] =	dma.local @!p0 [hbm:s0], s1  }
0x7b: {  	s0 =	simm.s32 @!p0 $0x1  }
0x7c: {  	_ =	swait.ge @!p0 [sflag:s0], s1  }
0x7d: {  	s1 =	ssub.s32 @!p0 $0x0, s1;
	[sflag:s0] =	ssyncset.done @!p0 $0x0  }
0x7e: {  	[sflag:s0] =	ssyncadd.s32 @!p0 s1  }
0x7f: {  	[bflag:$0x3] =	sbarrier.arrive $0xFFFF  }
0x80: {  	_ =	shalt  }

// kernel: kernel.21.cloned.1.call-start
scs
__scs_entry_jumppad:
0x0: {  	(pc) =	sbr.rel $0x88, $3  }
0x1: {  	(tag) =	ssettag $0x0;
	lr =	simm.s32 $0x1  }
0x2: {  	[smem:$0x3F98] =	sst lr;
	_ =	strace $0xD0000000  }
0x3: {  	_ = 	snop  }
0x4: {  	_ = 	snop  }
0x5: {  	_ = 	snop  }
0x6: {  	_ = 	snop  }
0x7: {  	_ = 	snop  }
__scs_overlays_trampoline_lowered:
0x8: {  	[smem:$0x3FA7] =	sst s0  }
0x9: {  	[smem:$0x3FA8] =	sst s1  }
0xa: {  	[smem:$0x3FA9] =	sst s2  }
0xb: {  	[smem:$0x3FAA] =	sst s3  }
0xc: {  	[smem:$0x3FAB] =	sst s4  }
0xd: {  	[smem:$0x3FAC] =	sst s5  }
0xe: {  	[smem:$0x3FAD] =	sst s6  }
0xf: {  	[smem:$0x3FAE] =	sst s7  }
0x10: {  	[smem:$0x3FAF] =	sst s8  }
0x11: {  	[smem:$0x3FB0] =	sst s9;
	s0 =	simm.s32 @!p0 $0x0  }
0x12: {  	s1 =	sld [smem:$0x3F96];
	s0 =	simm.s32 @p0 $0x1  }
0x13: {  	[smem:$0x3FB1] =	sst s0;
	s0 =	simm.s32 @!p1 $0x0  }
0x14: {  	s2 =	sld [smem:$0x3F95];
	s0 =	simm.s32 @p1 $0x1  }
0x15: {  	[smem:$0x3FB2] =	sst s0;
	s0 =	simm.s32 @!p2 $0x0  }
0x16: {  	s3 =	sld [smem:$0x3FDB];
	s0 =	simm.s32 @p2 $0x1  }
0x17: {  	s4 =	simm.s32 $0x1BF5;
	[smem:$0x3FB4] =	sst s0  }
0x18: {  	s0 =	sld [smem:$0x3F97];
	_ =	swait.ge [sflag:s4], $0x0  }
0x19: {  	s7 =	sld [smem:$0x3F98]  }
0x1a: {  	s8 =	sadd.s32 $0xFFFFE003, lr  }
0x1b: {  	s9 =	sadd.s32 $0xFFFFFEF7, lr;
	s5 =	simm.s32 $0xFFFFFFFF;
	p2 =	slt.u32 s8, $0xFFFFF086  }
0x1c: {  	p1 =	slt.u32 s9, $0xF7A;
	s5 =	simm.s32 @!p2 $0x0  }
0x1d: {  	s5 =	simm.s32 @p1 $0x1;
	p0 =	seq.s32 s7, s2  }
0x1e: {  	s7 =	smul.u32 @!p0 $0xF7A, s2;
	p2 =	seq.s32 @!p0 s5, $0x0  }
0x1f: {  	s9 =	smul.u32 $0xF7A, s1;
	s8 =	simm.s32 @!p0 $0x1BF5;
	p2 =	por !p2, p0  }
0x20: {  	[sflag:s8] =	ssyncset.s32 @!p0 $0xFFFFF086;
	s6 =	sadd.s32 @!p0 s3, s7;
	s7 =	simm.s32 @!p0 $0x108  }
0x21: {  	s3 =	sadd.s32 s3, s9;
	s6 =	sadd.s32 @!p0 $0x88, s6;
	s7 =	simm.s32 @p2 $0x1082  }
0x22: {  	[simem:s7], [sflag:s8] =	dma.local @!p0 [hbm:s6], $0xF7A  }
0x23: {  	s9 =	sor.u32 $0xD0000000, s2;
	s6 =	simm.s32 $0x108;
	_ =	swait.ge @!p0 [sflag:s8], $0x0  }
0x24: {  	s3 =	sadd.s32 $0x88, s3;
	s6 =	simm.s32 @!p1 $0x1082;
	[sflag:s4] =	ssyncset.s32 $0xFFFFF086  }
0x25: {  	[simem:s6], [sflag:s4] =	dma.local [hbm:s3], $0xF7A  }
0x26: {  	[smem:$0x3F98] =	sst s1;
	(tag) =	ssettag s2;
	_ =	strace s9  }
0x27: {  	s1 =	sld [smem:$0x3FA8]  }
0x28: {  	s2 =	sld [smem:$0x3FA9]  }
0x29: {  	s4 =	sld [smem:$0x3FAB]  }
0x2a: {  	p0 =	seq.s32 s5, $0x0;
	s5 =	sld [smem:$0x3FAC]  }
0x2b: {  	s6 =	sld [smem:$0x3FAD]  }
0x2c: {  	s7 =	sld [smem:$0x3FAE]  }
0x2d: {  	s3 =	simm.s32 $0x108;
	s8 =	sld [smem:$0x3FAF]  }
0x2e: {  	s3 =	simm.s32 @!p0 $0x1082;
	s9 =	sld [smem:$0x3FB0]  }
0x2f: {  	lr =	sadd.s32 s0, s3;
	s0 =	sld [smem:$0x3FA7]  }
0x30: {  	s3 =	sld [smem:$0x3FAA]  }
0x31: {  	[smem:$0x3FB3] =	sst s10  }
0x32: {  	s10 =	sld [smem:$0x3FB1];
	_ =	sdelay $0x3  }
0x33: {  	p0 =	seq.s32 s10, $0x1;
	s10 =	sld [smem:$0x3FB3];
	_ =	sdelay $0x3  }
0x34: {  	[smem:$0x3FB3] =	sst s10  }
0x35: {  	s10 =	sld [smem:$0x3FB2];
	_ =	sdelay $0x3  }
0x36: {  	p1 =	seq.s32 s10, $0x1;
	s10 =	sld [smem:$0x3FB3];
	_ =	sdelay $0x3  }
0x37: {  	[smem:$0x3FB3] =	sst s10  }
0x38: {  	s10 =	sld [smem:$0x3FB4]  }
0x39: {  	_ = 	snop;
	(pc) =	sbr.ind lr, $3  }
0x3a: {  	_ = 	snop  }
0x3b: {  	_ = 	snop  }
0x3c: {  	p2 =	seq.s32 s10, $0x1;
	s10 =	sld [smem:$0x3FB3]  }
0x3d: {  	_ =	shalt  }
0x3e: {  	_ =	shalt  }
0x3f: {  	_ =	shalt  }
0x40: {  	_ =	shalt  }
0x41: {  	_ =	shalt  }
0x42: {  	_ =	shalt  }
0x43: {  	_ =	shalt  }
0x44: {  	_ =	shalt  }
0x45: {  	_ =	shalt  }
0x46: {  	_ =	shalt  }
0x47: {  	_ =	shalt  }
0x48: {  	_ =	shalt  }
0x49: {  	_ =	shalt  }
0x4a: {  	_ =	shalt  }
0x4b: {  	_ =	shalt  }
0x4c: {  	_ =	shalt  }
0x4d: {  	_ =	shalt  }
0x4e: {  	_ =	shalt  }
0x4f: {  	_ =	shalt  }
0x50: {  	_ =	shalt  }
0x51: {  	_ =	shalt  }
0x52: {  	_ =	shalt  }
0x53: {  	_ =	shalt  }
0x54: {  	_ =	shalt  }
0x55: {  	_ =	shalt  }
0x56: {  	_ =	shalt  }
0x57: {  	_ =	shalt  }
0x58: {  	_ =	shalt  }
0x59: {  	_ =	shalt  }
0x5a: {  	_ =	shalt  }
0x5b: {  	_ =	shalt  }
0x5c: {  	_ =	shalt  }
0x5d: {  	_ =	shalt  }
0x5e: {  	_ =	shalt  }
0x5f: {  	_ =	shalt  }
0x60: {  	_ =	shalt  }
0x61: {  	_ =	shalt  }
0x62: {  	_ =	shalt  }
0x63: {  	_ =	shalt  }
0x64: {  	_ =	shalt  }
0x65: {  	_ =	shalt  }
0x66: {  	_ =	shalt  }
0x67: {  	_ =	shalt  }
0x68: {  	_ =	shalt  }
0x69: {  	_ =	shalt  }
0x6a: {  	_ =	shalt  }
0x6b: {  	_ =	shalt  }
0x6c: {  	_ =	shalt  }
0x6d: {  	_ =	shalt  }
0x6e: {  	_ =	shalt  }
0x6f: {  	_ =	shalt  }
0x70: {  	_ =	shalt  }
0x71: {  	_ =	shalt  }
0x72: {  	_ =	shalt  }
0x73: {  	_ =	shalt  }
0x74: {  	_ =	shalt  }
0x75: {  	_ =	shalt  }
0x76: {  	_ =	shalt  }
0x77: {  	_ =	shalt  }
0x78: {  	_ =	shalt  }
0x79: {  	_ =	shalt  }
0x7a: {  	_ =	shalt  }
0x7b: {  	_ =	shalt  }
0x7c: {  	_ =	shalt  }
0x7d: {  	_ =	shalt  }
0x7e: {  	_ =	shalt  }
0x7f: {  	_ =	shalt  }
0x80: {  	_ =	shalt  }
0x81: {  	_ =	shalt  }
0x82: {  	_ =	shalt  }
0x83: {  	_ =	shalt  }
0x84: {  	_ =	shalt  }
0x85: {  	_ =	shalt  }
0x86: {  	_ =	shalt  }
0x87: {  	_ =	shalt  }
.Lfunc_end0:
.L_simem_size_0:
called_computation.3_lowered:
.L_overlay_start_0:
0x88: {  	s2 =	sld [smem:$0x3FD9]  }
0x89: {  	s3 =	sld [smem:$0x3FFE];
	_ =	sdelay $0x1  }
0x8a: {  	s1 =	srdreg.scid  }
0x8b: {  	s0 =	sand.u32 $0x1, s1  }
0x8c: {  	s17 =	sshll.u32 s0, $0xA;
	s2 =	sadd.s32 s3, s2  }
0x8d: {  	s2 =	sadd.s32 s2, s17  }
0x8e: {  	[smem:$0x3FBF] =	sst s2  }
0x8f: {  	_ = 	snop  }
0x90: {  	s2 =	sld [smem:$0x3FD0];
	(tm) =	ssettm $0x1  }
0x91: {  	s18 =	sld [smem:$0x3FFB];
	_ =	sdelay $0x3  }
0x92: {  	_ =	strace s18  }
0x93: {  	s3 =	sld [smem:$0x3FFC];
	_ =	sdelay $0x3  }
0x94: {  	_ =	strace s3  }
0x95: {  	s3 =	sld [smem:$0x3FFD];
	_ =	sdelay $0x3  }
0x96: {  	_ =	strace s3  }
0x97: {  	_ =	strace $0x8FFFFFFF  }
0x98: {  	s19 =	sld [smem:$0x3FDB];
	_ =	sdelay $0x1  }
0x99: {  	s4 =	simm.s32 $_scs_section_size  }
0x9a: {  	s5 =	simm.s32 $_size__tile_overlayer_lowered;
	s6 =	simm.s32 $_tile_overlayer_lowered  }
0x9b: {  	s22 =	simm.s32 $0x1BFF;
	s21 =	sshll.u32 s6, $0x1;
	s3 =	sadd.s32 s4, s19  }
0x9c: {  	s7 =	simm.s32 $0x0;
	s20 =	sshll.u32 s5, $0x1;
	s5 =	sadd.s32 s21, s3  }
0x9d: {  	[timem:s7], [sflag:s22] =	dma.local [hbm:s5], s20  }
0x9e: {  	_ =	swait.ge [sflag:s22], s20  }
0x9f: {  	s4 =	ssub.s32 $0x0, s20;
	[sflag:s22] =	ssyncset.done $0x0  }
0xa0: {  	[sflag:s22] =	ssyncadd.s32 s4;
	_ =	sdelay $0x1  }
0xa1: {  	s23 =	simm.s32 $0x1B8B  }
0xa2: {  	_ =	swait.ge [sflag:s23], $0x1  }
0xa3: {  	[sflag:s23] =	ssyncset.done $0x0  }
0xa4: {  	s25 =	simm.s32 $0x1B8E;
	s24 =	sld [smem:$0x3FFE];
	[sflag:s23] =	ssyncadd.s32 $0xFFFFFFFF  }
0xa5: {  	s26 =	simm.s32 $execute0_lowered;
	[smem:$0x3FD2] =	sst s25  }
0xa6: {  	s5 =	sshll.u32 s26, $0x1;
	_ =	strace $0x8000004F;
	[dreg:$0x1] =	wrdreg $0xFFFFFFFF  }
0xa7: {  	s28 =	simm.s32 $_size_execute0_lowered;
	s3 =	sadd.s32 s3, s5;
	[dreg:$0x0] =	wrdreg $0x0  }
0xa8: {  	s5 =	sshll.u32 s28, $0x1;
	[dreg:$0x2] =	wrdreg s3  }
0xa9: {  	[dreg:$0x3] =	wrdreg s5  }
0xaa: {  	[dreg:$0x4] =	wrdreg $0xC0  }
0xab: {  	_ =	task [dreg:s7], $0x5FFFF  }
0xac: {  	[dreg:$0x1] =	wrdreg $0xFFFFFFFF  }
0xad: {  	[dreg:$0x0] =	wrdreg $0x60  }
0xae: {  	[dreg:$0x2] =	wrdreg s24  }
0xaf: {  	[dreg:$0x3] =	wrdreg s2  }
0xb0: {  	[dreg:$0x4] =	wrdreg $0xB0000  }
0xb1: {  	[dreg:$0x5] =	wrdreg $0x9  }
0xb2: {  	_ =	task.clear_ibuf [dreg:s7], $0x6FFFF;
	_ =	strace $0x9000004F  }
0xb3: {  	s29 =	simm.s32 $0x9;
	_ =	strace $0x80000051  }
0xb4: {  	_ =	swait.ge [sflag:s29], $0x1  }
0xb5: {  	[sflag:s29] =	ssyncadd.s32 $0xFFFFFFFF  }
0xb6: {  	_ =	strace $0x90000051  }
0xb7: {  	_ =	sfence  }
0xb8: {  	s30 =	sld [smem:$0x0];
	_ =	sdelay $0x2  }
0xb9: {  	s31 =	sshll.u32 s1, $0xD;
	s1 =	sshrl.u32 s1, $0x2  }
0xba: {  	s3 =	sand.u32 $0x4000, s31;
	s1 =	sadd.s32 s1, s30  }
0xbb: {  	s0 =	sor.u32 s3, s0;
	s1 =	sshll.u32 s1, $0x11  }
0xbc: {  	s0 =	sor.u32 s1, s0  }
0xbd: {  	s0 =	sadd.s32 $0x8F2B, s0  }
0xbe: {  	[sflag:s0] =	ssyncadd.remote.s32 $0x1  }
0xbf: {  	_ =	sfence.sel $0xFFFF  }
0xc0: {  	[dreg:$0x0] =	wrdreg $0xFFFFFFFF;
	(pc) =	sbr.abs _section_cstart, $3  }
0xc1: {  	[dreg:$0x1] =	wrdreg $0xFFFFFFFF  }
0xc2: {  	_ =	task.clear_ibuf [dreg:s7], $0x2FFFF;
	_ =	strace $0x9FFFFFFF  }
0xc3: {  	(tm) =	ssettm $0x7FFFFFFF  }
tec
execute0_lowered:
.L_overlay_start_1:
0x0: {  	(tag) =	ssettag $0x1  }
0x1: {  	s6 =	rddreg [dreg:$0x0]  }
0x2: {  	s2 =	rddreg [dreg:$0x1]  }
0x3: {  	s3 =	rddreg [dreg:$0x2]  }
0x4: {  	s0 =	rddreg [dreg:$0x3]  }
0x5: {  	s5 =	srdreg.scid;
	s1 =	stileid.u32;
	s4 =	simm.s32 $0x0  }
0x6: {  	s20 =	simm.s32 $0x100;
	s21 =	simm.s32 $0x3000;
	s22 =	simm.s32 $0x0  }
0x7: {  	s7 =	sand.u32 $0x1, s5;
	s8 =	smul.u32 $0x14000, s1;
	[smem:$0x7FF] =	sst s4  }
0x8: {  	s5 =	sadd.s32 $0x3F400, s6;
	s10 =	sadd.s32 $0xD200, s6;
	s11 =	sadd.s32 $0x3200, s6  }
0x9: {  	s13 =	smul.u32 $0x50000, s1;
	s25 =	sshll.u32 s1, $0x1;
	s29 =	sshll.u32 s1, $0x6  }
0xa: {  	s9 =	smul.u32 $0x140000, s7;
	_ =	strace $0x80000050;
	s12 =	ssub.s32 $0x2, s7  }
0xb: {  	s26 =	sor.u32 s7, s25;
	s24 =	sshrl.u32 s12, $0x1;
	s28 =	sshrl.u32 s13, $0x2  }
0xc: {  	s30 =	smul.u32 $0x2800, s26;
	s15 =	sadd.s32 s8, s3;
	s9 =	sadd.s32 s8, s9  }
0xd: {  	s12 =	ssub.s32 s12, s24;
	s7 =	sadd.s32 s28, s3;
	s9 =	sshrl.u32 s9, $0x3  }
0xe: {  	s16 =	sadd.s32 $0x4000, s7;
	s17 =	sadd.s32 $0x8000, s7;
	s18 =	sadd.s32 $0xC000, s7  }
0xf: {  	s31 =	sshrl.u32 s30, $0x3;
	s19 =	sadd.s32 $0x10000, s7;
	s12 =	smax.u32 s12, $0x1  }
0x10: {  	s14 =	sadd.s32 s9, s6;
	s6 =	sor.u32 $0x1C01, s29;
	s13 =	sadd.s32 $0x200, s31  }
0x11: {  	s7 =	sadd.s32 s10, s31;
	s8 =	sadd.s32 s11, s31;
	s9 =	sadd.s32 s10, s13  }
0x12: {  	s10 =	sadd.s32 s11, s13;
	s11 =	sadd.s32 $0x67400, s14;
	s13 =	sshrl.u32 s15, $0x3  }
0x13: {  	s14 =	simm.s32 $0x1;
	s15 =	sshrl.u32 s16, $0x3;
	s16 =	sshrl.u32 s17, $0x3  }
0x14: {  	s17 =	sshrl.u32 s18, $0x3;
	s18 =	sshrl.u32 s19, $0x3;
	s19 =	simm.s32 $0x1800  }
.LBB2_1:
0x15: {  	[spmem:s13], [sflag:s6] =	dma.local [hbm:s2], $0x800  }
0x16: {  	_ =	swait.ge [sflag:s14], $0x800  }
0x17: {  	[sflag:s14] =	ssyncset.done $0x0  }
0x18: {  	[sflag:s14] =	ssyncadd.s32 $0xFFFFF800  }
0x19: {  	[spmem:s15], [sflag:s6] =	dma.local [hbm:s2], $0x800  }
0x1a: {  	_ =	swait.ge [sflag:s14], $0x800  }
0x1b: {  	[sflag:s14] =	ssyncset.done $0x0  }
0x1c: {  	[sflag:s14] =	ssyncadd.s32 $0xFFFFF800  }
0x1d: {  	[spmem:s16], [sflag:s6] =	dma.local [hbm:s2], $0x800  }
0x1e: {  	_ =	swait.ge [sflag:s14], $0x800  }
0x1f: {  	[sflag:s14] =	ssyncset.done $0x0  }
0x20: {  	[sflag:s14] =	ssyncadd.s32 $0xFFFFF800  }
0x21: {  	[spmem:s17], [sflag:s6] =	dma.local [hbm:s2], $0x800  }
0x22: {  	_ =	swait.ge [sflag:s14], $0x800  }
0x23: {  	[sflag:s14] =	ssyncset.done $0x0  }
0x24: {  	[sflag:s14] =	ssyncadd.s32 $0xFFFFF800  }
0x25: {  	[spmem:s18], [sflag:s6] =	dma.local [hbm:s2], $0x800  }
0x26: {  	_ =	swait.ge [sflag:s14], $0x800  }
0x27: {  	[sflag:s14] =	ssyncset.done $0x0  }
0x28: {  	[sflag:s14] =	ssyncadd.s32 $0xFFFFF800  }
0x29: {  	[bflag:$0x0] =	sbarrier.arrive $0xFFFF  }
0x2a: {  	[tilespmem:s4], [sflag:$0x1] =	stream.linear.gather [hbm4b:s7+s4], $0x1800, $0x38;
	[tilespmem:$0x1F000] =	vst v63  }
0x2b: {  	_ =	swait.ge [sflag:s14], $0x1800  }
0x2c: {  	[sflag:s14] =	ssyncset.done $0x0  }
0x2d: {  	[sflag:s14] =	ssyncadd.s32 $0xFFFFE800  }
0x2e: {  	[tilespmem:s19], [sflag:$0x1] =	stream.linear.gather [hbm4b:s8+s4], $0x1800, $0x38;
	[tilespmem:$0x1F000] =	vst v63  }
0x2f: {  	_ =	swait.ge [sflag:s14], $0x1800  }
0x30: {  	[sflag:s14] =	ssyncset.done $0x0  }
0x31: {  	s23 =	simm.s32 $0x0;
	[sflag:s14] =	ssyncadd.s32 $0xFFFFE800  }
0x32: {  	[tilespmem:s21], [sflag:$0x1] =	stream.indirect.gather [hbm4b:s5+s20], $0x80, s23, s20, $0xb8;
	[tilespmem:$0x1F000] =	vst v63  }
0x33: {  	_ =	swait.ge [sflag:s14], $0x8000  }
0x34: {  	[sflag:s14] =	ssyncset.done $0x0  }
0x35: {  	s31 =	simm.s32 $0x1800;
	[sflag:s14] =	ssyncadd.s32 $0xFFFF8000  }
0x36: {  	[spmem:s3] =	stream.indirect.scatter.add.f32 [tilespmem:s21], [sflag:$0x1], $0x80, s31, s20, $0xb8;
	[tilespmem:$0x1F000] =	vst v63  }
0x37: {  	_ =	swait.ge [sflag:s14], $0x8000  }
0x38: {  	s24 =	simm.s32 $0x800;
	s23 =	simm.s32 $0x400;
	[sflag:s14] =	ssyncset.done $0x0  }
.LBB2_2:
0x39: {  	s25 =	sshra.s32 s23, $0x2  }
0x3a: {  	[sflag:s14] =	ssyncadd.s32 $0xFFFF8000;
	s23 =	smov.u32 s24;
	s26 =	sadd.s32 $0x400, s24  }
0x3b: {  	[tilespmem:s21], [sflag:$0x1] =	stream.indirect.gather [hbm4b:s5+s20], $0x80, s25, s20, $0xb8;
	[tilespmem:$0x1F000] =	vst v63  }
0x3c: {  	p0 =	sne.s32 s24, $0x5C00;
	_ =	swait.ge [sflag:s14], $0x8000  }
.Ltmp0:
0x3d: {  	[sflag:s14] =	ssyncset.done $0x0;
	(pc) =	sbr.rel @p0 .LBB2_2-.Ltmp0, $4  }
0x3e: {  	s24 =	sadd.s32 $0x1800, s25;
	[sflag:s14] =	ssyncadd.s32 $0xFFFF8000  }
0x3f: {  	[spmem:s3] =	stream.indirect.scatter.add.f32 [tilespmem:s21], [sflag:$0x1], $0x80, s24, s20, $0xb8;
	[tilespmem:$0x1F000] =	vst v63  }
0x40: {  	_ =	swait.ge [sflag:s14], $0x8000  }
0x41: {  	s24 =	smov.u32 s26;
	[sflag:s14] =	ssyncset.done $0x0  }
0x42: {  	s23 =	sshra.s32 s23, $0x2;
	[sflag:s14] =	ssyncadd.s32 $0xFFFF8000  }
0x43: {  	[tilespmem:s21], [sflag:$0x1] =	stream.indirect.gather [hbm4b:s5+s20], $0x80, s23, s20, $0xb8;
	[tilespmem:$0x1F000] =	vst v63  }
0x44: {  	_ =	swait.ge [sflag:s14], $0x8000  }
0x45: {  	[sflag:s14] =	ssyncset.done $0x0  }
0x46: {  	s23 =	sadd.s32 $0x1800, s23;
	[sflag:s14] =	ssyncadd.s32 $0xFFFF8000  }
0x47: {  	[spmem:s3] =	stream.indirect.scatter.add.f32 [tilespmem:s21], [sflag:$0x1], $0x80, s23, s20, $0xb8;
	[tilespmem:$0x1F000] =	vst v63  }
0x48: {  	_ =	swait.ge [sflag:s14], $0x8000  }
0x49: {  	[sflag:s14] =	ssyncset.done $0x0  }
0x4a: {  	s29 =	simm.s32 $0x0;
	[sflag:s14] =	ssyncadd.s32 $0xFFFF8000  }
0x4b: {  	[tilespmem:s29], [sflag:$0x1] =	stream.linear.gather [hbm4b:s9+s29], $0x1800, $0x38;
	[tilespmem:$0x1F000] =	vst v63  }
0x4c: {  	_ =	swait.ge [sflag:s14], $0x1800  }
0x4d: {  	[sflag:s14] =	ssyncset.done $0x0  }
0x4e: {  	[sflag:s14] =	ssyncadd.s32 $0xFFFFE800  }
0x4f: {  	[tilespmem:s19], [sflag:$0x1] =	stream.linear.gather [hbm4b:s10+s29], $0x1800, $0x38;
	[tilespmem:$0x1F000] =	vst v63  }
0x50: {  	_ =	swait.ge [sflag:s14], $0x1800  }
0x51: {  	[sflag:s14] =	ssyncset.done $0x0  }
0x52: {  	s30 =	simm.s32 $0x800;
	[sflag:s14] =	ssyncadd.s32 $0xFFFFE800  }
0x53: {  	[tilespmem:s21], [sflag:$0x1] =	stream.indirect.gather [hbm4b:s5+s20], $0x80, s30, s20, $0xb8;
	[tilespmem:$0x1F000] =	vst v63  }
0x54: {  	_ =	swait.ge [sflag:s14], $0x8000  }
0x55: {  	[sflag:s14] =	ssyncset.done $0x0  }
0x56: {  	s31 =	simm.s32 $0x2000;
	[sflag:s14] =	ssyncadd.s32 $0xFFFF8000  }
0x57: {  	[spmem:s3] =	stream.indirect.scatter.add.f32 [tilespmem:s21], [sflag:$0x1], $0x80, s31, s20, $0xb8;
	[tilespmem:$0x1F000] =	vst v63  }
0x58: {  	_ =	swait.ge [sflag:s14], $0x8000  }
0x59: {  	s24 =	simm.s32 $0x800;
	s23 =	simm.s32 $0x100;
	[sflag:s14] =	ssyncset.done $0x0  }
.LBB2_4:
0x5a: {  	s25 =	sadd.s32 $0x800, s23  }
0x5b: {  	[sflag:s14] =	ssyncadd.s32 $0xFFFF8000;
	s26 =	smov.u32 s24;
	s28 =	sadd.s32 $0x400, s24  }
0x5c: {  	[tilespmem:s21], [sflag:$0x1] =	stream.indirect.gather [hbm4b:s5+s20], $0x80, s25, s20, $0xb8;
	[tilespmem:$0x1F000] =	vst v63  }
0x5d: {  	p0 =	sne.s32 s24, $0x3C00;
	_ =	swait.ge [sflag:s14], $0x8000  }
.Ltmp1:
0x5e: {  	[sflag:s14] =	ssyncset.done $0x0;
	(pc) =	sbr.rel @p0 .LBB2_4-.Ltmp1, $4  }
0x5f: {  	s23 =	sadd.s32 $0x2000, s23;
	[sflag:s14] =	ssyncadd.s32 $0xFFFF8000  }
0x60: {  	[spmem:s3] =	stream.indirect.scatter.add.f32 [tilespmem:s21], [sflag:$0x1], $0x80, s23, s20, $0xb8;
	[tilespmem:$0x1F000] =	vst v63  }
0x61: {  	_ =	swait.ge [sflag:s14], $0x8000  }
0x62: {  	s24 =	smov.u32 s28;
	s23 =	sshra.s32 s26, $0x2;
	[sflag:s14] =	ssyncset.done $0x0  }
0x63: {  	s24 =	sadd.s32 $0x800, s23;
	[sflag:s14] =	ssyncadd.s32 $0xFFFF8000  }
0x64: {  	[tilespmem:s21], [sflag:$0x1] =	stream.indirect.gather [hbm4b:s5+s20], $0x80, s24, s20, $0xb8;
	[tilespmem:$0x1F000] =	vst v63  }
0x65: {  	_ =	swait.ge [sflag:s14], $0x8000  }
0x66: {  	[sflag:s14] =	ssyncset.done $0x0  }
0x67: {  	s31 =	sadd.s32 $0x2000, s23;
	[sflag:s14] =	ssyncadd.s32 $0xFFFF8000  }
0x68: {  	[spmem:s3] =	stream.indirect.scatter.add.f32 [tilespmem:s21], [sflag:$0x1], $0x80, s31, s20, $0xb8;
	[tilespmem:$0x1F000] =	vst v63  }
0x69: {  	_ =	swait.ge [sflag:s14], $0x8000  }
0x6a: {  	s22 =	sadd.s32 $0x1, s22;
	[sflag:s14] =	ssyncset.done $0x0  }
0x6b: {  	p0 =	sne.s32 s22, s12;
	[sflag:s14] =	ssyncadd.s32 $0xFFFF8000  }
.Ltmp2:
0x6c: {  	[bflag:$0x0] =	sbarrier.arrive $0xFFFF;
	(pc) =	sbr.rel @p0 .LBB2_1-.Ltmp2, $4  }
0x6d: {  	[hbm:s11], [sflag:s6] =	dma.local [spmem:s13], $0x2800  }
0x6e: {  	_ =	swait.ge [sflag:s14], $0x2800  }
0x6f: {  	[sflag:s14] =	ssyncset.done $0x0  }
0x70: {  	[sflag:s14] =	ssyncadd.s32 $0xFFFFD800  }
0x71: {  	_ =	sfence.sel $0x180000  }
0x72: {  	[bflag:$0x0] =	sbarrier.arrive $0xFFFF  }
0x73: {  	p0 =	sne.s32 s1, $0x0;
	_ =	strace $0x90000050  }
0x74: {  	s0 =	sadd.s32 @!p0 $0x100000, s0;
	[bflag:$0x2] =	sbarrier.arrive $0xFFFF  }
0x75: {  	[sflag:s0] =	ssyncadd.tile.s32 @!p0 $0x1;
	_ =	shalt  }
.Lfunc_end2:
_tile_overlayer_lowered:
.L_overlay_start_2:
0x76: {  	(tag) =	ssettag $0x2  }
0x77: {  	s0 =	rddreg [dreg:$0x0];
	s2 =	stileid.u32  }
0x78: {  	s1 =	rddreg [dreg:$0x1];
	p0 =	sne.s32 s2, $0x0  }
0x79: {  	s3 =	rddreg [dreg:$0x2];
	[bflag:$0x3] =	sbarrier.arrive $0xFFFF;
	s2 =	simm.s32 @!p0 $0x1C01  }
0x7a: {  	[timem:s3], [sflag:s2] =	dma.local @!p0 [hbm:s0], s1  }
0x7b: {  	s0 =	simm.s32 @!p0 $0x1  }
0x7c: {  	_ =	swait.ge @!p0 [sflag:s0], s1  }
0x7d: {  	s1 =	ssub.s32 @!p0 $0x0, s1;
	[sflag:s0] =	ssyncset.done @!p0 $0x0  }
0x7e: {  	[sflag:s0] =	ssyncadd.s32 @!p0 s1  }
0x7f: {  	[bflag:$0x3] =	sbarrier.arrive $0xFFFF  }
0x80: {  	_ =	shalt  }

// kernel: kernel.24.cloned.1.call-start
scs
__scs_entry_jumppad:
0x0: {  	(pc) =	sbr.rel $0x88, $3  }
0x1: {  	(tag) =	ssettag $0x0;
	lr =	simm.s32 $0x1  }
0x2: {  	[smem:$0x3F98] =	sst lr;
	_ =	strace $0xD0000000  }
0x3: {  	_ = 	snop  }
0x4: {  	_ = 	snop  }
0x5: {  	_ = 	snop  }
0x6: {  	_ = 	snop  }
0x7: {  	_ = 	snop  }
__scs_overlays_trampoline_lowered:
0x8: {  	[smem:$0x3FA7] =	sst s0  }
0x9: {  	[smem:$0x3FA8] =	sst s1  }
0xa: {  	[smem:$0x3FA9] =	sst s2  }
0xb: {  	[smem:$0x3FAA] =	sst s3  }
0xc: {  	[smem:$0x3FAB] =	sst s4  }
0xd: {  	[smem:$0x3FAC] =	sst s5  }
0xe: {  	[smem:$0x3FAD] =	sst s6  }
0xf: {  	[smem:$0x3FAE] =	sst s7  }
0x10: {  	[smem:$0x3FAF] =	sst s8  }
0x11: {  	[smem:$0x3FB0] =	sst s9;
	s0 =	simm.s32 @!p0 $0x0  }
0x12: {  	s1 =	sld [smem:$0x3F96];
	s0 =	simm.s32 @p0 $0x1  }
0x13: {  	[smem:$0x3FB1] =	sst s0;
	s0 =	simm.s32 @!p1 $0x0  }
0x14: {  	s2 =	sld [smem:$0x3F95];
	s0 =	simm.s32 @p1 $0x1  }
0x15: {  	[smem:$0x3FB2] =	sst s0;
	s0 =	simm.s32 @!p2 $0x0  }
0x16: {  	s3 =	sld [smem:$0x3FDB];
	s0 =	simm.s32 @p2 $0x1  }
0x17: {  	s4 =	simm.s32 $0x1BF5;
	[smem:$0x3FB4] =	sst s0  }
0x18: {  	s0 =	sld [smem:$0x3F97];
	_ =	swait.ge [sflag:s4], $0x0  }
0x19: {  	s7 =	sld [smem:$0x3F98]  }
0x1a: {  	s8 =	sadd.s32 $0xFFFFE003, lr  }
0x1b: {  	s9 =	sadd.s32 $0xFFFFFEF7, lr;
	s5 =	simm.s32 $0xFFFFFFFF;
	p2 =	slt.u32 s8, $0xFFFFF086  }
0x1c: {  	p1 =	slt.u32 s9, $0xF7A;
	s5 =	simm.s32 @!p2 $0x0  }
0x1d: {  	s5 =	simm.s32 @p1 $0x1;
	p0 =	seq.s32 s7, s2  }
0x1e: {  	s7 =	smul.u32 @!p0 $0xF7A, s2;
	p2 =	seq.s32 @!p0 s5, $0x0  }
0x1f: {  	s9 =	smul.u32 $0xF7A, s1;
	s8 =	simm.s32 @!p0 $0x1BF5;
	p2 =	por !p2, p0  }
0x20: {  	[sflag:s8] =	ssyncset.s32 @!p0 $0xFFFFF086;
	s6 =	sadd.s32 @!p0 s3, s7;
	s7 =	simm.s32 @!p0 $0x108  }
0x21: {  	s3 =	sadd.s32 s3, s9;
	s6 =	sadd.s32 @!p0 $0x88, s6;
	s7 =	simm.s32 @p2 $0x1082  }
0x22: {  	[simem:s7], [sflag:s8] =	dma.local @!p0 [hbm:s6], $0xF7A  }
0x23: {  	s9 =	sor.u32 $0xD0000000, s2;
	s6 =	simm.s32 $0x108;
	_ =	swait.ge @!p0 [sflag:s8], $0x0  }
0x24: {  	s3 =	sadd.s32 $0x88, s3;
	s6 =	simm.s32 @!p1 $0x1082;
	[sflag:s4] =	ssyncset.s32 $0xFFFFF086  }
0x25: {  	[simem:s6], [sflag:s4] =	dma.local [hbm:s3], $0xF7A  }
0x26: {  	[smem:$0x3F98] =	sst s1;
	(tag) =	ssettag s2;
	_ =	strace s9  }
0x27: {  	s1 =	sld [smem:$0x3FA8]  }
0x28: {  	s2 =	sld [smem:$0x3FA9]  }
0x29: {  	s4 =	sld [smem:$0x3FAB]  }
0x2a: {  	p0 =	seq.s32 s5, $0x0;
	s5 =	sld [smem:$0x3FAC]  }
0x2b: {  	s6 =	sld [smem:$0x3FAD]  }
0x2c: {  	s7 =	sld [smem:$0x3FAE]  }
0x2d: {  	s3 =	simm.s32 $0x108;
	s8 =	sld [smem:$0x3FAF]  }
0x2e: {  	s3 =	simm.s32 @!p0 $0x1082;
	s9 =	sld [smem:$0x3FB0]  }
0x2f: {  	lr =	sadd.s32 s0, s3;
	s0 =	sld [smem:$0x3FA7]  }
0x30: {  	s3 =	sld [smem:$0x3FAA]  }
0x31: {  	[smem:$0x3FB3] =	sst s10  }
0x32: {  	s10 =	sld [smem:$0x3FB1];
	_ =	sdelay $0x3  }
0x33: {  	p0 =	seq.s32 s10, $0x1;
	s10 =	sld [smem:$0x3FB3];
	_ =	sdelay $0x3  }
0x34: {  	[smem:$0x3FB3] =	sst s10  }
0x35: {  	s10 =	sld [smem:$0x3FB2];
	_ =	sdelay $0x3  }
0x36: {  	p1 =	seq.s32 s10, $0x1;
	s10 =	sld [smem:$0x3FB3];
	_ =	sdelay $0x3  }
0x37: {  	[smem:$0x3FB3] =	sst s10  }
0x38: {  	s10 =	sld [smem:$0x3FB4]  }
0x39: {  	_ = 	snop;
	(pc) =	sbr.ind lr, $3  }
0x3a: {  	_ = 	snop  }
0x3b: {  	_ = 	snop  }
0x3c: {  	p2 =	seq.s32 s10, $0x1;
	s10 =	sld [smem:$0x3FB3]  }
0x3d: {  	_ =	shalt  }
0x3e: {  	_ =	shalt  }
0x3f: {  	_ =	shalt  }
0x40: {  	_ =	shalt  }
0x41: {  	_ =	shalt  }
0x42: {  	_ =	shalt  }
0x43: {  	_ =	shalt  }
0x44: {  	_ =	shalt  }
0x45: {  	_ =	shalt  }
0x46: {  	_ =	shalt  }
0x47: {  	_ =	shalt  }
0x48: {  	_ =	shalt  }
0x49: {  	_ =	shalt  }
0x4a: {  	_ =	shalt  }
0x4b: {  	_ =	shalt  }
0x4c: {  	_ =	shalt  }
0x4d: {  	_ =	shalt  }
0x4e: {  	_ =	shalt  }
0x4f: {  	_ =	shalt  }
0x50: {  	_ =	shalt  }
0x51: {  	_ =	shalt  }
0x52: {  	_ =	shalt  }
0x53: {  	_ =	shalt  }
0x54: {  	_ =	shalt  }
0x55: {  	_ =	shalt  }
0x56: {  	_ =	shalt  }
0x57: {  	_ =	shalt  }
0x58: {  	_ =	shalt  }
0x59: {  	_ =	shalt  }
0x5a: {  	_ =	shalt  }
0x5b: {  	_ =	shalt  }
0x5c: {  	_ =	shalt  }
0x5d: {  	_ =	shalt  }
0x5e: {  	_ =	shalt  }
0x5f: {  	_ =	shalt  }
0x60: {  	_ =	shalt  }
0x61: {  	_ =	shalt  }
0x62: {  	_ =	shalt  }
0x63: {  	_ =	shalt  }
0x64: {  	_ =	shalt  }
0x65: {  	_ =	shalt  }
0x66: {  	_ =	shalt  }
0x67: {  	_ =	shalt  }
0x68: {  	_ =	shalt  }
0x69: {  	_ =	shalt  }
0x6a: {  	_ =	shalt  }
0x6b: {  	_ =	shalt  }
0x6c: {  	_ =	shalt  }
0x6d: {  	_ =	shalt  }
0x6e: {  	_ =	shalt  }
0x6f: {  	_ =	shalt  }
0x70: {  	_ =	shalt  }
0x71: {  	_ =	shalt  }
0x72: {  	_ =	shalt  }
0x73: {  	_ =	shalt  }
0x74: {  	_ =	shalt  }
0x75: {  	_ =	shalt  }
0x76: {  	_ =	shalt  }
0x77: {  	_ =	shalt  }
0x78: {  	_ =	shalt  }
0x79: {  	_ =	shalt  }
0x7a: {  	_ =	shalt  }
0x7b: {  	_ =	shalt  }
0x7c: {  	_ =	shalt  }
0x7d: {  	_ =	shalt  }
0x7e: {  	_ =	shalt  }
0x7f: {  	_ =	shalt  }
0x80: {  	_ =	shalt  }
0x81: {  	_ =	shalt  }
0x82: {  	_ =	shalt  }
0x83: {  	_ =	shalt  }
0x84: {  	_ =	shalt  }
0x85: {  	_ =	shalt  }
0x86: {  	_ =	shalt  }
0x87: {  	_ =	shalt  }
.Lfunc_end0:
.L_simem_size_0:
called_computation.4_lowered:
.L_overlay_start_0:
0x88: {  	s2 =	sld [smem:$0x3FD9]  }
0x89: {  	s3 =	sld [smem:$0x3FFE];
	_ =	sdelay $0x1  }
0x8a: {  	s1 =	srdreg.scid  }
0x8b: {  	s0 =	sand.u32 $0x1, s1  }
0x8c: {  	s16 =	sshll.u32 s0, $0xA;
	s2 =	sadd.s32 s3, s2  }
0x8d: {  	s2 =	sadd.s32 s2, s16  }
0x8e: {  	[smem:$0x3FBF] =	sst s2  }
0x8f: {  	_ = 	snop  }
0x90: {  	(tm) =	ssettm $0x1  }
0x91: {  	s17 =	sld [smem:$0x3FFB];
	_ =	sdelay $0x3  }
0x92: {  	_ =	strace s17  }
0x93: {  	s2 =	sld [smem:$0x3FFC];
	_ =	sdelay $0x3  }
0x94: {  	_ =	strace s2  }
0x95: {  	s2 =	sld [smem:$0x3FFD];
	_ =	sdelay $0x3  }
0x96: {  	_ =	strace s2  }
0x97: {  	_ =	strace $0x8FFFFFFF  }
0x98: {  	s18 =	sld [smem:$0x3FDB];
	_ =	sdelay $0x1  }
0x99: {  	s19 =	simm.s32 $_scs_section_size  }
0x9a: {  	s4 =	simm.s32 $_size__tile_overlayer_lowered;
	s5 =	simm.s32 $_tile_overlayer_lowered  }
0x9b: {  	s22 =	simm.s32 $0x1BFF;
	s21 =	sshll.u32 s5, $0x1;
	s2 =	sadd.s32 s19, s18  }
0x9c: {  	s6 =	simm.s32 $0x0;
	s20 =	sshll.u32 s4, $0x1;
	s4 =	sadd.s32 s21, s2  }
0x9d: {  	[timem:s6], [sflag:s22] =	dma.local [hbm:s4], s20  }
0x9e: {  	_ =	swait.ge [sflag:s22], s20  }
0x9f: {  	s3 =	ssub.s32 $0x0, s20;
	[sflag:s22] =	ssyncset.done $0x0  }
0xa0: {  	[sflag:s22] =	ssyncadd.s32 s3;
	_ =	sdelay $0x1  }
0xa1: {  	s23 =	simm.s32 $0x1B8B  }
0xa2: {  	_ =	swait.ge [sflag:s23], $0x1  }
0xa3: {  	[sflag:s23] =	ssyncset.done $0x0  }
0xa4: {  	s25 =	simm.s32 $0x1B8E;
	s24 =	sld [smem:$0x3FFE];
	[sflag:s23] =	ssyncadd.s32 $0xFFFFFFFF  }
0xa5: {  	s26 =	simm.s32 $execute0_lowered;
	[smem:$0x3FD2] =	sst s25  }
0xa6: {  	s4 =	sshll.u32 s26, $0x1;
	_ =	strace $0x80000052;
	[dreg:$0x1] =	wrdreg $0xFFFFFFFF  }
0xa7: {  	s28 =	simm.s32 $_size_execute0_lowered;
	s2 =	sadd.s32 s2, s4;
	[dreg:$0x0] =	wrdreg $0x0  }
0xa8: {  	s4 =	sshll.u32 s28, $0x1;
	[dreg:$0x2] =	wrdreg s2  }
0xa9: {  	[dreg:$0x3] =	wrdreg s4  }
0xaa: {  	[dreg:$0x4] =	wrdreg $0xC0  }
0xab: {  	_ =	task [dreg:s6], $0x5FFFF  }
0xac: {  	[dreg:$0x1] =	wrdreg $0xFFFFFFFF  }
0xad: {  	[dreg:$0x0] =	wrdreg $0x60  }
0xae: {  	[dreg:$0x2] =	wrdreg s24  }
0xaf: {  	[dreg:$0x3] =	wrdreg $0x60000  }
0xb0: {  	[dreg:$0x4] =	wrdreg $0x9  }
0xb1: {  	_ =	task.clear_ibuf [dreg:s6], $0x5FFFF;
	_ =	strace $0x90000052  }
0xb2: {  	s29 =	simm.s32 $0x9;
	_ =	strace $0x80000054  }
0xb3: {  	_ =	swait.ge [sflag:s29], $0x1  }
0xb4: {  	[sflag:s29] =	ssyncadd.s32 $0xFFFFFFFF  }
0xb5: {  	_ =	strace $0x90000054  }
0xb6: {  	_ =	sfence  }
0xb7: {  	s30 =	sld [smem:$0x0];
	_ =	sdelay $0x2  }
0xb8: {  	s31 =	sshll.u32 s1, $0xD;
	s1 =	sshrl.u32 s1, $0x2  }
0xb9: {  	s3 =	sand.u32 $0x4000, s31;
	s1 =	sadd.s32 s1, s30  }
0xba: {  	s0 =	sor.u32 s3, s0;
	s1 =	sshll.u32 s1, $0x11  }
0xbb: {  	s0 =	sor.u32 s1, s0  }
0xbc: {  	s0 =	sadd.s32 $0x8F2B, s0  }
0xbd: {  	[sflag:s0] =	ssyncadd.remote.s32 $0x1  }
0xbe: {  	_ =	sfence.sel $0xFFFF  }
0xbf: {  	[dreg:$0x0] =	wrdreg $0xFFFFFFFF;
	(pc) =	sbr.abs _section_cstart, $3  }
0xc0: {  	[dreg:$0x1] =	wrdreg $0xFFFFFFFF  }
0xc1: {  	_ =	task.clear_ibuf [dreg:s6], $0x2FFFF;
	_ =	strace $0x9FFFFFFF  }
0xc2: {  	(tm) =	ssettm $0x7FFFFFFF  }
0xc3: {  	_ =	shalt  }
tec
execute0_lowered:
.L_overlay_start_1:
0x0: {  	(tag) =	ssettag $0x1  }
0x1: {  	s1 =	srdreg.scid;
	s6 =	rddreg [dreg:$0x0]  }
0x2: {  	s0 =	stileid.u32;
	s2 =	rddreg [dreg:$0x1];
	s3 =	simm.s32 $0x0  }
0x3: {  	s18 =	simm.s32 $0x100;
	s19 =	simm.s32 $0x5000;
	s20 =	simm.s32 $0x0  }
0x4: {  	s5 =	sand.u32 $0x1, s1;
	s24 =	sshll.u32 s0, $0x1;
	s8 =	smul.u32 $0x2800, s0  }
0x5: {  	[smem:$0x7FF] =	sst s3;
	s4 =	sadd.s32 $0x3F400, s6;
	s11 =	smul.u32 $0xA000, s0  }
0x6: {  	s29 =	sshll.u32 s0, $0x6;
	s1 =	sor.u32 s5, s24;
	s9 =	smul.u32 $0x28000, s5  }
0x7: {  	s26 =	ssub.s32 $0x2, s5;
	s5 =	sadd.s32 $0x17200, s6;
	s7 =	smul.u32 $0x500, s1  }
0x8: {  	s1 =	rddreg [dreg:$0x2];
	_ =	strace $0x80000053;
	s28 =	sshrl.u32 s26, $0x1  }
0x9: {  	s30 =	sshrl.u32 s11, $0x2;
	s31 =	sadd.s32 s8, s2;
	s25 =	sadd.s32 s8, s9  }
0xa: {  	s13 =	ssub.s32 s26, s28;
	s10 =	sadd.s32 s7, s6;
	s7 =	sshrl.u32 s25, $0x3  }
0xb: {  	s11 =	sshrl.u32 s31, $0x3;
	s12 =	sadd.s32 s7, s6;
	s7 =	sadd.s32 s30, s2  }
0xc: {  	s6 =	sor.u32 $0x1C01, s29;
	s8 =	sadd.s32 $0x3200, s10;
	s14 =	sadd.s32 $0x800, s7  }
0xd: {  	s15 =	sadd.s32 $0x1000, s7;
	s16 =	sadd.s32 $0x1800, s7;
	s17 =	sadd.s32 $0x2000, s7  }
0xe: {  	s7 =	sadd.s32 $0xD200, s10;
	s9 =	sadd.s32 $0x44400, s12;
	s10 =	smax.u32 s13, $0x1  }
0xf: {  	s12 =	simm.s32 $0x1;
	s13 =	sshrl.u32 s14, $0x3;
	s14 =	sshrl.u32 s15, $0x3  }
0x10: {  	s15 =	sshrl.u32 s16, $0x3;
	s16 =	sshrl.u32 s17, $0x3;
	s17 =	simm.s32 $0x2800  }
.LBB2_1:
0x11: {  	[spmem:s11], [sflag:s6] =	dma.local [hbm:s5], $0x100  }
0x12: {  	_ =	swait.ge [sflag:s12], $0x100  }
0x13: {  	[sflag:s12] =	ssyncset.done $0x0  }
0x14: {  	[sflag:s12] =	ssyncadd.s32 $0xFFFFFF00  }
0x15: {  	[spmem:s13], [sflag:s6] =	dma.local [hbm:s5], $0x100  }
0x16: {  	_ =	swait.ge [sflag:s12], $0x100  }
0x17: {  	[sflag:s12] =	ssyncset.done $0x0  }
0x18: {  	[sflag:s12] =	ssyncadd.s32 $0xFFFFFF00  }
0x19: {  	[spmem:s14], [sflag:s6] =	dma.local [hbm:s5], $0x100  }
0x1a: {  	_ =	swait.ge [sflag:s12], $0x100  }
0x1b: {  	[sflag:s12] =	ssyncset.done $0x0  }
0x1c: {  	[sflag:s12] =	ssyncadd.s32 $0xFFFFFF00  }
0x1d: {  	[spmem:s15], [sflag:s6] =	dma.local [hbm:s5], $0x100  }
0x1e: {  	_ =	swait.ge [sflag:s12], $0x100  }
0x1f: {  	[sflag:s12] =	ssyncset.done $0x0  }
0x20: {  	[sflag:s12] =	ssyncadd.s32 $0xFFFFFF00  }
0x21: {  	[spmem:s16], [sflag:s6] =	dma.local [hbm:s5], $0x100  }
0x22: {  	_ =	swait.ge [sflag:s12], $0x100  }
0x23: {  	[sflag:s12] =	ssyncset.done $0x0  }
0x24: {  	[sflag:s12] =	ssyncadd.s32 $0xFFFFFF00  }
0x25: {  	[bflag:$0x0] =	sbarrier.arrive $0xFFFF  }
0x26: {  	[tilespmem:s3], [sflag:$0x1] =	stream.linear.gather [hbm4b:s7+s3], $0x2800, $0x38;
	[tilespmem:$0x8800] =	vst v63  }
0x27: {  	_ =	swait.ge [sflag:s12], $0x2800  }
0x28: {  	[sflag:s12] =	ssyncset.done $0x0  }
0x29: {  	[sflag:s12] =	ssyncadd.s32 $0xFFFFD800  }
0x2a: {  	[tilespmem:s17], [sflag:$0x1] =	stream.linear.gather [hbm4b:s8+s3], $0x2800, $0x38;
	[tilespmem:$0x8800] =	vst v63  }
0x2b: {  	_ =	swait.ge [sflag:s12], $0x2800  }
0x2c: {  	[sflag:s12] =	ssyncset.done $0x0  }
0x2d: {  	s21 =	simm.s32 $0x0;
	[sflag:s12] =	ssyncadd.s32 $0xFFFFD800  }
0x2e: {  	[tilespmem:s19], [sflag:$0x1] =	stream.indirect.gather [hbm4b:s4+s18], $0x10, s21, s18, $0xb8;
	[tilespmem:$0x8800] =	vst v63  }
0x2f: {  	_ =	swait.ge [sflag:s12], $0x1000  }
0x30: {  	[sflag:s12] =	ssyncset.done $0x0  }
0x31: {  	s31 =	simm.s32 $0x2800;
	[sflag:s12] =	ssyncadd.s32 $0xFFFFF000  }
0x32: {  	[spmem:s2] =	stream.indirect.scatter.add.f32 [tilespmem:s19], [sflag:$0x1], $0x10, s31, s18, $0xb8;
	[tilespmem:$0x8800] =	vst v63  }
0x33: {  	_ =	swait.ge [sflag:s12], $0x1000  }
0x34: {  	s22 =	simm.s32 $0x800;
	s21 =	simm.s32 $0x400;
	[sflag:s12] =	ssyncset.done $0x0  }
.LBB2_2:
0x35: {  	s23 =	sshra.s32 s21, $0x2  }
0x36: {  	[sflag:s12] =	ssyncadd.s32 $0xFFFFF000;
	s21 =	smov.u32 s22;
	s24 =	sadd.s32 $0x400, s22  }
0x37: {  	[tilespmem:s19], [sflag:$0x1] =	stream.indirect.gather [hbm4b:s4+s18], $0x10, s23, s18, $0xb8;
	[tilespmem:$0x8800] =	vst v63  }
0x38: {  	p0 =	sne.s32 s22, $0x9C00;
	_ =	swait.ge [sflag:s12], $0x1000  }
.Ltmp0:
0x39: {  	[sflag:s12] =	ssyncset.done $0x0;
	(pc) =	sbr.rel @p0 .LBB2_2-.Ltmp0, $4  }
0x3a: {  	s22 =	sadd.s32 $0x2800, s23;
	[sflag:s12] =	ssyncadd.s32 $0xFFFFF000  }
0x3b: {  	[spmem:s2] =	stream.indirect.scatter.add.f32 [tilespmem:s19], [sflag:$0x1], $0x10, s22, s18, $0xb8;
	[tilespmem:$0x8800] =	vst v63  }
0x3c: {  	_ =	swait.ge [sflag:s12], $0x1000  }
0x3d: {  	s22 =	smov.u32 s24;
	[sflag:s12] =	ssyncset.done $0x0  }
0x3e: {  	s21 =	sshra.s32 s21, $0x2;
	[sflag:s12] =	ssyncadd.s32 $0xFFFFF000  }
0x3f: {  	[tilespmem:s19], [sflag:$0x1] =	stream.indirect.gather [hbm4b:s4+s18], $0x10, s21, s18, $0xb8;
	[tilespmem:$0x8800] =	vst v63  }
0x40: {  	_ =	swait.ge [sflag:s12], $0x1000  }
0x41: {  	[sflag:s12] =	ssyncset.done $0x0  }
0x42: {  	s21 =	sadd.s32 $0x2800, s21;
	[sflag:s12] =	ssyncadd.s32 $0xFFFFF000  }
0x43: {  	[spmem:s2] =	stream.indirect.scatter.add.f32 [tilespmem:s19], [sflag:$0x1], $0x10, s21, s18, $0xb8;
	[tilespmem:$0x8800] =	vst v63  }
0x44: {  	_ =	swait.ge [sflag:s12], $0x1000  }
0x45: {  	s20 =	sadd.s32 $0x1, s20;
	[sflag:s12] =	ssyncset.done $0x0  }
0x46: {  	p0 =	sne.s32 s20, s10;
	[sflag:s12] =	ssyncadd.s32 $0xFFFFF000  }
.Ltmp1:
0x47: {  	[bflag:$0x0] =	sbarrier.arrive $0xFFFF;
	(pc) =	sbr.rel @p0 .LBB2_1-.Ltmp1, $4  }
0x48: {  	[hbm:s9], [sflag:s6] =	dma.local [spmem:s11], $0x500  }
0x49: {  	_ =	swait.ge [sflag:s12], $0x500  }
0x4a: {  	[sflag:s12] =	ssyncset.done $0x0  }
0x4b: {  	[sflag:s12] =	ssyncadd.s32 $0xFFFFFB00  }
0x4c: {  	_ =	sfence.sel $0x180000  }
0x4d: {  	[bflag:$0x0] =	sbarrier.arrive $0xFFFF  }
0x4e: {  	p0 =	sne.s32 s0, $0x0;
	_ =	strace $0x90000053  }
0x4f: {  	s0 =	sadd.s32 @!p0 $0x100000, s1;
	[bflag:$0x2] =	sbarrier.arrive $0xFFFF  }
0x50: {  	[sflag:s0] =	ssyncadd.tile.s32 @!p0 $0x1;
	_ =	shalt  }
.Lfunc_end2:
_tile_overlayer_lowered:
.L_overlay_start_2:
0x51: {  	(tag) =	ssettag $0x2  }
0x52: {  	s0 =	rddreg [dreg:$0x0];
	s2 =	stileid.u32  }
0x53: {  	s1 =	rddreg [dreg:$0x1];
	p0 =	sne.s32 s2, $0x0  }
0x54: {  	s3 =	rddreg [dreg:$0x2];
	[bflag:$0x3] =	sbarrier.arrive $0xFFFF;
	s2 =	simm.s32 @!p0 $0x1C01  }
0x55: {  	[timem:s3], [sflag:s2] =	dma.local @!p0 [hbm:s0], s1  }
0x56: {  	s0 =	simm.s32 @!p0 $0x1  }
0x57: {  	_ =	swait.ge @!p0 [sflag:s0], s1  }
0x58: {  	s1 =	ssub.s32 @!p0 $0x0, s1;
	[sflag:s0] =	ssyncset.done @!p0 $0x0  }
0x59: {  	[sflag:s0] =	ssyncadd.s32 @!p0 s1  }
0x5a: {  	[bflag:$0x3] =	sbarrier.arrive $0xFFFF  }
0x5b: {  	_ =	shalt  }

</sc_bundles>
